<compile_context>
chip_gen: v7x
topology: tpu7x:2x2x1
jax: 0.10.2.dev20260603
libtpu: 0.0.44.dev20260713+nightly
codegen_flags: <defaults>
</compile_context>

<pallas_src>
import functools
import math

import numpy as np
import jax
import jax.numpy as jnp
from jax import lax
from jax.experimental import pallas as pl
from jax.experimental.pallas import tpu as pltpu
from jax.experimental.pallas import tpu_sc as plsc

_N = 10000
_E = 320000
_K = 10
_F = 16
_NC = 2
_NT = 16
_NW = _NC * _NT
_EPW = _E // _NW
_CH = 128
_G = 8
_NCH = 80
_EPAD = _NCH * _CH
_NP = 10112
_RPT = _NP // _NT


def _bern_to_monomial() -> np.ndarray:
    P = np.zeros((_K + 1, _K + 1), dtype=np.float64)
    for j in range(_K + 1):
        p = np.array([1.0])
        for _ in range(j):
            p = np.convolve(p, np.array([1.0, -1.0]))
        for _ in range(_K - j):
            p = np.convolve(p, np.array([1.0, 1.0]))
        P[j, :] = (math.comb(_K, j) / 2.0 ** _K) * p
    return P


_POLY = _bern_to_monomial()
_POLY_B = np.zeros((_K + 1, _F * _F), dtype=np.float64)
for _j in range(_K + 1):
    for _k in range(_K + 1):
        _POLY_B[_j, _k * _F:(_k + 1) * _F] = _POLY[_j, _k]


def _mlp(x, W1, b1, W2, b2):
    def body(xb, w1b, b1b, w2b, b2b, ob):
        hh = jnp.dot(xb[...], w1b[...], preferred_element_type=jnp.float32)
        hh = jnp.maximum(hh + b1b[...], 0.0)
        ob[...] = jnp.dot(hh, w2b[...], preferred_element_type=jnp.float32) + b2b[...]

    return pl.pallas_call(
        body,
        grid=(10,),
        in_specs=[
            pl.BlockSpec((1000, 128), lambda i: (i, 0)),
            pl.BlockSpec((128, 64), lambda i: (0, 0)),
            pl.BlockSpec((1, 64), lambda i: (0, 0)),
            pl.BlockSpec((64, 16), lambda i: (0, 0)),
            pl.BlockSpec((1, 16), lambda i: (0, 0)),
        ],
        out_specs=pl.BlockSpec((1000, 16), lambda i: (i, 0)),
        out_shape=jax.ShapeDtypeStruct((_N, _F), jnp.float32),
    )(x, W1, b1.reshape(1, -1), W2, b2.reshape(1, -1))


def _log_softmax(acc):
    def body(ib, ob):
        v = ib[...]
        m = jnp.max(v, axis=1, keepdims=True)
        e = jnp.exp(v - m)
        s = jnp.sum(e, axis=1, keepdims=True)
        ob[...] = (v - m) - jnp.log(s)

    return pl.pallas_call(
        body,
        grid=(10,),
        in_specs=[pl.BlockSpec((1000, 16), lambda i: (i, 0))],
        out_specs=pl.BlockSpec((1000, 16), lambda i: (i, 0)),
        out_shape=jax.ShapeDtypeStruct((_N, _F), jnp.float32),
    )(acc)


def _sc_propagate(h_pad, ei4, a_pad):
    mesh = plsc.VectorSubcoreMesh(
        core_axis_name="c", subcore_axis_name="s", num_cores=_NC,
        num_subcores=_NT)

    @functools.partial(
        pl.kernel,
        name="bern_sc_prop",
        compiler_params=pltpu.CompilerParams(
            needs_layout_passes=False, use_tc_tiling_on_sc=False),
        out_type=(jax.ShapeDtypeStruct((_NP, _F), jnp.float32),
                  jax.ShapeDtypeStruct((2, _NC, _NP, _F), jnp.float32)),
        mesh=mesh,
        scratch_types=[
            pltpu.VMEM_SHARED((_NP, _F), jnp.float32),
            pltpu.VMEM_SHARED((_NP, _F), jnp.float32),
            pltpu.VMEM((_NCH, _CH), jnp.int32),
            pltpu.VMEM((_NCH, _CH), jnp.int32),
            pltpu.VMEM((_G, _CH, _F), jnp.float32),
            pltpu.VMEM((_G, _CH, _F), jnp.float32),
            pltpu.VMEM((_CH, _F), jnp.float32),
            pltpu.VMEM((_RPT, _F), jnp.float32),
            pltpu.VMEM((_RPT, _F), jnp.float32),
            pltpu.VMEM((_RPT, _F), jnp.float32),
            pltpu.VMEM((_RPT, _F), jnp.float32),
            pltpu.VMEM((_RPT, _F), jnp.float32),
            pltpu.VMEM((_F, _F), jnp.float32),
            pltpu.SemaphoreType.DMA,
            pltpu.SemaphoreType.DMA,
            pltpu.SemaphoreType.DMA,
            pltpu.SemaphoreType.DMA,
            pltpu.SemaphoreType.REGULAR,
        ],
    )
    def k(h_hbm, ei_hbm, a_hbm, out_hbm, p_hbm,
          q_sp, r_sp, row_vm, col_vm, gbA, gbB, onesb,
          rbuf, pbuf, qbuf, dis1, outl, a_vm,
          semGA, semGB, semSA, semSB, xsem):
        cid = lax.axis_index("c")
        t = lax.axis_index("s")
        w = cid * _NT + t
        base = t * _RPT

        def cross_sync():
            plsc.subcore_barrier()

            @pl.when(t == 0)
            def _():
                pltpu.semaphore_signal(
                    xsem, 1, device_id={"c": 1 - cid, "s": 0})
                pl.semaphore_wait(xsem, 1)
            plsc.subcore_barrier()

        pltpu.sync_copy(ei_hbm.at[0, w], row_vm)
        pltpu.sync_copy(ei_hbm.at[1, w], col_vm)
        pltpu.sync_copy(a_hbm, a_vm)
        onev = jnp.full((_F,), 1.0, dtype=jnp.float32)
        zerov = jnp.zeros((_F,), dtype=jnp.float32)

        def fill_ones(v, c):
            onesb[v] = onev
            return c
        lax.fori_loop(0, _CH, fill_ones, 0)

        def fill_zero(v, c):
            rbuf[v] = zerov
            return c
        lax.fori_loop(0, _RPT, fill_zero, 0)

        pltpu.sync_copy(rbuf, r_sp.at[pl.ds(base, _RPT)])
        plsc.subcore_barrier()

        def deg_body(p, c):
            for i in range(8):
                pltpu.async_copy(
                    onesb, r_sp.at[row_vm.at[8 * p + i]], semSA, add=True)
            for i in range(8):
                pltpu.make_async_copy(
                    onesb, r_sp.at[row_vm.at[0]], semSA).wait()
            return c
        lax.fori_loop(0, _NCH // 8, deg_body, 0)
        plsc.subcore_barrier()
        pltpu.sync_copy(r_sp.at[pl.ds(base, _RPT)],
                        p_hbm.at[0, cid, pl.ds(base, _RPT)])
        cross_sync()

        pltpu.sync_copy(p_hbm.at[0, 0, pl.ds(base, _RPT)], rbuf)
        pltpu.sync_copy(p_hbm.at[0, 1, pl.ds(base, _RPT)], pbuf)
        pltpu.sync_copy(h_hbm.at[pl.ds(base, _RPT)], qbuf)
        a0 = a_vm[0]

        def init_body(v, c):
            d = rbuf[v] + pbuf[v]
            rbuf[v] = zerov
            i = plsc.bitcast(d, jnp.int32)
            i = jnp.int32(0x5F3759DF) - lax.shift_right_logical(i, 1)
            y = plsc.bitcast(i, jnp.float32)
            y = y * (1.5 - 0.5 * d * y * y)
            y = y * (1.5 - 0.5 * d * y * y)
            y = y * (1.5 - 0.5 * d * y * y)
            di = jnp.where(d >= 0.5, y, zerov)
            dis1[v] = di
            hv = qbuf[v]
            outl[v] = a0 * hv
            qbuf[v] = di * hv
            return c
        lax.fori_loop(0, _RPT, init_body, 0)

        pltpu.sync_copy(qbuf, q_sp.at[pl.ds(base, _RPT)])
        pltpu.sync_copy(rbuf, r_sp.at[pl.ds(base, _RPT)])
        plsc.subcore_barrier()

        def fire_gathers(jbase, buf, sem):
            for i in range(_G):
                pltpu.async_copy(q_sp.at[row_vm.at[jbase + i]], buf.at[i], sem)

        def drain_gathers(buf, sem):
            for i in range(_G):
                pltpu.make_async_copy(
                    q_sp.at[row_vm.at[0]], buf.at[i], sem).wait()

        def fire_scatters(jbase, buf, sem):
            for i in range(_G):
                pltpu.async_copy(
                    buf.at[i], r_sp.at[col_vm.at[jbase + i]], sem, add=True)

        def drain_scatters(buf, sem):
            for i in range(_G):
                pltpu.make_async_copy(
                    buf.at[i], r_sp.at[col_vm.at[0]], sem).wait()

        def iter_body(kk, c):
            fire_gathers(0, gbA, semGA)

            def grp(p, cc):
                j = 2 * _G * p
                drain_gathers(gbA, semGA)
                fire_scatters(j, gbA, semSA)

                @pl.when(p > 0)
                def _():
                    drain_scatters(gbB, semSB)
                fire_gathers(j + _G, gbB, semGB)
                drain_gathers(gbB, semGB)
                fire_scatters(j + _G, gbB, semSB)
                drain_scatters(gbA, semSA)

                @pl.when(j + 2 * _G < _NCH)
                def _():
                    fire_gathers(j + 2 * _G, gbA, semGA)
                return cc
            lax.fori_loop(0, _NCH // (2 * _G), grp, 0)
            drain_scatters(gbB, semSB)
            plsc.subcore_barrier()

            par = kk % 2
            pltpu.sync_copy(r_sp.at[pl.ds(base, _RPT)],
                            p_hbm.at[par, cid, pl.ds(base, _RPT)])
            cross_sync()

            pltpu.sync_copy(p_hbm.at[par, 0, pl.ds(base, _RPT)], rbuf)
            pltpu.sync_copy(p_hbm.at[par, 1, pl.ds(base, _RPT)], pbuf)
            ak = a_vm[kk]

            def node(v, cc):
                tv = rbuf[v] + pbuf[v]
                rbuf[v] = zerov
                di = dis1[v]
                outl[v] = outl[v] + (ak * di) * tv
                qbuf[v] = (di * di) * tv
                return cc
            lax.fori_loop(0, _RPT, node, 0)
            pltpu.sync_copy(qbuf, q_sp.at[pl.ds(base, _RPT)])
            pltpu.sync_copy(rbuf, r_sp.at[pl.ds(base, _RPT)])
            plsc.subcore_barrier()
            return c
        lax.fori_loop(1, _K + 1, iter_body, 0)

        @pl.when(cid == 0)
        def _():
            pltpu.sync_copy(outl, out_hbm.at[pl.ds(base, _RPT)])

    return k(h_pad, ei4, a_pad)


def kernel(x, edge_index, W1, b1, W2, b2, temp):
    TEMP = jnp.maximum(temp, 0.0)
    a_pad = (TEMP.astype(jnp.float32)
             @ jnp.asarray(_POLY_B, dtype=jnp.float32)).reshape(_F, _F)

    ei4 = jnp.pad(edge_index.reshape(2, _NW, _EPW),
                  ((0, 0), (0, 0), (0, _EPAD - _EPW)),
                  constant_values=_N).reshape(2, _NW, _NCH, _CH)

    h = _mlp(x, W1, b1, W2, b2)
    h_pad = jnp.pad(h, ((0, _NP - _N), (0, 0)))

    acc, _ = _sc_propagate(h_pad, ei4, a_pad)
    return _log_softmax(acc), TEMP

# --- scband reference (transcript-rebuilt; emitter-appended) ---
"""Pipeline reference for scband-bern-net-21801253994545 (READ-ONLY COPY).

The authoritative reference and input builder live on the scoring server;
editing this copy changes nothing except your own understanding.
"""

import jax, jax.numpy as jnp
import numpy as np
import math

N = 10000
E = 320000
NFEAT = 128
HIDDEN = 64
NCLASS = 16
K = 10


def setup_inputs(seed: int = 0) -> dict:
    key = jax.random.key(seed)
    k1, k2, k3, k4 = jax.random.split(key, 4)
    x = jax.random.normal(k1, (N, NFEAT), dtype=jnp.float32)
    edge_index = jax.random.randint(k2, (2, E), 0, N, dtype=jnp.int32)
    W1 = jax.random.normal(k3, (NFEAT, HIDDEN), dtype=jnp.float32) * (1.0 / math.sqrt(NFEAT))
    b1 = jnp.zeros((HIDDEN,), dtype=jnp.float32)
    W2 = jax.random.normal(k4, (HIDDEN, NCLASS), dtype=jnp.float32) * (1.0 / math.sqrt(HIDDEN))
    b2 = jnp.zeros((NCLASS,), dtype=jnp.float32)
    temp = jnp.ones((K + 1,), dtype=jnp.float32)
    return {"x": x, "edge_index": edge_index, "W1": W1, "b1": b1, "W2": W2, "b2": b2, "temp": temp}


def _prop(z, src, dst, w, n):
    # message: norm.view(-1,1) * x_j ; aggr='add' at dst
    return jax.ops.segment_sum(w[:, None] * z[src], dst, num_segments=n)


def reference(x, edge_index, W1, b1, W2, b2, temp):
    n = x.shape[0]
    row, col = edge_index[0], edge_index[1]

    # MLP (dropout inactive at eval)
    h = jax.nn.relu(x @ W1 + b1)
    h = h @ W2 + b2

    TEMP = jax.nn.relu(temp)

    # get_laplacian(normalization='sym'): L = I - D^{-1/2} A D^{-1/2}
    deg = jax.ops.segment_sum(jnp.ones((row.shape[0],), dtype=h.dtype), row, num_segments=n)
    dis = jnp.where(deg > 0, deg ** -0.5, 0.0)
    w_norm = dis[row] * dis[col]
    loop = jnp.arange(n, dtype=row.dtype)

    # edge_index1 / norm1 : L (off-diag = -w_norm, diag = 1)
    src1 = jnp.concatenate([row, loop])
    dst1 = jnp.concatenate([col, loop])
    norm1 = jnp.concatenate([-w_norm, jnp.ones((n,), dtype=h.dtype)])

    # add_self_loops(edge_index1, -norm1, fill_value=2.0): 2I - L
    src2 = jnp.concatenate([src1, loop])
    dst2 = jnp.concatenate([dst1, loop])
    norm2 = jnp.concatenate([-norm1, 2.0 * jnp.ones((n,), dtype=h.dtype)])

    tmp = [h]
    z = h
    for i in range(K):
        z = _prop(z, src2, dst2, norm2, n)
        tmp.append(z)

    out = (math.comb(K, 0) / 2 ** K) * TEMP[0] * tmp[K]
    for i in range(K):
        z = tmp[K - i - 1]
        z = _prop(z, src1, dst1, norm1, n)
        for j in range(i):
            z = _prop(z, src1, dst1, norm1, n)
        out = out + (math.comb(K, i + 1) / 2 ** K) * TEMP[i + 1] * z

    return jax.nn.log_softmax(out, axis=1), TEMP

if __name__ == "__main__":
    import jax
    _d = setup_inputs()
    print(jax.jit(kernel)(*tuple(_d.values())))

</pallas_src>

<mosaic_0001>
#map = affine_map<(d0, d1) -> (0, 0)>
#map1 = affine_map<(d0, d1) -> (0, 0, 0, 0)>
module attributes {stable_mosaic.version = 14 : i64} {
  func.func @bern_sc_prop(%arg0: i32, %arg1: i32, %arg2: memref<10112x16xf32, #tpu.memory_space<hbm>>, %arg3: memref<2x32x80x128xi32, #tpu.memory_space<hbm>>, %arg4: memref<16x16xf32, #tpu.memory_space<hbm>>, %arg5: memref<10112x16xf32, #tpu.memory_space<hbm>>, %arg6: memref<2x2x10112x16xf32, #tpu.memory_space<hbm>>, %arg7: memref<10112x16xf32, #tpu.memory_space<vmem_shared>>, %arg8: memref<10112x16xf32, #tpu.memory_space<vmem_shared>>, %arg9: memref<80x128xi32, #tpu.memory_space<vmem>>, %arg10: memref<80x128xi32, #tpu.memory_space<vmem>>, %arg11: memref<8x128x16xf32, #tpu.memory_space<vmem>>, %arg12: memref<8x128x16xf32, #tpu.memory_space<vmem>>, %arg13: memref<128x16xf32, #tpu.memory_space<vmem>>, %arg14: memref<632x16xf32, #tpu.memory_space<vmem>>, %arg15: memref<632x16xf32, #tpu.memory_space<vmem>>, %arg16: memref<632x16xf32, #tpu.memory_space<vmem>>, %arg17: memref<632x16xf32, #tpu.memory_space<vmem>>, %arg18: memref<632x16xf32, #tpu.memory_space<vmem>>, %arg19: memref<16x16xf32, #tpu.memory_space<vmem>>, %arg20: memref<!tpu.dma_semaphore, #tpu.memory_space<semaphore_mem>>, %arg21: memref<!tpu.dma_semaphore, #tpu.memory_space<semaphore_mem>>, %arg22: memref<!tpu.dma_semaphore, #tpu.memory_space<semaphore_mem>>, %arg23: memref<!tpu.dma_semaphore, #tpu.memory_space<semaphore_mem>>, %arg24: memref<!tpu.semaphore, #tpu.memory_space<semaphore_mem>>) attributes {dimension_semantics = [#tpu.dimension_semantics<core_parallel>, #tpu.dimension_semantics<subcore_parallel>], iteration_bounds = array<i64: 2, 16>, scalar_prefetch = 0 : i64, scratch_operands = 18 : i64, tpu.core_type = #tpu.core_type<sc_vector_subcore>, window_params = [{transform_indices = #map}, {transform_indices = #map1}, {transform_indices = #map}, {transform_indices = #map}, {transform_indices = #map1}]} {
    %mul3A = arith.constant 16 : i32
    %mul3A_0 = arith.muli %arg0, %mul3A : i32
    %add3A = arith.addi %mul3A_0, %arg1 : i32
    %mul3A_1 = arith.constant 632 : i32
    %mul3A_2 = arith.muli %arg1, %mul3A_1 : i32
    %run_scoped3A = arith.constant 0 : i32
    "tpu.region"() ({
      %run_scoped3A_55 = tpu.sem_alloc : memref<!tpu.dma_semaphore, #tpu.memory_space<semaphore_mem>>
      %dma_start3A = arith.constant 0 : i32
      %dma_start3A_56 = arith.constant 0 : i32
      %dma_start3A_57 = tpu.memref_slice %arg3[%run_scoped3A, %add3A, %dma_start3A, %dma_start3A_56] : memref<2x32x80x128xi32, #tpu.memory_space<hbm>> -> memref<1x1x80x128xi32, #tpu.memory_space<hbm>>
      %dma_start3A_58 = tpu.memref_squeeze %dma_start3A_57 : memref<1x1x80x128xi32, #tpu.memory_space<hbm>> -> memref<80x128xi32, #tpu.memory_space<hbm>>
      %dma_start3A_59 = arith.constant 0 : i32
      %dma_start3A_60 = arith.constant 0 : i32
      %dma_start3A_61 = tpu.memref_slice %arg3[%run_scoped3A, %add3A, %dma_start3A_59, %dma_start3A_60] : memref<2x32x80x128xi32, #tpu.memory_space<hbm>> -> memref<1x1x80x128xi32, #tpu.memory_space<hbm>>
      %dma_start3A_62 = tpu.memref_squeeze %dma_start3A_61 : memref<1x1x80x128xi32, #tpu.memory_space<hbm>> -> memref<80x128xi32, #tpu.memory_space<hbm>>
      tpu.enqueue_dma source(%dma_start3A_62 : memref<80x128xi32, #tpu.memory_space<hbm>>) target(%arg9 : memref<80x128xi32, #tpu.memory_space<vmem>>) target_semaphore(%run_scoped3A_55 : memref<!tpu.dma_semaphore, #tpu.memory_space<semaphore_mem>>)
      %dma_wait3A = arith.constant 0 : i32
      %dma_wait3A_63 = arith.constant 0 : i32
      %dma_wait3A_64 = tpu.memref_slice %arg3[%run_scoped3A, %add3A, %dma_wait3A, %dma_wait3A_63] : memref<2x32x80x128xi32, #tpu.memory_space<hbm>> -> memref<1x1x80x128xi32, #tpu.memory_space<hbm>>
      %dma_wait3A_65 = tpu.memref_squeeze %dma_wait3A_64 : memref<1x1x80x128xi32, #tpu.memory_space<hbm>> -> memref<80x128xi32, #tpu.memory_space<hbm>>
      %dma_wait3A_66 = arith.constant 0 : i32
      %dma_wait3A_67 = arith.constant 0 : i32
      %dma_wait3A_68 = tpu.memref_slice %arg3[%run_scoped3A, %add3A, %dma_wait3A_66, %dma_wait3A_67] : memref<2x32x80x128xi32, #tpu.memory_space<hbm>> -> memref<1x1x80x128xi32, #tpu.memory_space<hbm>>
      %dma_wait3A_69 = tpu.memref_squeeze %dma_wait3A_68 : memref<1x1x80x128xi32, #tpu.memory_space<hbm>> -> memref<80x128xi32, #tpu.memory_space<hbm>>
      tpu.wait_dma2 semaphore(%run_scoped3A_55 : memref<!tpu.dma_semaphore, #tpu.memory_space<semaphore_mem>>) src(%dma_wait3A_69 : memref<80x128xi32, #tpu.memory_space<hbm>>) dst(%arg9 : memref<80x128xi32, #tpu.memory_space<vmem>>)
      tpu.yield
    }) : () -> ()
    %run_scoped3A_3 = arith.constant 1 : i32
    "tpu.region"() ({
      %run_scoped3A_55 = tpu.sem_alloc : memref<!tpu.dma_semaphore, #tpu.memory_space<semaphore_mem>>
      %dma_start3A = arith.constant 0 : i32
      %dma_start3A_56 = arith.constant 0 : i32
      %dma_start3A_57 = tpu.memref_slice %arg3[%run_scoped3A_3, %add3A, %dma_start3A, %dma_start3A_56] : memref<2x32x80x128xi32, #tpu.memory_space<hbm>> -> memref<1x1x80x128xi32, #tpu.memory_space<hbm>>
      %dma_start3A_58 = tpu.memref_squeeze %dma_start3A_57 : memref<1x1x80x128xi32, #tpu.memory_space<hbm>> -> memref<80x128xi32, #tpu.memory_space<hbm>>
      %dma_start3A_59 = arith.constant 0 : i32
      %dma_start3A_60 = arith.constant 0 : i32
      %dma_start3A_61 = tpu.memref_slice %arg3[%run_scoped3A_3, %add3A, %dma_start3A_59, %dma_start3A_60] : memref<2x32x80x128xi32, #tpu.memory_space<hbm>> -> memref<1x1x80x128xi32, #tpu.memory_space<hbm>>
      %dma_start3A_62 = tpu.memref_squeeze %dma_start3A_61 : memref<1x1x80x128xi32, #tpu.memory_space<hbm>> -> memref<80x128xi32, #tpu.memory_space<hbm>>
      tpu.enqueue_dma source(%dma_start3A_62 : memref<80x128xi32, #tpu.memory_space<hbm>>) target(%arg10 : memref<80x128xi32, #tpu.memory_space<vmem>>) target_semaphore(%run_scoped3A_55 : memref<!tpu.dma_semaphore, #tpu.memory_space<semaphore_mem>>)
      %dma_wait3A = arith.constant 0 : i32
      %dma_wait3A_63 = arith.constant 0 : i32
      %dma_wait3A_64 = tpu.memref_slice %arg3[%run_scoped3A_3, %add3A, %dma_wait3A, %dma_wait3A_63] : memref<2x32x80x128xi32, #tpu.memory_space<hbm>> -> memref<1x1x80x128xi32, #tpu.memory_space<hbm>>
      %dma_wait3A_65 = tpu.memref_squeeze %dma_wait3A_64 : memref<1x1x80x128xi32, #tpu.memory_space<hbm>> -> memref<80x128xi32, #tpu.memory_space<hbm>>
      %dma_wait3A_66 = arith.constant 0 : i32
      %dma_wait3A_67 = arith.constant 0 : i32
      %dma_wait3A_68 = tpu.memref_slice %arg3[%run_scoped3A_3, %add3A, %dma_wait3A_66, %dma_wait3A_67] : memref<2x32x80x128xi32, #tpu.memory_space<hbm>> -> memref<1x1x80x128xi32, #tpu.memory_space<hbm>>
      %dma_wait3A_69 = tpu.memref_squeeze %dma_wait3A_68 : memref<1x1x80x128xi32, #tpu.memory_space<hbm>> -> memref<80x128xi32, #tpu.memory_space<hbm>>
      tpu.wait_dma2 semaphore(%run_scoped3A_55 : memref<!tpu.dma_semaphore, #tpu.memory_space<semaphore_mem>>) src(%dma_wait3A_69 : memref<80x128xi32, #tpu.memory_space<hbm>>) dst(%arg10 : memref<80x128xi32, #tpu.memory_space<vmem>>)
      tpu.yield
    }) : () -> ()
    "tpu.region"() ({
      %run_scoped3A_55 = tpu.sem_alloc : memref<!tpu.dma_semaphore, #tpu.memory_space<semaphore_mem>>
      tpu.enqueue_dma source(%arg4 : memref<16x16xf32, #tpu.memory_space<hbm>>) target(%arg19 : memref<16x16xf32, #tpu.memory_space<vmem>>) target_semaphore(%run_scoped3A_55 : memref<!tpu.dma_semaphore, #tpu.memory_space<semaphore_mem>>)
      tpu.wait_dma2 semaphore(%run_scoped3A_55 : memref<!tpu.dma_semaphore, #tpu.memory_space<semaphore_mem>>) src(%arg4 : memref<16x16xf32, #tpu.memory_space<hbm>>) dst(%arg19 : memref<16x16xf32, #tpu.memory_space<vmem>>)
      tpu.yield
    }) : () -> ()
    %broadcast_in_dim3A = arith.constant 1.000000e+00 : f32
    %broadcast_in_dim3A_4 = vector.broadcast %broadcast_in_dim3A : f32 to vector<16xf32>
    %broadcast_in_dim3A_5 = arith.constant 0.000000e+00 : f32
    %broadcast_in_dim3A_6 = vector.broadcast %broadcast_in_dim3A_5 : f32 to vector<16xf32>
    %scan3A = arith.constant 0 : i32
    %scan3A_7 = arith.constant 0 : i32
    %scan3A_8 = arith.constant 128 : i32
    %scan3A_9 = arith.addi %scan3A_7, %scan3A_8 : i32
    %scan3A_10 = arith.constant 1 : i32
    scf.for %scan3A_55 = %scan3A_7 to %scan3A_9 step %scan3A_10  : i32 {
      %swap3A = arith.index_cast %scan3A_55 : i32 to index
      %swap3A_56 = arith.constant 0 : index
      %swap3A_57 = tpu.vector_load %arg13[%swap3A, %swap3A_56] {strides = array<i32>} : memref<128x16xf32, #tpu.memory_space<vmem>>, vector<16xf32>,
      tpu.vector_store %arg13[%swap3A, %swap3A_56], %broadcast_in_dim3A_4 {strides = array<i32>} : memref<128x16xf32, #tpu.memory_space<vmem>>, vector<16xf32>,
    }
    %scan3A_11 = arith.constant 128 : i32
    %scan3A_12 = arith.constant 0 : i32
    %scan3A_13 = arith.constant 0 : i32
    %scan3A_14 = arith.constant 632 : i32
    %scan3A_15 = arith.addi %scan3A_13, %scan3A_14 : i32
    %scan3A_16 = arith.constant 1 : i32
    scf.for %scan3A_55 = %scan3A_13 to %scan3A_15 step %scan3A_16  : i32 {
      %swap3A = arith.index_cast %scan3A_55 : i32 to index
      %swap3A_56 = arith.constant 0 : index
      %swap3A_57 = tpu.vector_load %arg14[%swap3A, %swap3A_56] {strides = array<i32>} : memref<632x16xf32, #tpu.memory_space<vmem>>, vector<16xf32>,
      tpu.vector_store %arg14[%swap3A, %swap3A_56], %broadcast_in_dim3A_6 {strides = array<i32>} : memref<632x16xf32, #tpu.memory_space<vmem>>, vector<16xf32>,
    }
    %scan3A_17 = arith.constant 632 : i32
    "tpu.region"() ({
      %run_scoped3A_55 = tpu.sem_alloc : memref<!tpu.dma_semaphore, #tpu.memory_space<semaphore_mem>>
      %dma_start3A = arith.constant 0 : i32
      %dma_start3A_56 = tpu.memref_slice %arg8[%mul3A_2, %dma_start3A] : memref<10112x16xf32, #tpu.memory_space<vmem_shared>> -> memref<632x16xf32, #tpu.memory_space<vmem_shared>>
      %dma_start3A_57 = arith.constant 0 : i32
      %dma_start3A_58 = tpu.memref_slice %arg8[%mul3A_2, %dma_start3A_57] : memref<10112x16xf32, #tpu.memory_space<vmem_shared>> -> memref<632x16xf32, #tpu.memory_space<vmem_shared>>
      tpu.enqueue_dma source(%arg14 : memref<632x16xf32, #tpu.memory_space<vmem>>) target(%dma_start3A_58 : memref<632x16xf32, #tpu.memory_space<vmem_shared>>) target_semaphore(%run_scoped3A_55 : memref<!tpu.dma_semaphore, #tpu.memory_space<semaphore_mem>>)
      %dma_wait3A = arith.constant 0 : i32
      %dma_wait3A_59 = tpu.memref_slice %arg8[%mul3A_2, %dma_wait3A] : memref<10112x16xf32, #tpu.memory_space<vmem_shared>> -> memref<632x16xf32, #tpu.memory_space<vmem_shared>>
      %dma_wait3A_60 = arith.constant 0 : i32
      %dma_wait3A_61 = tpu.memref_slice %arg8[%mul3A_2, %dma_wait3A_60] : memref<10112x16xf32, #tpu.memory_space<vmem_shared>> -> memref<632x16xf32, #tpu.memory_space<vmem_shared>>
      tpu.wait_dma2 semaphore(%run_scoped3A_55 : memref<!tpu.dma_semaphore, #tpu.memory_space<semaphore_mem>>) src(%arg14 : memref<632x16xf32, #tpu.memory_space<vmem>>) dst(%dma_wait3A_61 : memref<632x16xf32, #tpu.memory_space<vmem_shared>>)
      tpu.yield
    }) : () -> ()
    %barrier3A = arith.constant 0 : index
    tpu.barrier barrier_id(%barrier3A)
    %scan3A_18 = arith.constant 0 : i32
    %scan3A_19 = arith.constant 0 : i32
    %scan3A_20 = arith.constant 10 : i32
    %scan3A_21 = arith.addi %scan3A_19, %scan3A_20 : i32
    %scan3A_22 = arith.constant 1 : i32
    scf.for %scan3A_55 = %scan3A_19 to %scan3A_21 step %scan3A_22  : i32 {
      %mul3A_56 = arith.constant 8 : i32
      %mul3A_57 = arith.muli %mul3A_56, %scan3A_55 : i32
      %add3A_58 = arith.constant 0 : i32
      %add3A_59 = arith.addi %mul3A_57, %add3A_58 : i32
      %dma_start3A = arith.constant 0 : i32
      %dma_start3A_60 = tpu.memref_slice %arg9[%add3A_59, %dma_start3A] : memref<80x128xi32, #tpu.memory_space<vmem>> -> memref<1x128xi32, #tpu.memory_space<vmem>>
      %dma_start3A_61 = tpu.memref_squeeze %dma_start3A_60 : memref<1x128xi32, #tpu.memory_space<vmem>> -> memref<128xi32, #tpu.memory_space<vmem>>
      %dma_start3A_62 = arith.constant 0 : i32
      %dma_start3A_63 = arith.constant 0 : i32
      %dma_start3A_64 = tpu.memref_slice %arg8[%dma_start3A_62, %dma_start3A_63] : memref<10112x16xf32, #tpu.memory_space<vmem_shared>> -> memref<10112x16xf32, #tpu.memory_space<vmem_shared>>
      tpu.enqueue_indirect_dma source(%arg13 : memref<128x16xf32, #tpu.memory_space<vmem>>) target(%dma_start3A_64 : memref<10112x16xf32, #tpu.memory_space<vmem_shared>>) offsets(%dma_start3A_61 : memref<128xi32, #tpu.memory_space<vmem>>) semaphore(%arg22 : memref<!tpu.dma_semaphore, #tpu.memory_space<semaphore_mem>>) {add = true}
      %mul3A_65 = arith.constant 8 : i32
      %mul3A_66 = arith.muli %mul3A_65, %scan3A_55 : i32
      %add3A_67 = arith.constant 1 : i32
      %add3A_68 = arith.addi %mul3A_66, %add3A_67 : i32
      %dma_start3A_69 = arith.constant 0 : i32
      %dma_start3A_70 = tpu.memref_slice %arg9[%add3A_68, %dma_start3A_69] : memref<80x128xi32, #tpu.memory_space<vmem>> -> memref<1x128xi32, #tpu.memory_space<vmem>>
      %dma_start3A_71 = tpu.memref_squeeze %dma_start3A_70 : memref<1x128xi32, #tpu.memory_space<vmem>> -> memref<128xi32, #tpu.memory_space<vmem>>
      %dma_start3A_72 = arith.constant 0 : i32
      %dma_start3A_73 = arith.constant 0 : i32
      %dma_start3A_74 = tpu.memref_slice %arg8[%dma_start3A_72, %dma_start3A_73] : memref<10112x16xf32, #tpu.memory_space<vmem_shared>> -> memref<10112x16xf32, #tpu.memory_space<vmem_shared>>
      tpu.enqueue_indirect_dma source(%arg13 : memref<128x16xf32, #tpu.memory_space<vmem>>) target(%dma_start3A_74 : memref<10112x16xf32, #tpu.memory_space<vmem_shared>>) offsets(%dma_start3A_71 : memref<128xi32, #tpu.memory_space<vmem>>) semaphore(%arg22 : memref<!tpu.dma_semaphore, #tpu.memory_space<semaphore_mem>>) {add = true}
      %mul3A_75 = arith.constant 8 : i32
      %mul3A_76 = arith.muli %mul3A_75, %scan3A_55 : i32
      %add3A_77 = arith.constant 2 : i32
      %add3A_78 = arith.addi %mul3A_76, %add3A_77 : i32
      %dma_start3A_79 = arith.constant 0 : i32
      %dma_start3A_80 = tpu.memref_slice %arg9[%add3A_78, %dma_start3A_79] : memref<80x128xi32, #tpu.memory_space<vmem>> -> memref<1x128xi32, #tpu.memory_space<vmem>>
      %dma_start3A_81 = tpu.memref_squeeze %dma_start3A_80 : memref<1x128xi32, #tpu.memory_space<vmem>> -> memref<128xi32, #tpu.memory_space<vmem>>
      %dma_start3A_82 = arith.constant 0 : i32
      %dma_start3A_83 = arith.constant 0 : i32
      %dma_start3A_84 = tpu.memref_slice %arg8[%dma_start3A_82, %dma_start3A_83] : memref<10112x16xf32, #tpu.memory_space<vmem_shared>> -> memref<10112x16xf32, #tpu.memory_space<vmem_shared>>
      tpu.enqueue_indirect_dma source(%arg13 : memref<128x16xf32, #tpu.memory_space<vmem>>) target(%dma_start3A_84 : memref<10112x16xf32, #tpu.memory_space<vmem_shared>>) offsets(%dma_start3A_81 : memref<128xi32, #tpu.memory_space<vmem>>) semaphore(%arg22 : memref<!tpu.dma_semaphore, #tpu.memory_space<semaphore_mem>>) {add = true}
      %mul3A_85 = arith.constant 8 : i32
      %mul3A_86 = arith.muli %mul3A_85, %scan3A_55 : i32
      %add3A_87 = arith.constant 3 : i32
      %add3A_88 = arith.addi %mul3A_86, %add3A_87 : i32
      %dma_start3A_89 = arith.constant 0 : i32
      %dma_start3A_90 = tpu.memref_slice %arg9[%add3A_88, %dma_start3A_89] : memref<80x128xi32, #tpu.memory_space<vmem>> -> memref<1x128xi32, #tpu.memory_space<vmem>>
      %dma_start3A_91 = tpu.memref_squeeze %dma_start3A_90 : memref<1x128xi32, #tpu.memory_space<vmem>> -> memref<128xi32, #tpu.memory_space<vmem>>
      %dma_start3A_92 = arith.constant 0 : i32
      %dma_start3A_93 = arith.constant 0 : i32
      %dma_start3A_94 = tpu.memref_slice %arg8[%dma_start3A_92, %dma_start3A_93] : memref<10112x16xf32, #tpu.memory_space<vmem_shared>> -> memref<10112x16xf32, #tpu.memory_space<vmem_shared>>
      tpu.enqueue_indirect_dma source(%arg13 : memref<128x16xf32, #tpu.memory_space<vmem>>) target(%dma_start3A_94 : memref<10112x16xf32, #tpu.memory_space<vmem_shared>>) offsets(%dma_start3A_91 : memref<128xi32, #tpu.memory_space<vmem>>) semaphore(%arg22 : memref<!tpu.dma_semaphore, #tpu.memory_space<semaphore_mem>>) {add = true}
      %mul3A_95 = arith.constant 8 : i32
      %mul3A_96 = arith.muli %mul3A_95, %scan3A_55 : i32
      %add3A_97 = arith.constant 4 : i32
      %add3A_98 = arith.addi %mul3A_96, %add3A_97 : i32
      %dma_start3A_99 = arith.constant 0 : i32
      %dma_start3A_100 = tpu.memref_slice %arg9[%add3A_98, %dma_start3A_99] : memref<80x128xi32, #tpu.memory_space<vmem>> -> memref<1x128xi32, #tpu.memory_space<vmem>>
      %dma_start3A_101 = tpu.memref_squeeze %dma_start3A_100 : memref<1x128xi32, #tpu.memory_space<vmem>> -> memref<128xi32, #tpu.memory_space<vmem>>
      %dma_start3A_102 = arith.constant 0 : i32
      %dma_start3A_103 = arith.constant 0 : i32
      %dma_start3A_104 = tpu.memref_slice %arg8[%dma_start3A_102, %dma_start3A_103] : memref<10112x16xf32, #tpu.memory_space<vmem_shared>> -> memref<10112x16xf32, #tpu.memory_space<vmem_shared>>
      tpu.enqueue_indirect_dma source(%arg13 : memref<128x16xf32, #tpu.memory_space<vmem>>) target(%dma_start3A_104 : memref<10112x16xf32, #tpu.memory_space<vmem_shared>>) offsets(%dma_start3A_101 : memref<128xi32, #tpu.memory_space<vmem>>) semaphore(%arg22 : memref<!tpu.dma_semaphore, #tpu.memory_space<semaphore_mem>>) {add = true}
      %mul3A_105 = arith.constant 8 : i32
      %mul3A_106 = arith.muli %mul3A_105, %scan3A_55 : i32
      %add3A_107 = arith.constant 5 : i32
      %add3A_108 = arith.addi %mul3A_106, %add3A_107 : i32
      %dma_start3A_109 = arith.constant 0 : i32
      %dma_start3A_110 = tpu.memref_slice %arg9[%add3A_108, %dma_start3A_109] : memref<80x128xi32, #tpu.memory_space<vmem>> -> memref<1x128xi32, #tpu.memory_space<vmem>>
      %dma_start3A_111 = tpu.memref_squeeze %dma_start3A_110 : memref<1x128xi32, #tpu.memory_space<vmem>> -> memref<128xi32, #tpu.memory_space<vmem>>
      %dma_start3A_112 = arith.constant 0 : i32
      %dma_start3A_113 = arith.constant 0 : i32
      %dma_start3A_114 = tpu.memref_slice %arg8[%dma_start3A_112, %dma_start3A_113] : memref<10112x16xf32, #tpu.memory_space<vmem_shared>> -> memref<10112x16xf32, #tpu.memory_space<vmem_shared>>
      tpu.enqueue_indirect_dma source(%arg13 : memref<128x16xf32, #tpu.memory_space<vmem>>) target(%dma_start3A_114 : memref<10112x16xf32, #tpu.memory_space<vmem_shared>>) offsets(%dma_start3A_111 : memref<128xi32, #tpu.memory_space<vmem>>) semaphore(%arg22 : memref<!tpu.dma_semaphore, #tpu.memory_space<semaphore_mem>>) {add = true}
      %mul3A_115 = arith.constant 8 : i32
      %mul3A_116 = arith.muli %mul3A_115, %scan3A_55 : i32
      %add3A_117 = arith.constant 6 : i32
      %add3A_118 = arith.addi %mul3A_116, %add3A_117 : i32
      %dma_start3A_119 = arith.constant 0 : i32
      %dma_start3A_120 = tpu.memref_slice %arg9[%add3A_118, %dma_start3A_119] : memref<80x128xi32, #tpu.memory_space<vmem>> -> memref<1x128xi32, #tpu.memory_space<vmem>>
      %dma_start3A_121 = tpu.memref_squeeze %dma_start3A_120 : memref<1x128xi32, #tpu.memory_space<vmem>> -> memref<128xi32, #tpu.memory_space<vmem>>
      %dma_start3A_122 = arith.constant 0 : i32
      %dma_start3A_123 = arith.constant 0 : i32
      %dma_start3A_124 = tpu.memref_slice %arg8[%dma_start3A_122, %dma_start3A_123] : memref<10112x16xf32, #tpu.memory_space<vmem_shared>> -> memref<10112x16xf32, #tpu.memory_space<vmem_shared>>
      tpu.enqueue_indirect_dma source(%arg13 : memref<128x16xf32, #tpu.memory_space<vmem>>) target(%dma_start3A_124 : memref<10112x16xf32, #tpu.memory_space<vmem_shared>>) offsets(%dma_start3A_121 : memref<128xi32, #tpu.memory_space<vmem>>) semaphore(%arg22 : memref<!tpu.dma_semaphore, #tpu.memory_space<semaphore_mem>>) {add = true}
      %mul3A_125 = arith.constant 8 : i32
      %mul3A_126 = arith.muli %mul3A_125, %scan3A_55 : i32
      %add3A_127 = arith.constant 7 : i32
      %add3A_128 = arith.addi %mul3A_126, %add3A_127 : i32
      %dma_start3A_129 = arith.constant 0 : i32
      %dma_start3A_130 = tpu.memref_slice %arg9[%add3A_128, %dma_start3A_129] : memref<80x128xi32, #tpu.memory_space<vmem>> -> memref<1x128xi32, #tpu.memory_space<vmem>>
      %dma_start3A_131 = tpu.memref_squeeze %dma_start3A_130 : memref<1x128xi32, #tpu.memory_space<vmem>> -> memref<128xi32, #tpu.memory_space<vmem>>
      %dma_start3A_132 = arith.constant 0 : i32
      %dma_start3A_133 = arith.constant 0 : i32
      %dma_start3A_134 = tpu.memref_slice %arg8[%dma_start3A_132, %dma_start3A_133] : memref<10112x16xf32, #tpu.memory_space<vmem_shared>> -> memref<10112x16xf32, #tpu.memory_space<vmem_shared>>
      tpu.enqueue_indirect_dma source(%arg13 : memref<128x16xf32, #tpu.memory_space<vmem>>) target(%dma_start3A_134 : memref<10112x16xf32, #tpu.memory_space<vmem_shared>>) offsets(%dma_start3A_131 : memref<128xi32, #tpu.memory_space<vmem>>) semaphore(%arg22 : memref<!tpu.dma_semaphore, #tpu.memory_space<semaphore_mem>>) {add = true}
      %dma_wait3A = arith.constant 0 : i32
      %dma_wait3A_135 = arith.constant 0 : i32
      %dma_wait3A_136 = tpu.memref_slice %arg9[%dma_wait3A, %dma_wait3A_135] : memref<80x128xi32, #tpu.memory_space<vmem>> -> memref<1x128xi32, #tpu.memory_space<vmem>>
      %dma_wait3A_137 = tpu.memref_squeeze %dma_wait3A_136 : memref<1x128xi32, #tpu.memory_space<vmem>> -> memref<128xi32, #tpu.memory_space<vmem>>
      %dma_wait3A_138 = arith.constant 0 : i32
      %dma_wait3A_139 = arith.constant 0 : i32
      %dma_wait3A_140 = tpu.memref_slice %arg8[%dma_wait3A_138, %dma_wait3A_139] : memref<10112x16xf32, #tpu.memory_space<vmem_shared>> -> memref<10112x16xf32, #tpu.memory_space<vmem_shared>>
      tpu.wait_indirect_dma semaphore(%arg22 : memref<!tpu.dma_semaphore, #tpu.memory_space<semaphore_mem>>) src(%arg13 : memref<128x16xf32, #tpu.memory_space<vmem>>) dst(%dma_wait3A_140 : memref<10112x16xf32, #tpu.memory_space<vmem_shared>>)
      %dma_wait3A_141 = arith.constant 0 : i32
      %dma_wait3A_142 = arith.constant 0 : i32
      %dma_wait3A_143 = tpu.memref_slice %arg9[%dma_wait3A_141, %dma_wait3A_142] : memref<80x128xi32, #tpu.memory_space<vmem>> -> memref<1x128xi32, #tpu.memory_space<vmem>>
      %dma_wait3A_144 = tpu.memref_squeeze %dma_wait3A_143 : memref<1x128xi32, #tpu.memory_space<vmem>> -> memref<128xi32, #tpu.memory_space<vmem>>
      %dma_wait3A_145 = arith.constant 0 : i32
      %dma_wait3A_146 = arith.constant 0 : i32
      %dma_wait3A_147 = tpu.memref_slice %arg8[%dma_wait3A_145, %dma_wait3A_146] : memref<10112x16xf32, #tpu.memory_space<vmem_shared>> -> memref<10112x16xf32, #tpu.memory_space<vmem_shared>>
      tpu.wait_indirect_dma semaphore(%arg22 : memref<!tpu.dma_semaphore, #tpu.memory_space<semaphore_mem>>) src(%arg13 : memref<128x16xf32, #tpu.memory_space<vmem>>) dst(%dma_wait3A_147 : memref<10112x16xf32, #tpu.memory_space<vmem_shared>>)
      %dma_wait3A_148 = arith.constant 0 : i32
      %dma_wait3A_149 = arith.constant 0 : i32
      %dma_wait3A_150 = tpu.memref_slice %arg9[%dma_wait3A_148, %dma_wait3A_149] : memref<80x128xi32, #tpu.memory_space<vmem>> -> memref<1x128xi32, #tpu.memory_space<vmem>>
      %dma_wait3A_151 = tpu.memref_squeeze %dma_wait3A_150 : memref<1x128xi32, #tpu.memory_space<vmem>> -> memref<128xi32, #tpu.memory_space<vmem>>
      %dma_wait3A_152 = arith.constant 0 : i32
      %dma_wait3A_153 = arith.constant 0 : i32
      %dma_wait3A_154 = tpu.memref_slice %arg8[%dma_wait3A_152, %dma_wait3A_153] : memref<10112x16xf32, #tpu.memory_space<vmem_shared>> -> memref<10112x16xf32, #tpu.memory_space<vmem_shared>>
      tpu.wait_indirect_dma semaphore(%arg22 : memref<!tpu.dma_semaphore, #tpu.memory_space<semaphore_mem>>) src(%arg13 : memref<128x16xf32, #tpu.memory_space<vmem>>) dst(%dma_wait3A_154 : memref<10112x16xf32, #tpu.memory_space<vmem_shared>>)
      %dma_wait3A_155 = arith.constant 0 : i32
      %dma_wait3A_156 = arith.constant 0 : i32
      %dma_wait3A_157 = tpu.memref_slice %arg9[%dma_wait3A_155, %dma_wait3A_156] : memref<80x128xi32, #tpu.memory_space<vmem>> -> memref<1x128xi32, #tpu.memory_space<vmem>>
      %dma_wait3A_158 = tpu.memref_squeeze %dma_wait3A_157 : memref<1x128xi32, #tpu.memory_space<vmem>> -> memref<128xi32, #tpu.memory_space<vmem>>
      %dma_wait3A_159 = arith.constant 0 : i32
      %dma_wait3A_160 = arith.constant 0 : i32
      %dma_wait3A_161 = tpu.memref_slice %arg8[%dma_wait3A_159, %dma_wait3A_160] : memref<10112x16xf32, #tpu.memory_space<vmem_shared>> -> memref<10112x16xf32, #tpu.memory_space<vmem_shared>>
      tpu.wait_indirect_dma semaphore(%arg22 : memref<!tpu.dma_semaphore, #tpu.memory_space<semaphore_mem>>) src(%arg13 : memref<128x16xf32, #tpu.memory_space<vmem>>) dst(%dma_wait3A_161 : memref<10112x16xf32, #tpu.memory_space<vmem_shared>>)
      %dma_wait3A_162 = arith.constant 0 : i32
      %dma_wait3A_163 = arith.constant 0 : i32
      %dma_wait3A_164 = tpu.memref_slice %arg9[%dma_wait3A_162, %dma_wait3A_163] : memref<80x128xi32, #tpu.memory_space<vmem>> -> memref<1x128xi32, #tpu.memory_space<vmem>>
      %dma_wait3A_165 = tpu.memref_squeeze %dma_wait3A_164 : memref<1x128xi32, #tpu.memory_space<vmem>> -> memref<128xi32, #tpu.memory_space<vmem>>
      %dma_wait3A_166 = arith.constant 0 : i32
      %dma_wait3A_167 = arith.constant 0 : i32
      %dma_wait3A_168 = tpu.memref_slice %arg8[%dma_wait3A_166, %dma_wait3A_167] : memref<10112x16xf32, #tpu.memory_space<vmem_shared>> -> memref<10112x16xf32, #tpu.memory_space<vmem_shared>>
      tpu.wait_indirect_dma semaphore(%arg22 : memref<!tpu.dma_semaphore, #tpu.memory_space<semaphore_mem>>) src(%arg13 : memref<128x16xf32, #tpu.memory_space<vmem>>) dst(%dma_wait3A_168 : memref<10112x16xf32, #tpu.memory_space<vmem_shared>>)
      %dma_wait3A_169 = arith.constant 0 : i32
      %dma_wait3A_170 = arith.constant 0 : i32
      %dma_wait3A_171 = tpu.memref_slice %arg9[%dma_wait3A_169, %dma_wait3A_170] : memref<80x128xi32, #tpu.memory_space<vmem>> -> memref<1x128xi32, #tpu.memory_space<vmem>>
      %dma_wait3A_172 = tpu.memref_squeeze %dma_wait3A_171 : memref<1x128xi32, #tpu.memory_space<vmem>> -> memref<128xi32, #tpu.memory_space<vmem>>
      %dma_wait3A_173 = arith.constant 0 : i32
      %dma_wait3A_174 = arith.constant 0 : i32
      %dma_wait3A_175 = tpu.memref_slice %arg8[%dma_wait3A_173, %dma_wait3A_174] : memref<10112x16xf32, #tpu.memory_space<vmem_shared>> -> memref<10112x16xf32, #tpu.memory_space<vmem_shared>>
      tpu.wait_indirect_dma semaphore(%arg22 : memref<!tpu.dma_semaphore, #tpu.memory_space<semaphore_mem>>) src(%arg13 : memref<128x16xf32, #tpu.memory_space<vmem>>) dst(%dma_wait3A_175 : memref<10112x16xf32, #tpu.memory_space<vmem_shared>>)
      %dma_wait3A_176 = arith.constant 0 : i32
      %dma_wait3A_177 = arith.constant 0 : i32
      %dma_wait3A_178 = tpu.memref_slice %arg9[%dma_wait3A_176, %dma_wait3A_177] : memref<80x128xi32, #tpu.memory_space<vmem>> -> memref<1x128xi32, #tpu.memory_space<vmem>>
      %dma_wait3A_179 = tpu.memref_squeeze %dma_wait3A_178 : memref<1x128xi32, #tpu.memory_space<vmem>> -> memref<128xi32, #tpu.memory_space<vmem>>
      %dma_wait3A_180 = arith.constant 0 : i32
      %dma_wait3A_181 = arith.constant 0 : i32
      %dma_wait3A_182 = tpu.memref_slice %arg8[%dma_wait3A_180, %dma_wait3A_181] : memref<10112x16xf32, #tpu.memory_space<vmem_shared>> -> memref<10112x16xf32, #tpu.memory_space<vmem_shared>>
      tpu.wait_indirect_dma semaphore(%arg22 : memref<!tpu.dma_semaphore, #tpu.memory_space<semaphore_mem>>) src(%arg13 : memref<128x16xf32, #tpu.memory_space<vmem>>) dst(%dma_wait3A_182 : memref<10112x16xf32, #tpu.memory_space<vmem_shared>>)
      %dma_wait3A_183 = arith.constant 0 : i32
      %dma_wait3A_184 = arith.constant 0 : i32
      %dma_wait3A_185 = tpu.memref_slice %arg9[%dma_wait3A_183, %dma_wait3A_184] : memref<80x128xi32, #tpu.memory_space<vmem>> -> memref<1x128xi32, #tpu.memory_space<vmem>>
      %dma_wait3A_186 = tpu.memref_squeeze %dma_wait3A_185 : memref<1x128xi32, #tpu.memory_space<vmem>> -> memref<128xi32, #tpu.memory_space<vmem>>
      %dma_wait3A_187 = arith.constant 0 : i32
      %dma_wait3A_188 = arith.constant 0 : i32
      %dma_wait3A_189 = tpu.memref_slice %arg8[%dma_wait3A_187, %dma_wait3A_188] : memref<10112x16xf32, #tpu.memory_space<vmem_shared>> -> memref<10112x16xf32, #tpu.memory_space<vmem_shared>>
      tpu.wait_indirect_dma semaphore(%arg22 : memref<!tpu.dma_semaphore, #tpu.memory_space<semaphore_mem>>) src(%arg13 : memref<128x16xf32, #tpu.memory_space<vmem>>) dst(%dma_wait3A_189 : memref<10112x16xf32, #tpu.memory_space<vmem_shared>>)
    }
    %scan3A_23 = arith.constant 10 : i32
    %barrier3A_24 = arith.constant 0 : index
    tpu.barrier barrier_id(%barrier3A_24)
    %run_scoped3A_25 = arith.constant 0 : i32
    "tpu.region"() ({
      %run_scoped3A_55 = tpu.sem_alloc : memref<!tpu.dma_semaphore, #tpu.memory_space<semaphore_mem>>
      %dma_start3A = arith.constant 0 : i32
      %dma_start3A_56 = tpu.memref_slice %arg6[%run_scoped3A_25, %arg0, %mul3A_2, %dma_start3A] : memref<2x2x10112x16xf32, #tpu.memory_space<hbm>> -> memref<1x1x632x16xf32, #tpu.memory_space<hbm>>
      %dma_start3A_57 = tpu.memref_squeeze %dma_start3A_56 : memref<1x1x632x16xf32, #tpu.memory_space<hbm>> -> memref<632x16xf32, #tpu.memory_space<hbm>>
      %dma_start3A_58 = arith.constant 0 : i32
      %dma_start3A_59 = tpu.memref_slice %arg8[%mul3A_2, %dma_start3A_58] : memref<10112x16xf32, #tpu.memory_space<vmem_shared>> -> memref<632x16xf32, #tpu.memory_space<vmem_shared>>
      tpu.enqueue_dma source(%dma_start3A_59 : memref<632x16xf32, #tpu.memory_space<vmem_shared>>) target(%dma_start3A_57 : memref<632x16xf32, #tpu.memory_space<hbm>>) target_semaphore(%run_scoped3A_55 : memref<!tpu.dma_semaphore, #tpu.memory_space<semaphore_mem>>)
      %dma_wait3A = arith.constant 0 : i32
      %dma_wait3A_60 = tpu.memref_slice %arg6[%run_scoped3A_25, %arg0, %mul3A_2, %dma_wait3A] : memref<2x2x10112x16xf32, #tpu.memory_space<hbm>> -> memref<1x1x632x16xf32, #tpu.memory_space<hbm>>
      %dma_wait3A_61 = tpu.memref_squeeze %dma_wait3A_60 : memref<1x1x632x16xf32, #tpu.memory_space<hbm>> -> memref<632x16xf32, #tpu.memory_space<hbm>>
      %dma_wait3A_62 = arith.constant 0 : i32
      %dma_wait3A_63 = tpu.memref_slice %arg8[%mul3A_2, %dma_wait3A_62] : memref<10112x16xf32, #tpu.memory_space<vmem_shared>> -> memref<632x16xf32, #tpu.memory_space<vmem_shared>>
      tpu.wait_dma2 semaphore(%run_scoped3A_55 : memref<!tpu.dma_semaphore, #tpu.memory_space<semaphore_mem>>) src(%dma_wait3A_63 : memref<632x16xf32, #tpu.memory_space<vmem_shared>>) dst(%dma_wait3A_61 : memref<632x16xf32, #tpu.memory_space<hbm>>)
      tpu.yield
    }) : () -> ()
    %barrier3A_26 = arith.constant 0 : index
    tpu.barrier barrier_id(%barrier3A_26)
    %eq3A = arith.constant 0 : i32
    %eq3A_27 = arith.cmpi eq, %arg1, %eq3A : i32
    %convert_element_type3A = arith.extui %eq3A_27 : i1 to i32
    %cond3A = arith.constant 0 : i32
    %cond3A_28 = arith.cmpi ne, %convert_element_type3A, %cond3A : i32
    scf.if %cond3A_28 {
      %sub3A = arith.constant 1 : i32
      %sub3A_55 = arith.subi %sub3A, %arg0 : i32
      %semaphore_signal3A = arith.constant 1 : i32
      %semaphore_signal3A_56 = arith.constant 0 : i32
      tpu.sem_signal %arg24, %semaphore_signal3A : memref<!tpu.semaphore, #tpu.memory_space<semaphore_mem>>
      %semaphore_wait3A = arith.constant 1 : i32
      %semaphore_wait3A_57 = arith.constant true
      tpu.sem_wait %arg24, %semaphore_wait3A : memref<!tpu.semaphore, #tpu.memory_space<semaphore_mem>>
    } else {
    }
    %barrier3A_29 = arith.constant 0 : index
    tpu.barrier barrier_id(%barrier3A_29)
    %run_scoped3A_30 = arith.constant 0 : i32
    %run_scoped3A_31 = arith.constant 0 : i32
    "tpu.region"() ({
      %run_scoped3A_55 = tpu.sem_alloc : memref<!tpu.dma_semaphore, #tpu.memory_space<semaphore_mem>>
      %dma_start3A = arith.constant 0 : i32
      %dma_start3A_56 = tpu.memref_slice %arg6[%run_scoped3A_30, %run_scoped3A_31, %mul3A_2, %dma_start3A] : memref<2x2x10112x16xf32, #tpu.memory_space<hbm>> -> memref<1x1x632x16xf32, #tpu.memory_space<hbm>>
      %dma_start3A_57 = tpu.memref_squeeze %dma_start3A_56 : memref<1x1x632x16xf32, #tpu.memory_space<hbm>> -> memref<632x16xf32, #tpu.memory_space<hbm>>
      %dma_start3A_58 = arith.constant 0 : i32
      %dma_start3A_59 = tpu.memref_slice %arg6[%run_scoped3A_30, %run_scoped3A_31, %mul3A_2, %dma_start3A_58] : memref<2x2x10112x16xf32, #tpu.memory_space<hbm>> -> memref<1x1x632x16xf32, #tpu.memory_space<hbm>>
      %dma_start3A_60 = tpu.memref_squeeze %dma_start3A_59 : memref<1x1x632x16xf32, #tpu.memory_space<hbm>> -> memref<632x16xf32, #tpu.memory_space<hbm>>
      tpu.enqueue_dma source(%dma_start3A_60 : memref<632x16xf32, #tpu.memory_space<hbm>>) target(%arg14 : memref<632x16xf32, #tpu.memory_space<vmem>>) target_semaphore(%run_scoped3A_55 : memref<!tpu.dma_semaphore, #tpu.memory_space<semaphore_mem>>)
      %dma_wait3A = arith.constant 0 : i32
      %dma_wait3A_61 = tpu.memref_slice %arg6[%run_scoped3A_30, %run_scoped3A_31, %mul3A_2, %dma_wait3A] : memref<2x2x10112x16xf32, #tpu.memory_space<hbm>> -> memref<1x1x632x16xf32, #tpu.memory_space<hbm>>
      %dma_wait3A_62 = tpu.memref_squeeze %dma_wait3A_61 : memref<1x1x632x16xf32, #tpu.memory_space<hbm>> -> memref<632x16xf32, #tpu.memory_space<hbm>>
      %dma_wait3A_63 = arith.constant 0 : i32
      %dma_wait3A_64 = tpu.memref_slice %arg6[%run_scoped3A_30, %run_scoped3A_31, %mul3A_2, %dma_wait3A_63] : memref<2x2x10112x16xf32, #tpu.memory_space<hbm>> -> memref<1x1x632x16xf32, #tpu.memory_space<hbm>>
      %dma_wait3A_65 = tpu.memref_squeeze %dma_wait3A_64 : memref<1x1x632x16xf32, #tpu.memory_space<hbm>> -> memref<632x16xf32, #tpu.memory_space<hbm>>
      tpu.wait_dma2 semaphore(%run_scoped3A_55 : memref<!tpu.dma_semaphore, #tpu.memory_space<semaphore_mem>>) src(%dma_wait3A_65 : memref<632x16xf32, #tpu.memory_space<hbm>>) dst(%arg14 : memref<632x16xf32, #tpu.memory_space<vmem>>)
      tpu.yield
    }) : () -> ()
    %run_scoped3A_32 = arith.constant 0 : i32
    %run_scoped3A_33 = arith.constant 1 : i32
    "tpu.region"() ({
      %run_scoped3A_55 = tpu.sem_alloc : memref<!tpu.dma_semaphore, #tpu.memory_space<semaphore_mem>>
      %dma_start3A = arith.constant 0 : i32
      %dma_start3A_56 = tpu.memref_slice %arg6[%run_scoped3A_32, %run_scoped3A_33, %mul3A_2, %dma_start3A] : memref<2x2x10112x16xf32, #tpu.memory_space<hbm>> -> memref<1x1x632x16xf32, #tpu.memory_space<hbm>>
      %dma_start3A_57 = tpu.memref_squeeze %dma_start3A_56 : memref<1x1x632x16xf32, #tpu.memory_space<hbm>> -> memref<632x16xf32, #tpu.memory_space<hbm>>
      %dma_start3A_58 = arith.constant 0 : i32
      %dma_start3A_59 = tpu.memref_slice %arg6[%run_scoped3A_32, %run_scoped3A_33, %mul3A_2, %dma_start3A_58] : memref<2x2x10112x16xf32, #tpu.memory_space<hbm>> -> memref<1x1x632x16xf32, #tpu.memory_space<hbm>>
      %dma_start3A_60 = tpu.memref_squeeze %dma_start3A_59 : memref<1x1x632x16xf32, #tpu.memory_space<hbm>> -> memref<632x16xf32, #tpu.memory_space<hbm>>
      tpu.enqueue_dma source(%dma_start3A_60 : memref<632x16xf32, #tpu.memory_space<hbm>>) target(%arg15 : memref<632x16xf32, #tpu.memory_space<vmem>>) target_semaphore(%run_scoped3A_55 : memref<!tpu.dma_semaphore, #tpu.memory_space<semaphore_mem>>)
      %dma_wait3A = arith.constant 0 : i32
      %dma_wait3A_61 = tpu.memref_slice %arg6[%run_scoped3A_32, %run_scoped3A_33, %mul3A_2, %dma_wait3A] : memref<2x2x10112x16xf32, #tpu.memory_space<hbm>> -> memref<1x1x632x16xf32, #tpu.memory_space<hbm>>
      %dma_wait3A_62 = tpu.memref_squeeze %dma_wait3A_61 : memref<1x1x632x16xf32, #tpu.memory_space<hbm>> -> memref<632x16xf32, #tpu.memory_space<hbm>>
      %dma_wait3A_63 = arith.constant 0 : i32
      %dma_wait3A_64 = tpu.memref_slice %arg6[%run_scoped3A_32, %run_scoped3A_33, %mul3A_2, %dma_wait3A_63] : memref<2x2x10112x16xf32, #tpu.memory_space<hbm>> -> memref<1x1x632x16xf32, #tpu.memory_space<hbm>>
      %dma_wait3A_65 = tpu.memref_squeeze %dma_wait3A_64 : memref<1x1x632x16xf32, #tpu.memory_space<hbm>> -> memref<632x16xf32, #tpu.memory_space<hbm>>
      tpu.wait_dma2 semaphore(%run_scoped3A_55 : memref<!tpu.dma_semaphore, #tpu.memory_space<semaphore_mem>>) src(%dma_wait3A_65 : memref<632x16xf32, #tpu.memory_space<hbm>>) dst(%arg15 : memref<632x16xf32, #tpu.memory_space<vmem>>)
      tpu.yield
    }) : () -> ()
    "tpu.region"() ({
      %run_scoped3A_55 = tpu.sem_alloc : memref<!tpu.dma_semaphore, #tpu.memory_space<semaphore_mem>>
      %dma_start3A = arith.constant 0 : i32
      %dma_start3A_56 = tpu.memref_slice %arg2[%mul3A_2, %dma_start3A] : memref<10112x16xf32, #tpu.memory_space<hbm>> -> memref<632x16xf32, #tpu.memory_space<hbm>>
      %dma_start3A_57 = arith.constant 0 : i32
      %dma_start3A_58 = tpu.memref_slice %arg2[%mul3A_2, %dma_start3A_57] : memref<10112x16xf32, #tpu.memory_space<hbm>> -> memref<632x16xf32, #tpu.memory_space<hbm>>
      tpu.enqueue_dma source(%dma_start3A_58 : memref<632x16xf32, #tpu.memory_space<hbm>>) target(%arg16 : memref<632x16xf32, #tpu.memory_space<vmem>>) target_semaphore(%run_scoped3A_55 : memref<!tpu.dma_semaphore, #tpu.memory_space<semaphore_mem>>)
      %dma_wait3A = arith.constant 0 : i32
      %dma_wait3A_59 = tpu.memref_slice %arg2[%mul3A_2, %dma_wait3A] : memref<10112x16xf32, #tpu.memory_space<hbm>> -> memref<632x16xf32, #tpu.memory_space<hbm>>
      %dma_wait3A_60 = arith.constant 0 : i32
      %dma_wait3A_61 = tpu.memref_slice %arg2[%mul3A_2, %dma_wait3A_60] : memref<10112x16xf32, #tpu.memory_space<hbm>> -> memref<632x16xf32, #tpu.memory_space<hbm>>
      tpu.wait_dma2 semaphore(%run_scoped3A_55 : memref<!tpu.dma_semaphore, #tpu.memory_space<semaphore_mem>>) src(%dma_wait3A_61 : memref<632x16xf32, #tpu.memory_space<hbm>>) dst(%arg16 : memref<632x16xf32, #tpu.memory_space<vmem>>)
      tpu.yield
    }) : () -> ()
    %get3A = arith.constant 0 : i32
    %get3A_34 = arith.index_cast %get3A : i32 to index
    %get3A_35 = arith.constant 0 : index
    %get3A_36 = tpu.vector_load %arg19[%get3A_34, %get3A_35] {strides = array<i32>} : memref<16x16xf32, #tpu.memory_space<vmem>>, vector<16xf32>,
    %scan3A_37 = arith.constant 0 : i32
    %scan3A_38 = arith.constant 0 : i32
    %scan3A_39 = arith.constant 632 : i32
    %scan3A_40 = arith.addi %scan3A_38, %scan3A_39 : i32
    %scan3A_41 = arith.constant 1 : i32
    scf.for %scan3A_55 = %scan3A_38 to %scan3A_40 step %scan3A_41  : i32 {
      %get3A_56 = arith.index_cast %scan3A_55 : i32 to index
      %get3A_57 = arith.constant 0 : index
      %get3A_58 = tpu.vector_load %arg14[%get3A_56, %get3A_57] {strides = array<i32>} : memref<632x16xf32, #tpu.memory_space<vmem>>, vector<16xf32>,
      %get3A_59 = arith.index_cast %scan3A_55 : i32 to index
      %get3A_60 = arith.constant 0 : index
      %get3A_61 = tpu.vector_load %arg15[%get3A_59, %get3A_60] {strides = array<i32>} : memref<632x16xf32, #tpu.memory_space<vmem>>, vector<16xf32>,
      %add3A_62 = arith.addf %get3A_58, %get3A_61 : vector<16xf32>
      %swap3A = arith.index_cast %scan3A_55 : i32 to index
      %swap3A_63 = arith.constant 0 : index
      %swap3A_64 = tpu.vector_load %arg14[%swap3A, %swap3A_63] {strides = array<i32>} : memref<632x16xf32, #tpu.memory_space<vmem>>, vector<16xf32>,
      tpu.vector_store %arg14[%swap3A, %swap3A_63], %broadcast_in_dim3A_6 {strides = array<i32>} : memref<632x16xf32, #tpu.memory_space<vmem>>, vector<16xf32>,
      %bitcast3A = vector.bitcast %add3A_62 : vector<16xf32> to vector<16xi32>
      %shift_right_logical3A = arith.constant 1 : i32
      %shift_right_logical3A_65 = vector.broadcast %shift_right_logical3A : i32 to vector<16xi32>
      %shift_right_logical3A_66 = arith.shrui %bitcast3A, %shift_right_logical3A_65 : vector<16xi32>
      %sub3A = arith.constant 1597463007 : i32
      %sub3A_67 = vector.broadcast %sub3A : i32 to vector<16xi32>
      %sub3A_68 = arith.subi %sub3A_67, %shift_right_logical3A_66 : vector<16xi32>
      %bitcast3A_69 = vector.bitcast %sub3A_68 : vector<16xi32> to vector<16xf32>
      %mul3A_70 = arith.constant 5.000000e-01 : f32
      %mul3A_71 = vector.broadcast %mul3A_70 : f32 to vector<16xf32>
      %mul3A_72 = arith.mulf %mul3A_71, %add3A_62 : vector<16xf32>
      %mul3A_73 = arith.mulf %mul3A_72, %bitcast3A_69 : vector<16xf32>
      %mul3A_74 = arith.mulf %mul3A_73, %bitcast3A_69 : vector<16xf32>
      %sub3A_75 = arith.constant 1.500000e+00 : f32
      %sub3A_76 = vector.broadcast %sub3A_75 : f32 to vector<16xf32>
      %sub3A_77 = arith.subf %sub3A_76, %mul3A_74 : vector<16xf32>
      %mul3A_78 = arith.mulf %bitcast3A_69, %sub3A_77 : vector<16xf32>
      %mul3A_79 = arith.constant 5.000000e-01 : f32
      %mul3A_80 = vector.broadcast %mul3A_79 : f32 to vector<16xf32>
      %mul3A_81 = arith.mulf %mul3A_80, %add3A_62 : vector<16xf32>
      %mul3A_82 = arith.mulf %mul3A_81, %mul3A_78 : vector<16xf32>
      %mul3A_83 = arith.mulf %mul3A_82, %mul3A_78 : vector<16xf32>
      %sub3A_84 = arith.constant 1.500000e+00 : f32
      %sub3A_85 = vector.broadcast %sub3A_84 : f32 to vector<16xf32>
      %sub3A_86 = arith.subf %sub3A_85, %mul3A_83 : vector<16xf32>
      %mul3A_87 = arith.mulf %mul3A_78, %sub3A_86 : vector<16xf32>
      %mul3A_88 = arith.constant 5.000000e-01 : f32
      %mul3A_89 = vector.broadcast %mul3A_88 : f32 to vector<16xf32>
      %mul3A_90 = arith.mulf %mul3A_89, %add3A_62 : vector<16xf32>
      %mul3A_91 = arith.mulf %mul3A_90, %mul3A_87 : vector<16xf32>
      %mul3A_92 = arith.mulf %mul3A_91, %mul3A_87 : vector<16xf32>
      %sub3A_93 = arith.constant 1.500000e+00 : f32
      %sub3A_94 = vector.broadcast %sub3A_93 : f32 to vector<16xf32>
      %sub3A_95 = arith.subf %sub3A_94, %mul3A_92 : vector<16xf32>
      %mul3A_96 = arith.mulf %mul3A_87, %sub3A_95 : vector<16xf32>
      %ge3A = arith.constant 5.000000e-01 : f32
      %ge3A_97 = vector.broadcast %ge3A : f32 to vector<16xf32>
      %ge3A_98 = arith.cmpf oge, %add3A_62, %ge3A_97 : vector<16xf32>
      %select_n3A = arith.select %ge3A_98, %mul3A_96, %broadcast_in_dim3A_6 : vector<16xi1>, vector<16xf32>
      %swap3A_99 = arith.index_cast %scan3A_55 : i32 to index
      %swap3A_100 = arith.constant 0 : index
      %swap3A_101 = tpu.vector_load %arg17[%swap3A_99, %swap3A_100] {strides = array<i32>} : memref<632x16xf32, #tpu.memory_space<vmem>>, vector<16xf32>,
      tpu.vector_store %arg17[%swap3A_99, %swap3A_100], %select_n3A {strides = array<i32>} : memref<632x16xf32, #tpu.memory_space<vmem>>, vector<16xf32>,
      %get3A_102 = arith.index_cast %scan3A_55 : i32 to index
      %get3A_103 = arith.constant 0 : index
      %get3A_104 = tpu.vector_load %arg16[%get3A_102, %get3A_103] {strides = array<i32>} : memref<632x16xf32, #tpu.memory_space<vmem>>, vector<16xf32>,
      %mul3A_105 = arith.mulf %get3A_36, %get3A_104 : vector<16xf32>
      %swap3A_106 = arith.index_cast %scan3A_55 : i32 to index
      %swap3A_107 = arith.constant 0 : index
      %swap3A_108 = tpu.vector_load %arg18[%swap3A_106, %swap3A_107] {strides = array<i32>} : memref<632x16xf32, #tpu.memory_space<vmem>>, vector<16xf32>,
      tpu.vector_store %arg18[%swap3A_106, %swap3A_107], %mul3A_105 {strides = array<i32>} : memref<632x16xf32, #tpu.memory_space<vmem>>, vector<16xf32>,
      %mul3A_109 = arith.mulf %select_n3A, %get3A_104 : vector<16xf32>
      %swap3A_110 = arith.index_cast %scan3A_55 : i32 to index
      %swap3A_111 = arith.constant 0 : index
      %swap3A_112 = tpu.vector_load %arg16[%swap3A_110, %swap3A_111] {strides = array<i32>} : memref<632x16xf32, #tpu.memory_space<vmem>>, vector<16xf32>,
      tpu.vector_store %arg16[%swap3A_110, %swap3A_111], %mul3A_109 {strides = array<i32>} : memref<632x16xf32, #tpu.memory_space<vmem>>, vector<16xf32>,
    }
    %scan3A_42 = arith.constant 632 : i32
    "tpu.region"() ({
      %run_scoped3A_55 = tpu.sem_alloc : memref<!tpu.dma_semaphore, #tpu.memory_space<semaphore_mem>>
      %dma_start3A = arith.constant 0 : i32
      %dma_start3A_56 = tpu.memref_slice %arg7[%mul3A_2, %dma_start3A] : memref<10112x16xf32, #tpu.memory_space<vmem_shared>> -> memref<632x16xf32, #tpu.memory_space<vmem_shared>>
      %dma_start3A_57 = arith.constant 0 : i32
      %dma_start3A_58 = tpu.memref_slice %arg7[%mul3A_2, %dma_start3A_57] : memref<10112x16xf32, #tpu.memory_space<vmem_shared>> -> memref<632x16xf32, #tpu.memory_space<vmem_shared>>
      tpu.enqueue_dma source(%arg16 : memref<632x16xf32, #tpu.memory_space<vmem>>) target(%dma_start3A_58 : memref<632x16xf32, #tpu.memory_space<vmem_shared>>) target_semaphore(%run_scoped3A_55 : memref<!tpu.dma_semaphore, #tpu.memory_space<semaphore_mem>>)
      %dma_wait3A = arith.constant 0 : i32
      %dma_wait3A_59 = tpu.memref_slice %arg7[%mul3A_2, %dma_wait3A] : memref<10112x16xf32, #tpu.memory_space<vmem_shared>> -> memref<632x16xf32, #tpu.memory_space<vmem_shared>>
      %dma_wait3A_60 = arith.constant 0 : i32
      %dma_wait3A_61 = tpu.memref_slice %arg7[%mul3A_2, %dma_wait3A_60] : memref<10112x16xf32, #tpu.memory_space<vmem_shared>> -> memref<632x16xf32, #tpu.memory_space<vmem_shared>>
      tpu.wait_dma2 semaphore(%run_scoped3A_55 : memref<!tpu.dma_semaphore, #tpu.memory_space<semaphore_mem>>) src(%arg16 : memref<632x16xf32, #tpu.memory_space<vmem>>) dst(%dma_wait3A_61 : memref<632x16xf32, #tpu.memory_space<vmem_shared>>)
      tpu.yield
    }) : () -> ()
    "tpu.region"() ({
      %run_scoped3A_55 = tpu.sem_alloc : memref<!tpu.dma_semaphore, #tpu.memory_space<semaphore_mem>>
      %dma_start3A = arith.constant 0 : i32
      %dma_start3A_56 = tpu.memref_slice %arg8[%mul3A_2, %dma_start3A] : memref<10112x16xf32, #tpu.memory_space<vmem_shared>> -> memref<632x16xf32, #tpu.memory_space<vmem_shared>>
      %dma_start3A_57 = arith.constant 0 : i32
      %dma_start3A_58 = tpu.memref_slice %arg8[%mul3A_2, %dma_start3A_57] : memref<10112x16xf32, #tpu.memory_space<vmem_shared>> -> memref<632x16xf32, #tpu.memory_space<vmem_shared>>
      tpu.enqueue_dma source(%arg14 : memref<632x16xf32, #tpu.memory_space<vmem>>) target(%dma_start3A_58 : memref<632x16xf32, #tpu.memory_space<vmem_shared>>) target_semaphore(%run_scoped3A_55 : memref<!tpu.dma_semaphore, #tpu.memory_space<semaphore_mem>>)
      %dma_wait3A = arith.constant 0 : i32
      %dma_wait3A_59 = tpu.memref_slice %arg8[%mul3A_2, %dma_wait3A] : memref<10112x16xf32, #tpu.memory_space<vmem_shared>> -> memref<632x16xf32, #tpu.memory_space<vmem_shared>>
      %dma_wait3A_60 = arith.constant 0 : i32
      %dma_wait3A_61 = tpu.memref_slice %arg8[%mul3A_2, %dma_wait3A_60] : memref<10112x16xf32, #tpu.memory_space<vmem_shared>> -> memref<632x16xf32, #tpu.memory_space<vmem_shared>>
      tpu.wait_dma2 semaphore(%run_scoped3A_55 : memref<!tpu.dma_semaphore, #tpu.memory_space<semaphore_mem>>) src(%arg14 : memref<632x16xf32, #tpu.memory_space<vmem>>) dst(%dma_wait3A_61 : memref<632x16xf32, #tpu.memory_space<vmem_shared>>)
      tpu.yield
    }) : () -> ()
    %barrier3A_43 = arith.constant 0 : index
    tpu.barrier barrier_id(%barrier3A_43)
    %scan3A_44 = arith.constant 0 : i32
    %scan3A_45 = arith.constant 1 : i32
    %scan3A_46 = arith.constant 10 : i32
    %scan3A_47 = arith.addi %scan3A_45, %scan3A_46 : i32
    %scan3A_48 = arith.constant 1 : i32
    scf.for %scan3A_55 = %scan3A_45 to %scan3A_47 step %scan3A_48  : i32 {
      %dma_start3A = arith.constant 0 : i32
      %dma_start3A_56 = arith.constant 0 : i32
      %dma_start3A_57 = arith.constant 0 : i32
      %dma_start3A_58 = arith.constant 0 : i32
      %dma_start3A_59 = tpu.memref_slice %arg11[%dma_start3A_56, %dma_start3A_57, %dma_start3A_58] : memref<8x128x16xf32, #tpu.memory_space<vmem>> -> memref<1x128x16xf32, #tpu.memory_space<vmem>>
      %dma_start3A_60 = tpu.memref_squeeze %dma_start3A_59 : memref<1x128x16xf32, #tpu.memory_space<vmem>> -> memref<128x16xf32, #tpu.memory_space<vmem>>
      %dma_start3A_61 = arith.constant 0 : i32
      %dma_start3A_62 = tpu.memref_slice %arg9[%dma_start3A, %dma_start3A_61] : memref<80x128xi32, #tpu.memory_space<vmem>> -> memref<1x128xi32, #tpu.memory_space<vmem>>
      %dma_start3A_63 = tpu.memref_squeeze %dma_start3A_62 : memref<1x128xi32, #tpu.memory_space<vmem>> -> memref<128xi32, #tpu.memory_space<vmem>>
      %dma_start3A_64 = arith.constant 0 : i32
      %dma_start3A_65 = arith.constant 0 : i32
      %dma_start3A_66 = tpu.memref_slice %arg7[%dma_start3A_64, %dma_start3A_65] : memref<10112x16xf32, #tpu.memory_space<vmem_shared>> -> memref<10112x16xf32, #tpu.memory_space<vmem_shared>>
      tpu.enqueue_indirect_dma source(%dma_start3A_66 : memref<10112x16xf32, #tpu.memory_space<vmem_shared>>) target(%dma_start3A_60 : memref<128x16xf32, #tpu.memory_space<vmem>>) offsets(%dma_start3A_63 : memref<128xi32, #tpu.memory_space<vmem>>) semaphore(%arg20 : memref<!tpu.dma_semaphore, #tpu.memory_space<semaphore_mem>>)
      %dma_start3A_67 = arith.constant 1 : i32
      %dma_start3A_68 = arith.constant 1 : i32
      %dma_start3A_69 = arith.constant 0 : i32
      %dma_start3A_70 = arith.constant 0 : i32
      %dma_start3A_71 = tpu.memref_slice %arg11[%dma_start3A_68, %dma_start3A_69, %dma_start3A_70] : memref<8x128x16xf32, #tpu.memory_space<vmem>> -> memref<1x128x16xf32, #tpu.memory_space<vmem>>
      %dma_start3A_72 = tpu.memref_squeeze %dma_start3A_71 : memref<1x128x16xf32, #tpu.memory_space<vmem>> -> memref<128x16xf32, #tpu.memory_space<vmem>>
      %dma_start3A_73 = arith.constant 0 : i32
      %dma_start3A_74 = tpu.memref_slice %arg9[%dma_start3A_67, %dma_start3A_73] : memref<80x128xi32, #tpu.memory_space<vmem>> -> memref<1x128xi32, #tpu.memory_space<vmem>>
      %dma_start3A_75 = tpu.memref_squeeze %dma_start3A_74 : memref<1x128xi32, #tpu.memory_space<vmem>> -> memref<128xi32, #tpu.memory_space<vmem>>
      %dma_start3A_76 = arith.constant 0 : i32
      %dma_start3A_77 = arith.constant 0 : i32
      %dma_start3A_78 = tpu.memref_slice %arg7[%dma_start3A_76, %dma_start3A_77] : memref<10112x16xf32, #tpu.memory_space<vmem_shared>> -> memref<10112x16xf32, #tpu.memory_space<vmem_shared>>
      tpu.enqueue_indirect_dma source(%dma_start3A_78 : memref<10112x16xf32, #tpu.memory_space<vmem_shared>>) target(%dma_start3A_72 : memref<128x16xf32, #tpu.memory_space<vmem>>) offsets(%dma_start3A_75 : memref<128xi32, #tpu.memory_space<vmem>>) semaphore(%arg20 : memref<!tpu.dma_semaphore, #tpu.memory_space<semaphore_mem>>)
      %dma_start3A_79 = arith.constant 2 : i32
      %dma_start3A_80 = arith.constant 2 : i32
      %dma_start3A_81 = arith.constant 0 : i32
      %dma_start3A_82 = arith.constant 0 : i32
      %dma_start3A_83 = tpu.memref_slice %arg11[%dma_start3A_80, %dma_start3A_81, %dma_start3A_82] : memref<8x128x16xf32, #tpu.memory_space<vmem>> -> memref<1x128x16xf32, #tpu.memory_space<vmem>>
      %dma_start3A_84 = tpu.memref_squeeze %dma_start3A_83 : memref<1x128x16xf32, #tpu.memory_space<vmem>> -> memref<128x16xf32, #tpu.memory_space<vmem>>
      %dma_start3A_85 = arith.constant 0 : i32
      %dma_start3A_86 = tpu.memref_slice %arg9[%dma_start3A_79, %dma_start3A_85] : memref<80x128xi32, #tpu.memory_space<vmem>> -> memref<1x128xi32, #tpu.memory_space<vmem>>
      %dma_start3A_87 = tpu.memref_squeeze %dma_start3A_86 : memref<1x128xi32, #tpu.memory_space<vmem>> -> memref<128xi32, #tpu.memory_space<vmem>>
      %dma_start3A_88 = arith.constant 0 : i32
      %dma_start3A_89 = arith.constant 0 : i32
      %dma_start3A_90 = tpu.memref_slice %arg7[%dma_start3A_88, %dma_start3A_89] : memref<10112x16xf32, #tpu.memory_space<vmem_shared>> -> memref<10112x16xf32, #tpu.memory_space<vmem_shared>>
      tpu.enqueue_indirect_dma source(%dma_start3A_90 : memref<10112x16xf32, #tpu.memory_space<vmem_shared>>) target(%dma_start3A_84 : memref<128x16xf32, #tpu.memory_space<vmem>>) offsets(%dma_start3A_87 : memref<128xi32, #tpu.memory_space<vmem>>) semaphore(%arg20 : memref<!tpu.dma_semaphore, #tpu.memory_space<semaphore_mem>>)
      %dma_start3A_91 = arith.constant 3 : i32
      %dma_start3A_92 = arith.constant 3 : i32
      %dma_start3A_93 = arith.constant 0 : i32
      %dma_start3A_94 = arith.constant 0 : i32
      %dma_start3A_95 = tpu.memref_slice %arg11[%dma_start3A_92, %dma_start3A_93, %dma_start3A_94] : memref<8x128x16xf32, #tpu.memory_space<vmem>> -> memref<1x128x16xf32, #tpu.memory_space<vmem>>
      %dma_start3A_96 = tpu.memref_squeeze %dma_start3A_95 : memref<1x128x16xf32, #tpu.memory_space<vmem>> -> memref<128x16xf32, #tpu.memory_space<vmem>>
      %dma_start3A_97 = arith.constant 0 : i32
      %dma_start3A_98 = tpu.memref_slice %arg9[%dma_start3A_91, %dma_start3A_97] : memref<80x128xi32, #tpu.memory_space<vmem>> -> memref<1x128xi32, #tpu.memory_space<vmem>>
      %dma_start3A_99 = tpu.memref_squeeze %dma_start3A_98 : memref<1x128xi32, #tpu.memory_space<vmem>> -> memref<128xi32, #tpu.memory_space<vmem>>
      %dma_start3A_100 = arith.constant 0 : i32
      %dma_start3A_101 = arith.constant 0 : i32
      %dma_start3A_102 = tpu.memref_slice %arg7[%dma_start3A_100, %dma_start3A_101] : memref<10112x16xf32, #tpu.memory_space<vmem_shared>> -> memref<10112x16xf32, #tpu.memory_space<vmem_shared>>
      tpu.enqueue_indirect_dma source(%dma_start3A_102 : memref<10112x16xf32, #tpu.memory_space<vmem_shared>>) target(%dma_start3A_96 : memref<128x16xf32, #tpu.memory_space<vmem>>) offsets(%dma_start3A_99 : memref<128xi32, #tpu.memory_space<vmem>>) semaphore(%arg20 : memref<!tpu.dma_semaphore, #tpu.memory_space<semaphore_mem>>)
      %dma_start3A_103 = arith.constant 4 : i32
      %dma_start3A_104 = arith.constant 4 : i32
      %dma_start3A_105 = arith.constant 0 : i32
      %dma_start3A_106 = arith.constant 0 : i32
      %dma_start3A_107 = tpu.memref_slice %arg11[%dma_start3A_104, %dma_start3A_105, %dma_start3A_106] : memref<8x128x16xf32, #tpu.memory_space<vmem>> -> memref<1x128x16xf32, #tpu.memory_space<vmem>>
      %dma_start3A_108 = tpu.memref_squeeze %dma_start3A_107 : memref<1x128x16xf32, #tpu.memory_space<vmem>> -> memref<128x16xf32, #tpu.memory_space<vmem>>
      %dma_start3A_109 = arith.constant 0 : i32
      %dma_start3A_110 = tpu.memref_slice %arg9[%dma_start3A_103, %dma_start3A_109] : memref<80x128xi32, #tpu.memory_space<vmem>> -> memref<1x128xi32, #tpu.memory_space<vmem>>
      %dma_start3A_111 = tpu.memref_squeeze %dma_start3A_110 : memref<1x128xi32, #tpu.memory_space<vmem>> -> memref<128xi32, #tpu.memory_space<vmem>>
      %dma_start3A_112 = arith.constant 0 : i32
      %dma_start3A_113 = arith.constant 0 : i32
      %dma_start3A_114 = tpu.memref_slice %arg7[%dma_start3A_112, %dma_start3A_113] : memref<10112x16xf32, #tpu.memory_space<vmem_shared>> -> memref<10112x16xf32, #tpu.memory_space<vmem_shared>>
      tpu.enqueue_indirect_dma source(%dma_start3A_114 : memref<10112x16xf32, #tpu.memory_space<vmem_shared>>) target(%dma_start3A_108 : memref<128x16xf32, #tpu.memory_space<vmem>>) offsets(%dma_start3A_111 : memref<128xi32, #tpu.memory_space<vmem>>) semaphore(%arg20 : memref<!tpu.dma_semaphore, #tpu.memory_space<semaphore_mem>>)
      %dma_start3A_115 = arith.constant 5 : i32
      %dma_start3A_116 = arith.constant 5 : i32
      %dma_start3A_117 = arith.constant 0 : i32
      %dma_start3A_118 = arith.constant 0 : i32
      %dma_start3A_119 = tpu.memref_slice %arg11[%dma_start3A_116, %dma_start3A_117, %dma_start3A_118] : memref<8x128x16xf32, #tpu.memory_space<vmem>> -> memref<1x128x16xf32, #tpu.memory_space<vmem>>
      %dma_start3A_120 = tpu.memref_squeeze %dma_start3A_119 : memref<1x128x16xf32, #tpu.memory_space<vmem>> -> memref<128x16xf32, #tpu.memory_space<vmem>>
      %dma_start3A_121 = arith.constant 0 : i32
      %dma_start3A_122 = tpu.memref_slice %arg9[%dma_start3A_115, %dma_start3A_121] : memref<80x128xi32, #tpu.memory_space<vmem>> -> memref<1x128xi32, #tpu.memory_space<vmem>>
      %dma_start3A_123 = tpu.memref_squeeze %dma_start3A_122 : memref<1x128xi32, #tpu.memory_space<vmem>> -> memref<128xi32, #tpu.memory_space<vmem>>
      %dma_start3A_124 = arith.constant 0 : i32
      %dma_start3A_125 = arith.constant 0 : i32
      %dma_start3A_126 = tpu.memref_slice %arg7[%dma_start3A_124, %dma_start3A_125] : memref<10112x16xf32, #tpu.memory_space<vmem_shared>> -> memref<10112x16xf32, #tpu.memory_space<vmem_shared>>
      tpu.enqueue_indirect_dma source(%dma_start3A_126 : memref<10112x16xf32, #tpu.memory_space<vmem_shared>>) target(%dma_start3A_120 : memref<128x16xf32, #tpu.memory_space<vmem>>) offsets(%dma_start3A_123 : memref<128xi32, #tpu.memory_space<vmem>>) semaphore(%arg20 : memref<!tpu.dma_semaphore, #tpu.memory_space<semaphore_mem>>)
      %dma_start3A_127 = arith.constant 6 : i32
      %dma_start3A_128 = arith.constant 6 : i32
      %dma_start3A_129 = arith.constant 0 : i32
      %dma_start3A_130 = arith.constant 0 : i32
      %dma_start3A_131 = tpu.memref_slice %arg11[%dma_start3A_128, %dma_start3A_129, %dma_start3A_130] : memref<8x128x16xf32, #tpu.memory_space<vmem>> -> memref<1x128x16xf32, #tpu.memory_space<vmem>>
      %dma_start3A_132 = tpu.memref_squeeze %dma_start3A_131 : memref<1x128x16xf32, #tpu.memory_space<vmem>> -> memref<128x16xf32, #tpu.memory_space<vmem>>
      %dma_start3A_133 = arith.constant 0 : i32
      %dma_start3A_134 = tpu.memref_slice %arg9[%dma_start3A_127, %dma_start3A_133] : memref<80x128xi32, #tpu.memory_space<vmem>> -> memref<1x128xi32, #tpu.memory_space<vmem>>
      %dma_start3A_135 = tpu.memref_squeeze %dma_start3A_134 : memref<1x128xi32, #tpu.memory_space<vmem>> -> memref<128xi32, #tpu.memory_space<vmem>>
      %dma_start3A_136 = arith.constant 0 : i32
      %dma_start3A_137 = arith.constant 0 : i32
      %dma_start3A_138 = tpu.memref_slice %arg7[%dma_start3A_136, %dma_start3A_137] : memref<10112x16xf32, #tpu.memory_space<vmem_shared>> -> memref<10112x16xf32, #tpu.memory_space<vmem_shared>>
      tpu.enqueue_indirect_dma source(%dma_start3A_138 : memref<10112x16xf32, #tpu.memory_space<vmem_shared>>) target(%dma_start3A_132 : memref<128x16xf32, #tpu.memory_space<vmem>>) offsets(%dma_start3A_135 : memref<128xi32, #tpu.memory_space<vmem>>) semaphore(%arg20 : memref<!tpu.dma_semaphore, #tpu.memory_space<semaphore_mem>>)
      %dma_start3A_139 = arith.constant 7 : i32
      %dma_start3A_140 = arith.constant 7 : i32
      %dma_start3A_141 = arith.constant 0 : i32
      %dma_start3A_142 = arith.constant 0 : i32
      %dma_start3A_143 = tpu.memref_slice %arg11[%dma_start3A_140, %dma_start3A_141, %dma_start3A_142] : memref<8x128x16xf32, #tpu.memory_space<vmem>> -> memref<1x128x16xf32, #tpu.memory_space<vmem>>
      %dma_start3A_144 = tpu.memref_squeeze %dma_start3A_143 : memref<1x128x16xf32, #tpu.memory_space<vmem>> -> memref<128x16xf32, #tpu.memory_space<vmem>>
      %dma_start3A_145 = arith.constant 0 : i32
      %dma_start3A_146 = tpu.memref_slice %arg9[%dma_start3A_139, %dma_start3A_145] : memref<80x128xi32, #tpu.memory_space<vmem>> -> memref<1x128xi32, #tpu.memory_space<vmem>>
      %dma_start3A_147 = tpu.memref_squeeze %dma_start3A_146 : memref<1x128xi32, #tpu.memory_space<vmem>> -> memref<128xi32, #tpu.memory_space<vmem>>
      %dma_start3A_148 = arith.constant 0 : i32
      %dma_start3A_149 = arith.constant 0 : i32
      %dma_start3A_150 = tpu.memref_slice %arg7[%dma_start3A_148, %dma_start3A_149] : memref<10112x16xf32, #tpu.memory_space<vmem_shared>> -> memref<10112x16xf32, #tpu.memory_space<vmem_shared>>
      tpu.enqueue_indirect_dma source(%dma_start3A_150 : memref<10112x16xf32, #tpu.memory_space<vmem_shared>>) target(%dma_start3A_144 : memref<128x16xf32, #tpu.memory_space<vmem>>) offsets(%dma_start3A_147 : memref<128xi32, #tpu.memory_space<vmem>>) semaphore(%arg20 : memref<!tpu.dma_semaphore, #tpu.memory_space<semaphore_mem>>)
      %scan3A_151 = arith.constant 0 : i32
      %scan3A_152 = arith.constant 0 : i32
      %scan3A_153 = arith.constant 5 : i32
      %scan3A_154 = arith.addi %scan3A_152, %scan3A_153 : i32
      %scan3A_155 = arith.constant 1 : i32
      scf.for %scan3A_282 = %scan3A_152 to %scan3A_154 step %scan3A_155  : i32 {
        %mul3A_283 = arith.constant 16 : i32
        %mul3A_284 = arith.muli %mul3A_283, %scan3A_282 : i32
        %dma_wait3A_285 = arith.constant 0 : i32
        %dma_wait3A_286 = arith.constant 0 : i32
        %dma_wait3A_287 = arith.constant 0 : i32
        %dma_wait3A_288 = arith.constant 0 : i32
        %dma_wait3A_289 = tpu.memref_slice %arg11[%dma_wait3A_286, %dma_wait3A_287, %dma_wait3A_288] : memref<8x128x16xf32, #tpu.memory_space<vmem>> -> memref<1x128x16xf32, #tpu.memory_space<vmem>>
        %dma_wait3A_290 = tpu.memref_squeeze %dma_wait3A_289 : memref<1x128x16xf32, #tpu.memory_space<vmem>> -> memref<128x16xf32, #tpu.memory_space<vmem>>
        %dma_wait3A_291 = arith.constant 0 : i32
        %dma_wait3A_292 = tpu.memref_slice %arg9[%dma_wait3A_285, %dma_wait3A_291] : memref<80x128xi32, #tpu.memory_space<vmem>> -> memref<1x128xi32, #tpu.memory_space<vmem>>
        %dma_wait3A_293 = tpu.memref_squeeze %dma_wait3A_292 : memref<1x128xi32, #tpu.memory_space<vmem>> -> memref<128xi32, #tpu.memory_space<vmem>>
        %dma_wait3A_294 = arith.constant 0 : i32
        %dma_wait3A_295 = arith.constant 0 : i32
        %dma_wait3A_296 = tpu.memref_slice %arg7[%dma_wait3A_294, %dma_wait3A_295] : memref<10112x16xf32, #tpu.memory_space<vmem_shared>> -> memref<10112x16xf32, #tpu.memory_space<vmem_shared>>
        tpu.wait_indirect_dma semaphore(%arg20 : memref<!tpu.dma_semaphore, #tpu.memory_space<semaphore_mem>>) src(%dma_wait3A_296 : memref<10112x16xf32, #tpu.memory_space<vmem_shared>>) dst(%dma_wait3A_290 : memref<128x16xf32, #tpu.memory_space<vmem>>)
        %dma_wait3A_297 = arith.constant 0 : i32
        %dma_wait3A_298 = arith.constant 1 : i32
        %dma_wait3A_299 = arith.constant 0 : i32
        %dma_wait3A_300 = arith.constant 0 : i32
        %dma_wait3A_301 = tpu.memref_slice %arg11[%dma_wait3A_298, %dma_wait3A_299, %dma_wait3A_300] : memref<8x128x16xf32, #tpu.memory_space<vmem>> -> memref<1x128x16xf32, #tpu.memory_space<vmem>>
        %dma_wait3A_302 = tpu.memref_squeeze %dma_wait3A_301 : memref<1x128x16xf32, #tpu.memory_space<vmem>> -> memref<128x16xf32, #tpu.memory_space<vmem>>
        %dma_wait3A_303 = arith.constant 0 : i32
        %dma_wait3A_304 = tpu.memref_slice %arg9[%dma_wait3A_297, %dma_wait3A_303] : memref<80x128xi32, #tpu.memory_space<vmem>> -> memref<1x128xi32, #tpu.memory_space<vmem>>
        %dma_wait3A_305 = tpu.memref_squeeze %dma_wait3A_304 : memref<1x128xi32, #tpu.memory_space<vmem>> -> memref<128xi32, #tpu.memory_space<vmem>>
        %dma_wait3A_306 = arith.constant 0 : i32
        %dma_wait3A_307 = arith.constant 0 : i32
        %dma_wait3A_308 = tpu.memref_slice %arg7[%dma_wait3A_306, %dma_wait3A_307] : memref<10112x16xf32, #tpu.memory_space<vmem_shared>> -> memref<10112x16xf32, #tpu.memory_space<vmem_shared>>
        tpu.wait_indirect_dma semaphore(%arg20 : memref<!tpu.dma_semaphore, #tpu.memory_space<semaphore_mem>>) src(%dma_wait3A_308 : memref<10112x16xf32, #tpu.memory_space<vmem_shared>>) dst(%dma_wait3A_302 : memref<128x16xf32, #tpu.memory_space<vmem>>)
        %dma_wait3A_309 = arith.constant 0 : i32
        %dma_wait3A_310 = arith.constant 2 : i32
        %dma_wait3A_311 = arith.constant 0 : i32
        %dma_wait3A_312 = arith.constant 0 : i32
        %dma_wait3A_313 = tpu.memref_slice %arg11[%dma_wait3A_310, %dma_wait3A_311, %dma_wait3A_312] : memref<8x128x16xf32, #tpu.memory_space<vmem>> -> memref<1x128x16xf32, #tpu.memory_space<vmem>>
        %dma_wait3A_314 = tpu.memref_squeeze %dma_wait3A_313 : memref<1x128x16xf32, #tpu.memory_space<vmem>> -> memref<128x16xf32, #tpu.memory_space<vmem>>
        %dma_wait3A_315 = arith.constant 0 : i32
        %dma_wait3A_316 = tpu.memref_slice %arg9[%dma_wait3A_309, %dma_wait3A_315] : memref<80x128xi32, #tpu.memory_space<vmem>> -> memref<1x128xi32, #tpu.memory_space<vmem>>
        %dma_wait3A_317 = tpu.memref_squeeze %dma_wait3A_316 : memref<1x128xi32, #tpu.memory_space<vmem>> -> memref<128xi32, #tpu.memory_space<vmem>>
        %dma_wait3A_318 = arith.constant 0 : i32
        %dma_wait3A_319 = arith.constant 0 : i32
        %dma_wait3A_320 = tpu.memref_slice %arg7[%dma_wait3A_318, %dma_wait3A_319] : memref<10112x16xf32, #tpu.memory_space<vmem_shared>> -> memref<10112x16xf32, #tpu.memory_space<vmem_shared>>
        tpu.wait_indirect_dma semaphore(%arg20 : memref<!tpu.dma_semaphore, #tpu.memory_space<semaphore_mem>>) src(%dma_wait3A_320 : memref<10112x16xf32, #tpu.memory_space<vmem_shared>>) dst(%dma_wait3A_314 : memref<128x16xf32, #tpu.memory_space<vmem>>)
        %dma_wait3A_321 = arith.constant 0 : i32
        %dma_wait3A_322 = arith.constant 3 : i32
        %dma_wait3A_323 = arith.constant 0 : i32
        %dma_wait3A_324 = arith.constant 0 : i32
        %dma_wait3A_325 = tpu.memref_slice %arg11[%dma_wait3A_322, %dma_wait3A_323, %dma_wait3A_324] : memref<8x128x16xf32, #tpu.memory_space<vmem>> -> memref<1x128x16xf32, #tpu.memory_space<vmem>>
        %dma_wait3A_326 = tpu.memref_squeeze %dma_wait3A_325 : memref<1x128x16xf32, #tpu.memory_space<vmem>> -> memref<128x16xf32, #tpu.memory_space<vmem>>
        %dma_wait3A_327 = arith.constant 0 : i32
        %dma_wait3A_328 = tpu.memref_slice %arg9[%dma_wait3A_321, %dma_wait3A_327] : memref<80x128xi32, #tpu.memory_space<vmem>> -> memref<1x128xi32, #tpu.memory_space<vmem>>
        %dma_wait3A_329 = tpu.memref_squeeze %dma_wait3A_328 : memref<1x128xi32, #tpu.memory_space<vmem>> -> memref<128xi32, #tpu.memory_space<vmem>>
        %dma_wait3A_330 = arith.constant 0 : i32
        %dma_wait3A_331 = arith.constant 0 : i32
        %dma_wait3A_332 = tpu.memref_slice %arg7[%dma_wait3A_330, %dma_wait3A_331] : memref<10112x16xf32, #tpu.memory_space<vmem_shared>> -> memref<10112x16xf32, #tpu.memory_space<vmem_shared>>
        tpu.wait_indirect_dma semaphore(%arg20 : memref<!tpu.dma_semaphore, #tpu.memory_space<semaphore_mem>>) src(%dma_wait3A_332 : memref<10112x16xf32, #tpu.memory_space<vmem_shared>>) dst(%dma_wait3A_326 : memref<128x16xf32, #tpu.memory_space<vmem>>)
        %dma_wait3A_333 = arith.constant 0 : i32
        %dma_wait3A_334 = arith.constant 4 : i32
        %dma_wait3A_335 = arith.constant 0 : i32
        %dma_wait3A_336 = arith.constant 0 : i32
        %dma_wait3A_337 = tpu.memref_slice %arg11[%dma_wait3A_334, %dma_wait3A_335, %dma_wait3A_336] : memref<8x128x16xf32, #tpu.memory_space<vmem>> -> memref<1x128x16xf32, #tpu.memory_space<vmem>>
        %dma_wait3A_338 = tpu.memref_squeeze %dma_wait3A_337 : memref<1x128x16xf32, #tpu.memory_space<vmem>> -> memref<128x16xf32, #tpu.memory_space<vmem>>
        %dma_wait3A_339 = arith.constant 0 : i32
        %dma_wait3A_340 = tpu.memref_slice %arg9[%dma_wait3A_333, %dma_wait3A_339] : memref<80x128xi32, #tpu.memory_space<vmem>> -> memref<1x128xi32, #tpu.memory_space<vmem>>
        %dma_wait3A_341 = tpu.memref_squeeze %dma_wait3A_340 : memref<1x128xi32, #tpu.memory_space<vmem>> -> memref<128xi32, #tpu.memory_space<vmem>>
        %dma_wait3A_342 = arith.constant 0 : i32
        %dma_wait3A_343 = arith.constant 0 : i32
        %dma_wait3A_344 = tpu.memref_slice %arg7[%dma_wait3A_342, %dma_wait3A_343] : memref<10112x16xf32, #tpu.memory_space<vmem_shared>> -> memref<10112x16xf32, #tpu.memory_space<vmem_shared>>
        tpu.wait_indirect_dma semaphore(%arg20 : memref<!tpu.dma_semaphore, #tpu.memory_space<semaphore_mem>>) src(%dma_wait3A_344 : memref<10112x16xf32, #tpu.memory_space<vmem_shared>>) dst(%dma_wait3A_338 : memref<128x16xf32, #tpu.memory_space<vmem>>)
        %dma_wait3A_345 = arith.constant 0 : i32
        %dma_wait3A_346 = arith.constant 5 : i32
        %dma_wait3A_347 = arith.constant 0 : i32
        %dma_wait3A_348 = arith.constant 0 : i32
        %dma_wait3A_349 = tpu.memref_slice %arg11[%dma_wait3A_346, %dma_wait3A_347, %dma_wait3A_348] : memref<8x128x16xf32, #tpu.memory_space<vmem>> -> memref<1x128x16xf32, #tpu.memory_space<vmem>>
        %dma_wait3A_350 = tpu.memref_squeeze %dma_wait3A_349 : memref<1x128x16xf32, #tpu.memory_space<vmem>> -> memref<128x16xf32, #tpu.memory_space<vmem>>
        %dma_wait3A_351 = arith.constant 0 : i32
        %dma_wait3A_352 = tpu.memref_slice %arg9[%dma_wait3A_345, %dma_wait3A_351] : memref<80x128xi32, #tpu.memory_space<vmem>> -> memref<1x128xi32, #tpu.memory_space<vmem>>
        %dma_wait3A_353 = tpu.memref_squeeze %dma_wait3A_352 : memref<1x128xi32, #tpu.memory_space<vmem>> -> memref<128xi32, #tpu.memory_space<vmem>>
        %dma_wait3A_354 = arith.constant 0 : i32
        %dma_wait3A_355 = arith.constant 0 : i32
        %dma_wait3A_356 = tpu.memref_slice %arg7[%dma_wait3A_354, %dma_wait3A_355] : memref<10112x16xf32, #tpu.memory_space<vmem_shared>> -> memref<10112x16xf32, #tpu.memory_space<vmem_shared>>
        tpu.wait_indirect_dma semaphore(%arg20 : memref<!tpu.dma_semaphore, #tpu.memory_space<semaphore_mem>>) src(%dma_wait3A_356 : memref<10112x16xf32, #tpu.memory_space<vmem_shared>>) dst(%dma_wait3A_350 : memref<128x16xf32, #tpu.memory_space<vmem>>)
        %dma_wait3A_357 = arith.constant 0 : i32
        %dma_wait3A_358 = arith.constant 6 : i32
        %dma_wait3A_359 = arith.constant 0 : i32
        %dma_wait3A_360 = arith.constant 0 : i32
        %dma_wait3A_361 = tpu.memref_slice %arg11[%dma_wait3A_358, %dma_wait3A_359, %dma_wait3A_360] : memref<8x128x16xf32, #tpu.memory_space<vmem>> -> memref<1x128x16xf32, #tpu.memory_space<vmem>>
        %dma_wait3A_362 = tpu.memref_squeeze %dma_wait3A_361 : memref<1x128x16xf32, #tpu.memory_space<vmem>> -> memref<128x16xf32, #tpu.memory_space<vmem>>
        %dma_wait3A_363 = arith.constant 0 : i32
        %dma_wait3A_364 = tpu.memref_slice %arg9[%dma_wait3A_357, %dma_wait3A_363] : memref<80x128xi32, #tpu.memory_space<vmem>> -> memref<1x128xi32, #tpu.memory_space<vmem>>
        %dma_wait3A_365 = tpu.memref_squeeze %dma_wait3A_364 : memref<1x128xi32, #tpu.memory_space<vmem>> -> memref<128xi32, #tpu.memory_space<vmem>>
        %dma_wait3A_366 = arith.constant 0 : i32
        %dma_wait3A_367 = arith.constant 0 : i32
        %dma_wait3A_368 = tpu.memref_slice %arg7[%dma_wait3A_366, %dma_wait3A_367] : memref<10112x16xf32, #tpu.memory_space<vmem_shared>> -> memref<10112x16xf32, #tpu.memory_space<vmem_shared>>
        tpu.wait_indirect_dma semaphore(%arg20 : memref<!tpu.dma_semaphore, #tpu.memory_space<semaphore_mem>>) src(%dma_wait3A_368 : memref<10112x16xf32, #tpu.memory_space<vmem_shared>>) dst(%dma_wait3A_362 : memref<128x16xf32, #tpu.memory_space<vmem>>)
        %dma_wait3A_369 = arith.constant 0 : i32
        %dma_wait3A_370 = arith.constant 7 : i32
        %dma_wait3A_371 = arith.constant 0 : i32
        %dma_wait3A_372 = arith.constant 0 : i32
        %dma_wait3A_373 = tpu.memref_slice %arg11[%dma_wait3A_370, %dma_wait3A_371, %dma_wait3A_372] : memref<8x128x16xf32, #tpu.memory_space<vmem>> -> memref<1x128x16xf32, #tpu.memory_space<vmem>>
        %dma_wait3A_374 = tpu.memref_squeeze %dma_wait3A_373 : memref<1x128x16xf32, #tpu.memory_space<vmem>> -> memref<128x16xf32, #tpu.memory_space<vmem>>
        %dma_wait3A_375 = arith.constant 0 : i32
        %dma_wait3A_376 = tpu.memref_slice %arg9[%dma_wait3A_369, %dma_wait3A_375] : memref<80x128xi32, #tpu.memory_space<vmem>> -> memref<1x128xi32, #tpu.memory_space<vmem>>
        %dma_wait3A_377 = tpu.memref_squeeze %dma_wait3A_376 : memref<1x128xi32, #tpu.memory_space<vmem>> -> memref<128xi32, #tpu.memory_space<vmem>>
        %dma_wait3A_378 = arith.constant 0 : i32
        %dma_wait3A_379 = arith.constant 0 : i32
        %dma_wait3A_380 = tpu.memref_slice %arg7[%dma_wait3A_378, %dma_wait3A_379] : memref<10112x16xf32, #tpu.memory_space<vmem_shared>> -> memref<10112x16xf32, #tpu.memory_space<vmem_shared>>
        tpu.wait_indirect_dma semaphore(%arg20 : memref<!tpu.dma_semaphore, #tpu.memory_space<semaphore_mem>>) src(%dma_wait3A_380 : memref<10112x16xf32, #tpu.memory_space<vmem_shared>>) dst(%dma_wait3A_374 : memref<128x16xf32, #tpu.memory_space<vmem>>)
        %add3A_381 = arith.constant 0 : i32
        %add3A_382 = arith.addi %mul3A_284, %add3A_381 : i32
        %dma_start3A_383 = arith.constant 0 : i32
        %dma_start3A_384 = arith.constant 0 : i32
        %dma_start3A_385 = arith.constant 0 : i32
        %dma_start3A_386 = tpu.memref_slice %arg11[%dma_start3A_383, %dma_start3A_384, %dma_start3A_385] : memref<8x128x16xf32, #tpu.memory_space<vmem>> -> memref<1x128x16xf32, #tpu.memory_space<vmem>>
        %dma_start3A_387 = tpu.memref_squeeze %dma_start3A_386 : memref<1x128x16xf32, #tpu.memory_space<vmem>> -> memref<128x16xf32, #tpu.memory_space<vmem>>
        %dma_start3A_388 = arith.constant 0 : i32
        %dma_start3A_389 = tpu.memref_slice %arg10[%add3A_382, %dma_start3A_388] : memref<80x128xi32, #tpu.memory_space<vmem>> -> memref<1x128xi32, #tpu.memory_space<vmem>>
        %dma_start3A_390 = tpu.memref_squeeze %dma_start3A_389 : memref<1x128xi32, #tpu.memory_space<vmem>> -> memref<128xi32, #tpu.memory_space<vmem>>
        %dma_start3A_391 = arith.constant 0 : i32
        %dma_start3A_392 = arith.constant 0 : i32
        %dma_start3A_393 = tpu.memref_slice %arg8[%dma_start3A_391, %dma_start3A_392] : memref<10112x16xf32, #tpu.memory_space<vmem_shared>> -> memref<10112x16xf32, #tpu.memory_space<vmem_shared>>
        tpu.enqueue_indirect_dma source(%dma_start3A_387 : memref<128x16xf32, #tpu.memory_space<vmem>>) target(%dma_start3A_393 : memref<10112x16xf32, #tpu.memory_space<vmem_shared>>) offsets(%dma_start3A_390 : memref<128xi32, #tpu.memory_space<vmem>>) semaphore(%arg22 : memref<!tpu.dma_semaphore, #tpu.memory_space<semaphore_mem>>) {add = true}
        %add3A_394 = arith.constant 1 : i32
        %add3A_395 = arith.addi %mul3A_284, %add3A_394 : i32
        %dma_start3A_396 = arith.constant 1 : i32
        %dma_start3A_397 = arith.constant 0 : i32
        %dma_start3A_398 = arith.constant 0 : i32
        %dma_start3A_399 = tpu.memref_slice %arg11[%dma_start3A_396, %dma_start3A_397, %dma_start3A_398] : memref<8x128x16xf32, #tpu.memory_space<vmem>> -> memref<1x128x16xf32, #tpu.memory_space<vmem>>
        %dma_start3A_400 = tpu.memref_squeeze %dma_start3A_399 : memref<1x128x16xf32, #tpu.memory_space<vmem>> -> memref<128x16xf32, #tpu.memory_space<vmem>>
        %dma_start3A_401 = arith.constant 0 : i32
        %dma_start3A_402 = tpu.memref_slice %arg10[%add3A_395, %dma_start3A_401] : memref<80x128xi32, #tpu.memory_space<vmem>> -> memref<1x128xi32, #tpu.memory_space<vmem>>
        %dma_start3A_403 = tpu.memref_squeeze %dma_start3A_402 : memref<1x128xi32, #tpu.memory_space<vmem>> -> memref<128xi32, #tpu.memory_space<vmem>>
        %dma_start3A_404 = arith.constant 0 : i32
        %dma_start3A_405 = arith.constant 0 : i32
        %dma_start3A_406 = tpu.memref_slice %arg8[%dma_start3A_404, %dma_start3A_405] : memref<10112x16xf32, #tpu.memory_space<vmem_shared>> -> memref<10112x16xf32, #tpu.memory_space<vmem_shared>>
        tpu.enqueue_indirect_dma source(%dma_start3A_400 : memref<128x16xf32, #tpu.memory_space<vmem>>) target(%dma_start3A_406 : memref<10112x16xf32, #tpu.memory_space<vmem_shared>>) offsets(%dma_start3A_403 : memref<128xi32, #tpu.memory_space<vmem>>) semaphore(%arg22 : memref<!tpu.dma_semaphore, #tpu.memory_space<semaphore_mem>>) {add = true}
        %add3A_407 = arith.constant 2 : i32
        %add3A_408 = arith.addi %mul3A_284, %add3A_407 : i32
        %dma_start3A_409 = arith.constant 2 : i32
        %dma_start3A_410 = arith.constant 0 : i32
        %dma_start3A_411 = arith.constant 0 : i32
        %dma_start3A_412 = tpu.memref_slice %arg11[%dma_start3A_409, %dma_start3A_410, %dma_start3A_411] : memref<8x128x16xf32, #tpu.memory_space<vmem>> -> memref<1x128x16xf32, #tpu.memory_space<vmem>>
        %dma_start3A_413 = tpu.memref_squeeze %dma_start3A_412 : memref<1x128x16xf32, #tpu.memory_space<vmem>> -> memref<128x16xf32, #tpu.memory_space<vmem>>
        %dma_start3A_414 = arith.constant 0 : i32
        %dma_start3A_415 = tpu.memref_slice %arg10[%add3A_408, %dma_start3A_414] : memref<80x128xi32, #tpu.memory_space<vmem>> -> memref<1x128xi32, #tpu.memory_space<vmem>>
        %dma_start3A_416 = tpu.memref_squeeze %dma_start3A_415 : memref<1x128xi32, #tpu.memory_space<vmem>> -> memref<128xi32, #tpu.memory_space<vmem>>
        %dma_start3A_417 = arith.constant 0 : i32
        %dma_start3A_418 = arith.constant 0 : i32
        %dma_start3A_419 = tpu.memref_slice %arg8[%dma_start3A_417, %dma_start3A_418] : memref<10112x16xf32, #tpu.memory_space<vmem_shared>> -> memref<10112x16xf32, #tpu.memory_space<vmem_shared>>
        tpu.enqueue_indirect_dma source(%dma_start3A_413 : memref<128x16xf32, #tpu.memory_space<vmem>>) target(%dma_start3A_419 : memref<10112x16xf32, #tpu.memory_space<vmem_shared>>) offsets(%dma_start3A_416 : memref<128xi32, #tpu.memory_space<vmem>>) semaphore(%arg22 : memref<!tpu.dma_semaphore, #tpu.memory_space<semaphore_mem>>) {add = true}
        %add3A_420 = arith.constant 3 : i32
        %add3A_421 = arith.addi %mul3A_284, %add3A_420 : i32
        %dma_start3A_422 = arith.constant 3 : i32
        %dma_start3A_423 = arith.constant 0 : i32
        %dma_start3A_424 = arith.constant 0 : i32
        %dma_start3A_425 = tpu.memref_slice %arg11[%dma_start3A_422, %dma_start3A_423, %dma_start3A_424] : memref<8x128x16xf32, #tpu.memory_space<vmem>> -> memref<1x128x16xf32, #tpu.memory_space<vmem>>
        %dma_start3A_426 = tpu.memref_squeeze %dma_start3A_425 : memref<1x128x16xf32, #tpu.memory_space<vmem>> -> memref<128x16xf32, #tpu.memory_space<vmem>>
        %dma_start3A_427 = arith.constant 0 : i32
        %dma_start3A_428 = tpu.memref_slice %arg10[%add3A_421, %dma_start3A_427] : memref<80x128xi32, #tpu.memory_space<vmem>> -> memref<1x128xi32, #tpu.memory_space<vmem>>
        %dma_start3A_429 = tpu.memref_squeeze %dma_start3A_428 : memref<1x128xi32, #tpu.memory_space<vmem>> -> memref<128xi32, #tpu.memory_space<vmem>>
        %dma_start3A_430 = arith.constant 0 : i32
        %dma_start3A_431 = arith.constant 0 : i32
        %dma_start3A_432 = tpu.memref_slice %arg8[%dma_start3A_430, %dma_start3A_431] : memref<10112x16xf32, #tpu.memory_space<vmem_shared>> -> memref<10112x16xf32, #tpu.memory_space<vmem_shared>>
        tpu.enqueue_indirect_dma source(%dma_start3A_426 : memref<128x16xf32, #tpu.memory_space<vmem>>) target(%dma_start3A_432 : memref<10112x16xf32, #tpu.memory_space<vmem_shared>>) offsets(%dma_start3A_429 : memref<128xi32, #tpu.memory_space<vmem>>) semaphore(%arg22 : memref<!tpu.dma_semaphore, #tpu.memory_space<semaphore_mem>>) {add = true}
        %add3A_433 = arith.constant 4 : i32
        %add3A_434 = arith.addi %mul3A_284, %add3A_433 : i32
        %dma_start3A_435 = arith.constant 4 : i32
        %dma_start3A_436 = arith.constant 0 : i32
        %dma_start3A_437 = arith.constant 0 : i32
        %dma_start3A_438 = tpu.memref_slice %arg11[%dma_start3A_435, %dma_start3A_436, %dma_start3A_437] : memref<8x128x16xf32, #tpu.memory_space<vmem>> -> memref<1x128x16xf32, #tpu.memory_space<vmem>>
        %dma_start3A_439 = tpu.memref_squeeze %dma_start3A_438 : memref<1x128x16xf32, #tpu.memory_space<vmem>> -> memref<128x16xf32, #tpu.memory_space<vmem>>
        %dma_start3A_440 = arith.constant 0 : i32
        %dma_start3A_441 = tpu.memref_slice %arg10[%add3A_434, %dma_start3A_440] : memref<80x128xi32, #tpu.memory_space<vmem>> -> memref<1x128xi32, #tpu.memory_space<vmem>>
        %dma_start3A_442 = tpu.memref_squeeze %dma_start3A_441 : memref<1x128xi32, #tpu.memory_space<vmem>> -> memref<128xi32, #tpu.memory_space<vmem>>
        %dma_start3A_443 = arith.constant 0 : i32
        %dma_start3A_444 = arith.constant 0 : i32
        %dma_start3A_445 = tpu.memref_slice %arg8[%dma_start3A_443, %dma_start3A_444] : memref<10112x16xf32, #tpu.memory_space<vmem_shared>> -> memref<10112x16xf32, #tpu.memory_space<vmem_shared>>
        tpu.enqueue_indirect_dma source(%dma_start3A_439 : memref<128x16xf32, #tpu.memory_space<vmem>>) target(%dma_start3A_445 : memref<10112x16xf32, #tpu.memory_space<vmem_shared>>) offsets(%dma_start3A_442 : memref<128xi32, #tpu.memory_space<vmem>>) semaphore(%arg22 : memref<!tpu.dma_semaphore, #tpu.memory_space<semaphore_mem>>) {add = true}
        %add3A_446 = arith.constant 5 : i32
        %add3A_447 = arith.addi %mul3A_284, %add3A_446 : i32
        %dma_start3A_448 = arith.constant 5 : i32
        %dma_start3A_449 = arith.constant 0 : i32
        %dma_start3A_450 = arith.constant 0 : i32
        %dma_start3A_451 = tpu.memref_slice %arg11[%dma_start3A_448, %dma_start3A_449, %dma_start3A_450] : memref<8x128x16xf32, #tpu.memory_space<vmem>> -> memref<1x128x16xf32, #tpu.memory_space<vmem>>
        %dma_start3A_452 = tpu.memref_squeeze %dma_start3A_451 : memref<1x128x16xf32, #tpu.memory_space<vmem>> -> memref<128x16xf32, #tpu.memory_space<vmem>>
        %dma_start3A_453 = arith.constant 0 : i32
        %dma_start3A_454 = tpu.memref_slice %arg10[%add3A_447, %dma_start3A_453] : memref<80x128xi32, #tpu.memory_space<vmem>> -> memref<1x128xi32, #tpu.memory_space<vmem>>
        %dma_start3A_455 = tpu.memref_squeeze %dma_start3A_454 : memref<1x128xi32, #tpu.memory_space<vmem>> -> memref<128xi32, #tpu.memory_space<vmem>>
        %dma_start3A_456 = arith.constant 0 : i32
        %dma_start3A_457 = arith.constant 0 : i32
        %dma_start3A_458 = tpu.memref_slice %arg8[%dma_start3A_456, %dma_start3A_457] : memref<10112x16xf32, #tpu.memory_space<vmem_shared>> -> memref<10112x16xf32, #tpu.memory_space<vmem_shared>>
        tpu.enqueue_indirect_dma source(%dma_start3A_452 : memref<128x16xf32, #tpu.memory_space<vmem>>) target(%dma_start3A_458 : memref<10112x16xf32, #tpu.memory_space<vmem_shared>>) offsets(%dma_start3A_455 : memref<128xi32, #tpu.memory_space<vmem>>) semaphore(%arg22 : memref<!tpu.dma_semaphore, #tpu.memory_space<semaphore_mem>>) {add = true}
        %add3A_459 = arith.constant 6 : i32
        %add3A_460 = arith.addi %mul3A_284, %add3A_459 : i32
        %dma_start3A_461 = arith.constant 6 : i32
        %dma_start3A_462 = arith.constant 0 : i32
        %dma_start3A_463 = arith.constant 0 : i32
        %dma_start3A_464 = tpu.memref_slice %arg11[%dma_start3A_461, %dma_start3A_462, %dma_start3A_463] : memref<8x128x16xf32, #tpu.memory_space<vmem>> -> memref<1x128x16xf32, #tpu.memory_space<vmem>>
        %dma_start3A_465 = tpu.memref_squeeze %dma_start3A_464 : memref<1x128x16xf32, #tpu.memory_space<vmem>> -> memref<128x16xf32, #tpu.memory_space<vmem>>
        %dma_start3A_466 = arith.constant 0 : i32
        %dma_start3A_467 = tpu.memref_slice %arg10[%add3A_460, %dma_start3A_466] : memref<80x128xi32, #tpu.memory_space<vmem>> -> memref<1x128xi32, #tpu.memory_space<vmem>>
        %dma_start3A_468 = tpu.memref_squeeze %dma_start3A_467 : memref<1x128xi32, #tpu.memory_space<vmem>> -> memref<128xi32, #tpu.memory_space<vmem>>
        %dma_start3A_469 = arith.constant 0 : i32
        %dma_start3A_470 = arith.constant 0 : i32
        %dma_start3A_471 = tpu.memref_slice %arg8[%dma_start3A_469, %dma_start3A_470] : memref<10112x16xf32, #tpu.memory_space<vmem_shared>> -> memref<10112x16xf32, #tpu.memory_space<vmem_shared>>
        tpu.enqueue_indirect_dma source(%dma_start3A_465 : memref<128x16xf32, #tpu.memory_space<vmem>>) target(%dma_start3A_471 : memref<10112x16xf32, #tpu.memory_space<vmem_shared>>) offsets(%dma_start3A_468 : memref<128xi32, #tpu.memory_space<vmem>>) semaphore(%arg22 : memref<!tpu.dma_semaphore, #tpu.memory_space<semaphore_mem>>) {add = true}
        %add3A_472 = arith.constant 7 : i32
        %add3A_473 = arith.addi %mul3A_284, %add3A_472 : i32
        %dma_start3A_474 = arith.constant 7 : i32
        %dma_start3A_475 = arith.constant 0 : i32
        %dma_start3A_476 = arith.constant 0 : i32
        %dma_start3A_477 = tpu.memref_slice %arg11[%dma_start3A_474, %dma_start3A_475, %dma_start3A_476] : memref<8x128x16xf32, #tpu.memory_space<vmem>> -> memref<1x128x16xf32, #tpu.memory_space<vmem>>
        %dma_start3A_478 = tpu.memref_squeeze %dma_start3A_477 : memref<1x128x16xf32, #tpu.memory_space<vmem>> -> memref<128x16xf32, #tpu.memory_space<vmem>>
        %dma_start3A_479 = arith.constant 0 : i32
        %dma_start3A_480 = tpu.memref_slice %arg10[%add3A_473, %dma_start3A_479] : memref<80x128xi32, #tpu.memory_space<vmem>> -> memref<1x128xi32, #tpu.memory_space<vmem>>
        %dma_start3A_481 = tpu.memref_squeeze %dma_start3A_480 : memref<1x128xi32, #tpu.memory_space<vmem>> -> memref<128xi32, #tpu.memory_space<vmem>>
        %dma_start3A_482 = arith.constant 0 : i32
        %dma_start3A_483 = arith.constant 0 : i32
        %dma_start3A_484 = tpu.memref_slice %arg8[%dma_start3A_482, %dma_start3A_483] : memref<10112x16xf32, #tpu.memory_space<vmem_shared>> -> memref<10112x16xf32, #tpu.memory_space<vmem_shared>>
        tpu.enqueue_indirect_dma source(%dma_start3A_478 : memref<128x16xf32, #tpu.memory_space<vmem>>) target(%dma_start3A_484 : memref<10112x16xf32, #tpu.memory_space<vmem_shared>>) offsets(%dma_start3A_481 : memref<128xi32, #tpu.memory_space<vmem>>) semaphore(%arg22 : memref<!tpu.dma_semaphore, #tpu.memory_space<semaphore_mem>>) {add = true}
        %gt3A = arith.constant 0 : i32
        %gt3A_485 = arith.cmpi sgt, %scan3A_282, %gt3A : i32
        %convert_element_type3A_486 = arith.extui %gt3A_485 : i1 to i32
        %cond3A_487 = arith.constant 0 : i32
        %cond3A_488 = arith.cmpi ne, %convert_element_type3A_486, %cond3A_487 : i32
        scf.if %cond3A_488 {
          %dma_wait3A_900 = arith.constant 0 : i32
          %dma_wait3A_901 = arith.constant 0 : i32
          %dma_wait3A_902 = arith.constant 0 : i32
          %dma_wait3A_903 = arith.constant 0 : i32
          %dma_wait3A_904 = tpu.memref_slice %arg12[%dma_wait3A_900, %dma_wait3A_902, %dma_wait3A_903] : memref<8x128x16xf32, #tpu.memory_space<vmem>> -> memref<1x128x16xf32, #tpu.memory_space<vmem>>
          %dma_wait3A_905 = tpu.memref_squeeze %dma_wait3A_904 : memref<1x128x16xf32, #tpu.memory_space<vmem>> -> memref<128x16xf32, #tpu.memory_space<vmem>>
          %dma_wait3A_906 = arith.constant 0 : i32
          %dma_wait3A_907 = tpu.memref_slice %arg10[%dma_wait3A_901, %dma_wait3A_906] : memref<80x128xi32, #tpu.memory_space<vmem>> -> memref<1x128xi32, #tpu.memory_space<vmem>>
          %dma_wait3A_908 = tpu.memref_squeeze %dma_wait3A_907 : memref<1x128xi32, #tpu.memory_space<vmem>> -> memref<128xi32, #tpu.memory_space<vmem>>
          %dma_wait3A_909 = arith.constant 0 : i32
          %dma_wait3A_910 = arith.constant 0 : i32
          %dma_wait3A_911 = tpu.memref_slice %arg8[%dma_wait3A_909, %dma_wait3A_910] : memref<10112x16xf32, #tpu.memory_space<vmem_shared>> -> memref<10112x16xf32, #tpu.memory_space<vmem_shared>>
          tpu.wait_indirect_dma semaphore(%arg23 : memref<!tpu.dma_semaphore, #tpu.memory_space<semaphore_mem>>) src(%dma_wait3A_905 : memref<128x16xf32, #tpu.memory_space<vmem>>) dst(%dma_wait3A_911 : memref<10112x16xf32, #tpu.memory_space<vmem_shared>>)
          %dma_wait3A_912 = arith.constant 1 : i32
          %dma_wait3A_913 = arith.constant 0 : i32
          %dma_wait3A_914 = arith.constant 0 : i32
          %dma_wait3A_915 = arith.constant 0 : i32
          %dma_wait3A_916 = tpu.memref_slice %arg12[%dma_wait3A_912, %dma_wait3A_914, %dma_wait3A_915] : memref<8x128x16xf32, #tpu.memory_space<vmem>> -> memref<1x128x16xf32, #tpu.memory_space<vmem>>
          %dma_wait3A_917 = tpu.memref_squeeze %dma_wait3A_916 : memref<1x128x16xf32, #tpu.memory_space<vmem>> -> memref<128x16xf32, #tpu.memory_space<vmem>>
          %dma_wait3A_918 = arith.constant 0 : i32
          %dma_wait3A_919 = tpu.memref_slice %arg10[%dma_wait3A_913, %dma_wait3A_918] : memref<80x128xi32, #tpu.memory_space<vmem>> -> memref<1x128xi32, #tpu.memory_space<vmem>>
          %dma_wait3A_920 = tpu.memref_squeeze %dma_wait3A_919 : memref<1x128xi32, #tpu.memory_space<vmem>> -> memref<128xi32, #tpu.memory_space<vmem>>
          %dma_wait3A_921 = arith.constant 0 : i32
          %dma_wait3A_922 = arith.constant 0 : i32
          %dma_wait3A_923 = tpu.memref_slice %arg8[%dma_wait3A_921, %dma_wait3A_922] : memref<10112x16xf32, #tpu.memory_space<vmem_shared>> -> memref<10112x16xf32, #tpu.memory_space<vmem_shared>>
          tpu.wait_indirect_dma semaphore(%arg23 : memref<!tpu.dma_semaphore, #tpu.memory_space<semaphore_mem>>) src(%dma_wait3A_917 : memref<128x16xf32, #tpu.memory_space<vmem>>) dst(%dma_wait3A_923 : memref<10112x16xf32, #tpu.memory_space<vmem_shared>>)
          %dma_wait3A_924 = arith.constant 2 : i32
          %dma_wait3A_925 = arith.constant 0 : i32
          %dma_wait3A_926 = arith.constant 0 : i32
          %dma_wait3A_927 = arith.constant 0 : i32
          %dma_wait3A_928 = tpu.memref_slice %arg12[%dma_wait3A_924, %dma_wait3A_926, %dma_wait3A_927] : memref<8x128x16xf32, #tpu.memory_space<vmem>> -> memref<1x128x16xf32, #tpu.memory_space<vmem>>
          %dma_wait3A_929 = tpu.memref_squeeze %dma_wait3A_928 : memref<1x128x16xf32, #tpu.memory_space<vmem>> -> memref<128x16xf32, #tpu.memory_space<vmem>>
          %dma_wait3A_930 = arith.constant 0 : i32
          %dma_wait3A_931 = tpu.memref_slice %arg10[%dma_wait3A_925, %dma_wait3A_930] : memref<80x128xi32, #tpu.memory_space<vmem>> -> memref<1x128xi32, #tpu.memory_space<vmem>>
          %dma_wait3A_932 = tpu.memref_squeeze %dma_wait3A_931 : memref<1x128xi32, #tpu.memory_space<vmem>> -> memref<128xi32, #tpu.memory_space<vmem>>
          %dma_wait3A_933 = arith.constant 0 : i32
          %dma_wait3A_934 = arith.constant 0 : i32
          %dma_wait3A_935 = tpu.memref_slice %arg8[%dma_wait3A_933, %dma_wait3A_934] : memref<10112x16xf32, #tpu.memory_space<vmem_shared>> -> memref<10112x16xf32, #tpu.memory_space<vmem_shared>>
          tpu.wait_indirect_dma semaphore(%arg23 : memref<!tpu.dma_semaphore, #tpu.memory_space<semaphore_mem>>) src(%dma_wait3A_929 : memref<128x16xf32, #tpu.memory_space<vmem>>) dst(%dma_wait3A_935 : memref<10112x16xf32, #tpu.memory_space<vmem_shared>>)
          %dma_wait3A_936 = arith.constant 3 : i32
          %dma_wait3A_937 = arith.constant 0 : i32
          %dma_wait3A_938 = arith.constant 0 : i32
          %dma_wait3A_939 = arith.constant 0 : i32
          %dma_wait3A_940 = tpu.memref_slice %arg12[%dma_wait3A_936, %dma_wait3A_938, %dma_wait3A_939] : memref<8x128x16xf32, #tpu.memory_space<vmem>> -> memref<1x128x16xf32, #tpu.memory_space<vmem>>
          %dma_wait3A_941 = tpu.memref_squeeze %dma_wait3A_940 : memref<1x128x16xf32, #tpu.memory_space<vmem>> -> memref<128x16xf32, #tpu.memory_space<vmem>>
          %dma_wait3A_942 = arith.constant 0 : i32
          %dma_wait3A_943 = tpu.memref_slice %arg10[%dma_wait3A_937, %dma_wait3A_942] : memref<80x128xi32, #tpu.memory_space<vmem>> -> memref<1x128xi32, #tpu.memory_space<vmem>>
          %dma_wait3A_944 = tpu.memref_squeeze %dma_wait3A_943 : memref<1x128xi32, #tpu.memory_space<vmem>> -> memref<128xi32, #tpu.memory_space<vmem>>
          %dma_wait3A_945 = arith.constant 0 : i32
          %dma_wait3A_946 = arith.constant 0 : i32
          %dma_wait3A_947 = tpu.memref_slice %arg8[%dma_wait3A_945, %dma_wait3A_946] : memref<10112x16xf32, #tpu.memory_space<vmem_shared>> -> memref<10112x16xf32, #tpu.memory_space<vmem_shared>>
          tpu.wait_indirect_dma semaphore(%arg23 : memref<!tpu.dma_semaphore, #tpu.memory_space<semaphore_mem>>) src(%dma_wait3A_941 : memref<128x16xf32, #tpu.memory_space<vmem>>) dst(%dma_wait3A_947 : memref<10112x16xf32, #tpu.memory_space<vmem_shared>>)
          %dma_wait3A_948 = arith.constant 4 : i32
          %dma_wait3A_949 = arith.constant 0 : i32
          %dma_wait3A_950 = arith.constant 0 : i32
          %dma_wait3A_951 = arith.constant 0 : i32
          %dma_wait3A_952 = tpu.memref_slice %arg12[%dma_wait3A_948, %dma_wait3A_950, %dma_wait3A_951] : memref<8x128x16xf32, #tpu.memory_space<vmem>> -> memref<1x128x16xf32, #tpu.memory_space<vmem>>
          %dma_wait3A_953 = tpu.memref_squeeze %dma_wait3A_952 : memref<1x128x16xf32, #tpu.memory_space<vmem>> -> memref<128x16xf32, #tpu.memory_space<vmem>>
          %dma_wait3A_954 = arith.constant 0 : i32
          %dma_wait3A_955 = tpu.memref_slice %arg10[%dma_wait3A_949, %dma_wait3A_954] : memref<80x128xi32, #tpu.memory_space<vmem>> -> memref<1x128xi32, #tpu.memory_space<vmem>>
          %dma_wait3A_956 = tpu.memref_squeeze %dma_wait3A_955 : memref<1x128xi32, #tpu.memory_space<vmem>> -> memref<128xi32, #tpu.memory_space<vmem>>
          %dma_wait3A_957 = arith.constant 0 : i32
          %dma_wait3A_958 = arith.constant 0 : i32
          %dma_wait3A_959 = tpu.memref_slice %arg8[%dma_wait3A_957, %dma_wait3A_958] : memref<10112x16xf32, #tpu.memory_space<vmem_shared>> -> memref<10112x16xf32, #tpu.memory_space<vmem_shared>>
          tpu.wait_indirect_dma semaphore(%arg23 : memref<!tpu.dma_semaphore, #tpu.memory_space<semaphore_mem>>) src(%dma_wait3A_953 : memref<128x16xf32, #tpu.memory_space<vmem>>) dst(%dma_wait3A_959 : memref<10112x16xf32, #tpu.memory_space<vmem_shared>>)
          %dma_wait3A_960 = arith.constant 5 : i32
          %dma_wait3A_961 = arith.constant 0 : i32
          %dma_wait3A_962 = arith.constant 0 : i32
          %dma_wait3A_963 = arith.constant 0 : i32
          %dma_wait3A_964 = tpu.memref_slice %arg12[%dma_wait3A_960, %dma_wait3A_962, %dma_wait3A_963] : memref<8x128x16xf32, #tpu.memory_space<vmem>> -> memref<1x128x16xf32, #tpu.memory_space<vmem>>
          %dma_wait3A_965 = tpu.memref_squeeze %dma_wait3A_964 : memref<1x128x16xf32, #tpu.memory_space<vmem>> -> memref<128x16xf32, #tpu.memory_space<vmem>>
          %dma_wait3A_966 = arith.constant 0 : i32
          %dma_wait3A_967 = tpu.memref_slice %arg10[%dma_wait3A_961, %dma_wait3A_966] : memref<80x128xi32, #tpu.memory_space<vmem>> -> memref<1x128xi32, #tpu.memory_space<vmem>>
          %dma_wait3A_968 = tpu.memref_squeeze %dma_wait3A_967 : memref<1x128xi32, #tpu.memory_space<vmem>> -> memref<128xi32, #tpu.memory_space<vmem>>
          %dma_wait3A_969 = arith.constant 0 : i32
          %dma_wait3A_970 = arith.constant 0 : i32
          %dma_wait3A_971 = tpu.memref_slice %arg8[%dma_wait3A_969, %dma_wait3A_970] : memref<10112x16xf32, #tpu.memory_space<vmem_shared>> -> memref<10112x16xf32, #tpu.memory_space<vmem_shared>>
          tpu.wait_indirect_dma semaphore(%arg23 : memref<!tpu.dma_semaphore, #tpu.memory_space<semaphore_mem>>) src(%dma_wait3A_965 : memref<128x16xf32, #tpu.memory_space<vmem>>) dst(%dma_wait3A_971 : memref<10112x16xf32, #tpu.memory_space<vmem_shared>>)
          %dma_wait3A_972 = arith.constant 6 : i32
          %dma_wait3A_973 = arith.constant 0 : i32
          %dma_wait3A_974 = arith.constant 0 : i32
          %dma_wait3A_975 = arith.constant 0 : i32
          %dma_wait3A_976 = tpu.memref_slice %arg12[%dma_wait3A_972, %dma_wait3A_974, %dma_wait3A_975] : memref<8x128x16xf32, #tpu.memory_space<vmem>> -> memref<1x128x16xf32, #tpu.memory_space<vmem>>
          %dma_wait3A_977 = tpu.memref_squeeze %dma_wait3A_976 : memref<1x128x16xf32, #tpu.memory_space<vmem>> -> memref<128x16xf32, #tpu.memory_space<vmem>>
          %dma_wait3A_978 = arith.constant 0 : i32
          %dma_wait3A_979 = tpu.memref_slice %arg10[%dma_wait3A_973, %dma_wait3A_978] : memref<80x128xi32, #tpu.memory_space<vmem>> -> memref<1x128xi32, #tpu.memory_space<vmem>>
          %dma_wait3A_980 = tpu.memref_squeeze %dma_wait3A_979 : memref<1x128xi32, #tpu.memory_space<vmem>> -> memref<128xi32, #tpu.memory_space<vmem>>
          %dma_wait3A_981 = arith.constant 0 : i32
          %dma_wait3A_982 = arith.constant 0 : i32
          %dma_wait3A_983 = tpu.memref_slice %arg8[%dma_wait3A_981, %dma_wait3A_982] : memref<10112x16xf32, #tpu.memory_space<vmem_shared>> -> memref<10112x16xf32, #tpu.memory_space<vmem_shared>>
          tpu.wait_indirect_dma semaphore(%arg23 : memref<!tpu.dma_semaphore, #tpu.memory_space<semaphore_mem>>) src(%dma_wait3A_977 : memref<128x16xf32, #tpu.memory_space<vmem>>) dst(%dma_wait3A_983 : memref<10112x16xf32, #tpu.memory_space<vmem_shared>>)
          %dma_wait3A_984 = arith.constant 7 : i32
          %dma_wait3A_985 = arith.constant 0 : i32
          %dma_wait3A_986 = arith.constant 0 : i32
          %dma_wait3A_987 = arith.constant 0 : i32
          %dma_wait3A_988 = tpu.memref_slice %arg12[%dma_wait3A_984, %dma_wait3A_986, %dma_wait3A_987] : memref<8x128x16xf32, #tpu.memory_space<vmem>> -> memref<1x128x16xf32, #tpu.memory_space<vmem>>
          %dma_wait3A_989 = tpu.memref_squeeze %dma_wait3A_988 : memref<1x128x16xf32, #tpu.memory_space<vmem>> -> memref<128x16xf32, #tpu.memory_space<vmem>>
          %dma_wait3A_990 = arith.constant 0 : i32
          %dma_wait3A_991 = tpu.memref_slice %arg10[%dma_wait3A_985, %dma_wait3A_990] : memref<80x128xi32, #tpu.memory_space<vmem>> -> memref<1x128xi32, #tpu.memory_space<vmem>>
          %dma_wait3A_992 = tpu.memref_squeeze %dma_wait3A_991 : memref<1x128xi32, #tpu.memory_space<vmem>> -> memref<128xi32, #tpu.memory_space<vmem>>
          %dma_wait3A_993 = arith.constant 0 : i32
          %dma_wait3A_994 = arith.constant 0 : i32
          %dma_wait3A_995 = tpu.memref_slice %arg8[%dma_wait3A_993, %dma_wait3A_994] : memref<10112x16xf32, #tpu.memory_space<vmem_shared>> -> memref<10112x16xf32, #tpu.memory_space<vmem_shared>>
          tpu.wait_indirect_dma semaphore(%arg23 : memref<!tpu.dma_semaphore, #tpu.memory_space<semaphore_mem>>) src(%dma_wait3A_989 : memref<128x16xf32, #tpu.memory_space<vmem>>) dst(%dma_wait3A_995 : memref<10112x16xf32, #tpu.memory_space<vmem_shared>>)
        } else {
        }
        %add3A_489 = arith.constant 8 : i32
        %add3A_490 = arith.addi %mul3A_284, %add3A_489 : i32
        %add3A_491 = arith.constant 0 : i32
        %add3A_492 = arith.addi %add3A_490, %add3A_491 : i32
        %dma_start3A_493 = arith.constant 0 : i32
        %dma_start3A_494 = arith.constant 0 : i32
        %dma_start3A_495 = arith.constant 0 : i32
        %dma_start3A_496 = tpu.memref_slice %arg12[%dma_start3A_493, %dma_start3A_494, %dma_start3A_495] : memref<8x128x16xf32, #tpu.memory_space<vmem>> -> memref<1x128x16xf32, #tpu.memory_space<vmem>>
        %dma_start3A_497 = tpu.memref_squeeze %dma_start3A_496 : memref<1x128x16xf32, #tpu.memory_space<vmem>> -> memref<128x16xf32, #tpu.memory_space<vmem>>
        %dma_start3A_498 = arith.constant 0 : i32
        %dma_start3A_499 = tpu.memref_slice %arg9[%add3A_492, %dma_start3A_498] : memref<80x128xi32, #tpu.memory_space<vmem>> -> memref<1x128xi32, #tpu.memory_space<vmem>>
        %dma_start3A_500 = tpu.memref_squeeze %dma_start3A_499 : memref<1x128xi32, #tpu.memory_space<vmem>> -> memref<128xi32, #tpu.memory_space<vmem>>
        %dma_start3A_501 = arith.constant 0 : i32
        %dma_start3A_502 = arith.constant 0 : i32
        %dma_start3A_503 = tpu.memref_slice %arg7[%dma_start3A_501, %dma_start3A_502] : memref<10112x16xf32, #tpu.memory_space<vmem_shared>> -> memref<10112x16xf32, #tpu.memory_space<vmem_shared>>
        tpu.enqueue_indirect_dma source(%dma_start3A_503 : memref<10112x16xf32, #tpu.memory_space<vmem_shared>>) target(%dma_start3A_497 : memref<128x16xf32, #tpu.memory_space<vmem>>) offsets(%dma_start3A_500 : memref<128xi32, #tpu.memory_space<vmem>>) semaphore(%arg21 : memref<!tpu.dma_semaphore, #tpu.memory_space<semaphore_mem>>)
        %add3A_504 = arith.constant 1 : i32
        %add3A_505 = arith.addi %add3A_490, %add3A_504 : i32
        %dma_start3A_506 = arith.constant 1 : i32
        %dma_start3A_507 = arith.constant 0 : i32
        %dma_start3A_508 = arith.constant 0 : i32
        %dma_start3A_509 = tpu.memref_slice %arg12[%dma_start3A_506, %dma_start3A_507, %dma_start3A_508] : memref<8x128x16xf32, #tpu.memory_space<vmem>> -> memref<1x128x16xf32, #tpu.memory_space<vmem>>
        %dma_start3A_510 = tpu.memref_squeeze %dma_start3A_509 : memref<1x128x16xf32, #tpu.memory_space<vmem>> -> memref<128x16xf32, #tpu.memory_space<vmem>>
        %dma_start3A_511 = arith.constant 0 : i32
        %dma_start3A_512 = tpu.memref_slice %arg9[%add3A_505, %dma_start3A_511] : memref<80x128xi32, #tpu.memory_space<vmem>> -> memref<1x128xi32, #tpu.memory_space<vmem>>
        %dma_start3A_513 = tpu.memref_squeeze %dma_start3A_512 : memref<1x128xi32, #tpu.memory_space<vmem>> -> memref<128xi32, #tpu.memory_space<vmem>>
        %dma_start3A_514 = arith.constant 0 : i32
        %dma_start3A_515 = arith.constant 0 : i32
        %dma_start3A_516 = tpu.memref_slice %arg7[%dma_start3A_514, %dma_start3A_515] : memref<10112x16xf32, #tpu.memory_space<vmem_shared>> -> memref<10112x16xf32, #tpu.memory_space<vmem_shared>>
        tpu.enqueue_indirect_dma source(%dma_start3A_516 : memref<10112x16xf32, #tpu.memory_space<vmem_shared>>) target(%dma_start3A_510 : memref<128x16xf32, #tpu.memory_space<vmem>>) offsets(%dma_start3A_513 : memref<128xi32, #tpu.memory_space<vmem>>) semaphore(%arg21 : memref<!tpu.dma_semaphore, #tpu.memory_space<semaphore_mem>>)
        %add3A_517 = arith.constant 2 : i32
        %add3A_518 = arith.addi %add3A_490, %add3A_517 : i32
        %dma_start3A_519 = arith.constant 2 : i32
        %dma_start3A_520 = arith.constant 0 : i32
        %dma_start3A_521 = arith.constant 0 : i32
        %dma_start3A_522 = tpu.memref_slice %arg12[%dma_start3A_519, %dma_start3A_520, %dma_start3A_521] : memref<8x128x16xf32, #tpu.memory_space<vmem>> -> memref<1x128x16xf32, #tpu.memory_space<vmem>>
        %dma_start3A_523 = tpu.memref_squeeze %dma_start3A_522 : memref<1x128x16xf32, #tpu.memory_space<vmem>> -> memref<128x16xf32, #tpu.memory_space<vmem>>
        %dma_start3A_524 = arith.constant 0 : i32
        %dma_start3A_525 = tpu.memref_slice %arg9[%add3A_518, %dma_start3A_524] : memref<80x128xi32, #tpu.memory_space<vmem>> -> memref<1x128xi32, #tpu.memory_space<vmem>>
        %dma_start3A_526 = tpu.memref_squeeze %dma_start3A_525 : memref<1x128xi32, #tpu.memory_space<vmem>> -> memref<128xi32, #tpu.memory_space<vmem>>
        %dma_start3A_527 = arith.constant 0 : i32
        %dma_start3A_528 = arith.constant 0 : i32
        %dma_start3A_529 = tpu.memref_slice %arg7[%dma_start3A_527, %dma_start3A_528] : memref<10112x16xf32, #tpu.memory_space<vmem_shared>> -> memref<10112x16xf32, #tpu.memory_space<vmem_shared>>
        tpu.enqueue_indirect_dma source(%dma_start3A_529 : memref<10112x16xf32, #tpu.memory_space<vmem_shared>>) target(%dma_start3A_523 : memref<128x16xf32, #tpu.memory_space<vmem>>) offsets(%dma_start3A_526 : memref<128xi32, #tpu.memory_space<vmem>>) semaphore(%arg21 : memref<!tpu.dma_semaphore, #tpu.memory_space<semaphore_mem>>)
        %add3A_530 = arith.constant 3 : i32
        %add3A_531 = arith.addi %add3A_490, %add3A_530 : i32
        %dma_start3A_532 = arith.constant 3 : i32
        %dma_start3A_533 = arith.constant 0 : i32
        %dma_start3A_534 = arith.constant 0 : i32
        %dma_start3A_535 = tpu.memref_slice %arg12[%dma_start3A_532, %dma_start3A_533, %dma_start3A_534] : memref<8x128x16xf32, #tpu.memory_space<vmem>> -> memref<1x128x16xf32, #tpu.memory_space<vmem>>
        %dma_start3A_536 = tpu.memref_squeeze %dma_start3A_535 : memref<1x128x16xf32, #tpu.memory_space<vmem>> -> memref<128x16xf32, #tpu.memory_space<vmem>>
        %dma_start3A_537 = arith.constant 0 : i32
        %dma_start3A_538 = tpu.memref_slice %arg9[%add3A_531, %dma_start3A_537] : memref<80x128xi32, #tpu.memory_space<vmem>> -> memref<1x128xi32, #tpu.memory_space<vmem>>
        %dma_start3A_539 = tpu.memref_squeeze %dma_start3A_538 : memref<1x128xi32, #tpu.memory_space<vmem>> -> memref<128xi32, #tpu.memory_space<vmem>>
        %dma_start3A_540 = arith.constant 0 : i32
        %dma_start3A_541 = arith.constant 0 : i32
        %dma_start3A_542 = tpu.memref_slice %arg7[%dma_start3A_540, %dma_start3A_541] : memref<10112x16xf32, #tpu.memory_space<vmem_shared>> -> memref<10112x16xf32, #tpu.memory_space<vmem_shared>>
        tpu.enqueue_indirect_dma source(%dma_start3A_542 : memref<10112x16xf32, #tpu.memory_space<vmem_shared>>) target(%dma_start3A_536 : memref<128x16xf32, #tpu.memory_space<vmem>>) offsets(%dma_start3A_539 : memref<128xi32, #tpu.memory_space<vmem>>) semaphore(%arg21 : memref<!tpu.dma_semaphore, #tpu.memory_space<semaphore_mem>>)
        %add3A_543 = arith.constant 4 : i32
        %add3A_544 = arith.addi %add3A_490, %add3A_543 : i32
        %dma_start3A_545 = arith.constant 4 : i32
        %dma_start3A_546 = arith.constant 0 : i32
        %dma_start3A_547 = arith.constant 0 : i32
        %dma_start3A_548 = tpu.memref_slice %arg12[%dma_start3A_545, %dma_start3A_546, %dma_start3A_547] : memref<8x128x16xf32, #tpu.memory_space<vmem>> -> memref<1x128x16xf32, #tpu.memory_space<vmem>>
        %dma_start3A_549 = tpu.memref_squeeze %dma_start3A_548 : memref<1x128x16xf32, #tpu.memory_space<vmem>> -> memref<128x16xf32, #tpu.memory_space<vmem>>
        %dma_start3A_550 = arith.constant 0 : i32
        %dma_start3A_551 = tpu.memref_slice %arg9[%add3A_544, %dma_start3A_550] : memref<80x128xi32, #tpu.memory_space<vmem>> -> memref<1x128xi32, #tpu.memory_space<vmem>>
        %dma_start3A_552 = tpu.memref_squeeze %dma_start3A_551 : memref<1x128xi32, #tpu.memory_space<vmem>> -> memref<128xi32, #tpu.memory_space<vmem>>
        %dma_start3A_553 = arith.constant 0 : i32
        %dma_start3A_554 = arith.constant 0 : i32
        %dma_start3A_555 = tpu.memref_slice %arg7[%dma_start3A_553, %dma_start3A_554] : memref<10112x16xf32, #tpu.memory_space<vmem_shared>> -> memref<10112x16xf32, #tpu.memory_space<vmem_shared>>
        tpu.enqueue_indirect_dma source(%dma_start3A_555 : memref<10112x16xf32, #tpu.memory_space<vmem_shared>>) target(%dma_start3A_549 : memref<128x16xf32, #tpu.memory_space<vmem>>) offsets(%dma_start3A_552 : memref<128xi32, #tpu.memory_space<vmem>>) semaphore(%arg21 : memref<!tpu.dma_semaphore, #tpu.memory_space<semaphore_mem>>)
        %add3A_556 = arith.constant 5 : i32
        %add3A_557 = arith.addi %add3A_490, %add3A_556 : i32
        %dma_start3A_558 = arith.constant 5 : i32
        %dma_start3A_559 = arith.constant 0 : i32
        %dma_start3A_560 = arith.constant 0 : i32
        %dma_start3A_561 = tpu.memref_slice %arg12[%dma_start3A_558, %dma_start3A_559, %dma_start3A_560] : memref<8x128x16xf32, #tpu.memory_space<vmem>> -> memref<1x128x16xf32, #tpu.memory_space<vmem>>
        %dma_start3A_562 = tpu.memref_squeeze %dma_start3A_561 : memref<1x128x16xf32, #tpu.memory_space<vmem>> -> memref<128x16xf32, #tpu.memory_space<vmem>>
        %dma_start3A_563 = arith.constant 0 : i32
        %dma_start3A_564 = tpu.memref_slice %arg9[%add3A_557, %dma_start3A_563] : memref<80x128xi32, #tpu.memory_space<vmem>> -> memref<1x128xi32, #tpu.memory_space<vmem>>
        %dma_start3A_565 = tpu.memref_squeeze %dma_start3A_564 : memref<1x128xi32, #tpu.memory_space<vmem>> -> memref<128xi32, #tpu.memory_space<vmem>>
        %dma_start3A_566 = arith.constant 0 : i32
        %dma_start3A_567 = arith.constant 0 : i32
        %dma_start3A_568 = tpu.memref_slice %arg7[%dma_start3A_566, %dma_start3A_567] : memref<10112x16xf32, #tpu.memory_space<vmem_shared>> -> memref<10112x16xf32, #tpu.memory_space<vmem_shared>>
        tpu.enqueue_indirect_dma source(%dma_start3A_568 : memref<10112x16xf32, #tpu.memory_space<vmem_shared>>) target(%dma_start3A_562 : memref<128x16xf32, #tpu.memory_space<vmem>>) offsets(%dma_start3A_565 : memref<128xi32, #tpu.memory_space<vmem>>) semaphore(%arg21 : memref<!tpu.dma_semaphore, #tpu.memory_space<semaphore_mem>>)
        %add3A_569 = arith.constant 6 : i32
        %add3A_570 = arith.addi %add3A_490, %add3A_569 : i32
        %dma_start3A_571 = arith.constant 6 : i32
        %dma_start3A_572 = arith.constant 0 : i32
        %dma_start3A_573 = arith.constant 0 : i32
        %dma_start3A_574 = tpu.memref_slice %arg12[%dma_start3A_571, %dma_start3A_572, %dma_start3A_573] : memref<8x128x16xf32, #tpu.memory_space<vmem>> -> memref<1x128x16xf32, #tpu.memory_space<vmem>>
        %dma_start3A_575 = tpu.memref_squeeze %dma_start3A_574 : memref<1x128x16xf32, #tpu.memory_space<vmem>> -> memref<128x16xf32, #tpu.memory_space<vmem>>
        %dma_start3A_576 = arith.constant 0 : i32
        %dma_start3A_577 = tpu.memref_slice %arg9[%add3A_570, %dma_start3A_576] : memref<80x128xi32, #tpu.memory_space<vmem>> -> memref<1x128xi32, #tpu.memory_space<vmem>>
        %dma_start3A_578 = tpu.memref_squeeze %dma_start3A_577 : memref<1x128xi32, #tpu.memory_space<vmem>> -> memref<128xi32, #tpu.memory_space<vmem>>
        %dma_start3A_579 = arith.constant 0 : i32
        %dma_start3A_580 = arith.constant 0 : i32
        %dma_start3A_581 = tpu.memref_slice %arg7[%dma_start3A_579, %dma_start3A_580] : memref<10112x16xf32, #tpu.memory_space<vmem_shared>> -> memref<10112x16xf32, #tpu.memory_space<vmem_shared>>
        tpu.enqueue_indirect_dma source(%dma_start3A_581 : memref<10112x16xf32, #tpu.memory_space<vmem_shared>>) target(%dma_start3A_575 : memref<128x16xf32, #tpu.memory_space<vmem>>) offsets(%dma_start3A_578 : memref<128xi32, #tpu.memory_space<vmem>>) semaphore(%arg21 : memref<!tpu.dma_semaphore, #tpu.memory_space<semaphore_mem>>)
        %add3A_582 = arith.constant 7 : i32
        %add3A_583 = arith.addi %add3A_490, %add3A_582 : i32
        %dma_start3A_584 = arith.constant 7 : i32
        %dma_start3A_585 = arith.constant 0 : i32
        %dma_start3A_586 = arith.constant 0 : i32
        %dma_start3A_587 = tpu.memref_slice %arg12[%dma_start3A_584, %dma_start3A_585, %dma_start3A_586] : memref<8x128x16xf32, #tpu.memory_space<vmem>> -> memref<1x128x16xf32, #tpu.memory_space<vmem>>
        %dma_start3A_588 = tpu.memref_squeeze %dma_start3A_587 : memref<1x128x16xf32, #tpu.memory_space<vmem>> -> memref<128x16xf32, #tpu.memory_space<vmem>>
        %dma_start3A_589 = arith.constant 0 : i32
        %dma_start3A_590 = tpu.memref_slice %arg9[%add3A_583, %dma_start3A_589] : memref<80x128xi32, #tpu.memory_space<vmem>> -> memref<1x128xi32, #tpu.memory_space<vmem>>
        %dma_start3A_591 = tpu.memref_squeeze %dma_start3A_590 : memref<1x128xi32, #tpu.memory_space<vmem>> -> memref<128xi32, #tpu.memory_space<vmem>>
        %dma_start3A_592 = arith.constant 0 : i32
        %dma_start3A_593 = arith.constant 0 : i32
        %dma_start3A_594 = tpu.memref_slice %arg7[%dma_start3A_592, %dma_start3A_593] : memref<10112x16xf32, #tpu.memory_space<vmem_shared>> -> memref<10112x16xf32, #tpu.memory_space<vmem_shared>>
        tpu.enqueue_indirect_dma source(%dma_start3A_594 : memref<10112x16xf32, #tpu.memory_space<vmem_shared>>) target(%dma_start3A_588 : memref<128x16xf32, #tpu.memory_space<vmem>>) offsets(%dma_start3A_591 : memref<128xi32, #tpu.memory_space<vmem>>) semaphore(%arg21 : memref<!tpu.dma_semaphore, #tpu.memory_space<semaphore_mem>>)
        %dma_wait3A_595 = arith.constant 0 : i32
        %dma_wait3A_596 = arith.constant 0 : i32
        %dma_wait3A_597 = arith.constant 0 : i32
        %dma_wait3A_598 = arith.constant 0 : i32
        %dma_wait3A_599 = tpu.memref_slice %arg12[%dma_wait3A_596, %dma_wait3A_597, %dma_wait3A_598] : memref<8x128x16xf32, #tpu.memory_space<vmem>> -> memref<1x128x16xf32, #tpu.memory_space<vmem>>
        %dma_wait3A_600 = tpu.memref_squeeze %dma_wait3A_599 : memref<1x128x16xf32, #tpu.memory_space<vmem>> -> memref<128x16xf32, #tpu.memory_space<vmem>>
        %dma_wait3A_601 = arith.constant 0 : i32
        %dma_wait3A_602 = tpu.memref_slice %arg9[%dma_wait3A_595, %dma_wait3A_601] : memref<80x128xi32, #tpu.memory_space<vmem>> -> memref<1x128xi32, #tpu.memory_space<vmem>>
        %dma_wait3A_603 = tpu.memref_squeeze %dma_wait3A_602 : memref<1x128xi32, #tpu.memory_space<vmem>> -> memref<128xi32, #tpu.memory_space<vmem>>
        %dma_wait3A_604 = arith.constant 0 : i32
        %dma_wait3A_605 = arith.constant 0 : i32
        %dma_wait3A_606 = tpu.memref_slice %arg7[%dma_wait3A_604, %dma_wait3A_605] : memref<10112x16xf32, #tpu.memory_space<vmem_shared>> -> memref<10112x16xf32, #tpu.memory_space<vmem_shared>>
        tpu.wait_indirect_dma semaphore(%arg21 : memref<!tpu.dma_semaphore, #tpu.memory_space<semaphore_mem>>) src(%dma_wait3A_606 : memref<10112x16xf32, #tpu.memory_space<vmem_shared>>) dst(%dma_wait3A_600 : memref<128x16xf32, #tpu.memory_space<vmem>>)
        %dma_wait3A_607 = arith.constant 0 : i32
        %dma_wait3A_608 = arith.constant 1 : i32
        %dma_wait3A_609 = arith.constant 0 : i32
        %dma_wait3A_610 = arith.constant 0 : i32
        %dma_wait3A_611 = tpu.memref_slice %arg12[%dma_wait3A_608, %dma_wait3A_609, %dma_wait3A_610] : memref<8x128x16xf32, #tpu.memory_space<vmem>> -> memref<1x128x16xf32, #tpu.memory_space<vmem>>
        %dma_wait3A_612 = tpu.memref_squeeze %dma_wait3A_611 : memref<1x128x16xf32, #tpu.memory_space<vmem>> -> memref<128x16xf32, #tpu.memory_space<vmem>>
        %dma_wait3A_613 = arith.constant 0 : i32
        %dma_wait3A_614 = tpu.memref_slice %arg9[%dma_wait3A_607, %dma_wait3A_613] : memref<80x128xi32, #tpu.memory_space<vmem>> -> memref<1x128xi32, #tpu.memory_space<vmem>>
        %dma_wait3A_615 = tpu.memref_squeeze %dma_wait3A_614 : memref<1x128xi32, #tpu.memory_space<vmem>> -> memref<128xi32, #tpu.memory_space<vmem>>
        %dma_wait3A_616 = arith.constant 0 : i32
        %dma_wait3A_617 = arith.constant 0 : i32
        %dma_wait3A_618 = tpu.memref_slice %arg7[%dma_wait3A_616, %dma_wait3A_617] : memref<10112x16xf32, #tpu.memory_space<vmem_shared>> -> memref<10112x16xf32, #tpu.memory_space<vmem_shared>>
        tpu.wait_indirect_dma semaphore(%arg21 : memref<!tpu.dma_semaphore, #tpu.memory_space<semaphore_mem>>) src(%dma_wait3A_618 : memref<10112x16xf32, #tpu.memory_space<vmem_shared>>) dst(%dma_wait3A_612 : memref<128x16xf32, #tpu.memory_space<vmem>>)
        %dma_wait3A_619 = arith.constant 0 : i32
        %dma_wait3A_620 = arith.constant 2 : i32
        %dma_wait3A_621 = arith.constant 0 : i32
        %dma_wait3A_622 = arith.constant 0 : i32
        %dma_wait3A_623 = tpu.memref_slice %arg12[%dma_wait3A_620, %dma_wait3A_621, %dma_wait3A_622] : memref<8x128x16xf32, #tpu.memory_space<vmem>> -> memref<1x128x16xf32, #tpu.memory_space<vmem>>
        %dma_wait3A_624 = tpu.memref_squeeze %dma_wait3A_623 : memref<1x128x16xf32, #tpu.memory_space<vmem>> -> memref<128x16xf32, #tpu.memory_space<vmem>>
        %dma_wait3A_625 = arith.constant 0 : i32
        %dma_wait3A_626 = tpu.memref_slice %arg9[%dma_wait3A_619, %dma_wait3A_625] : memref<80x128xi32, #tpu.memory_space<vmem>> -> memref<1x128xi32, #tpu.memory_space<vmem>>
        %dma_wait3A_627 = tpu.memref_squeeze %dma_wait3A_626 : memref<1x128xi32, #tpu.memory_space<vmem>> -> memref<128xi32, #tpu.memory_space<vmem>>
        %dma_wait3A_628 = arith.constant 0 : i32
        %dma_wait3A_629 = arith.constant 0 : i32
        %dma_wait3A_630 = tpu.memref_slice %arg7[%dma_wait3A_628, %dma_wait3A_629] : memref<10112x16xf32, #tpu.memory_space<vmem_shared>> -> memref<10112x16xf32, #tpu.memory_space<vmem_shared>>
        tpu.wait_indirect_dma semaphore(%arg21 : memref<!tpu.dma_semaphore, #tpu.memory_space<semaphore_mem>>) src(%dma_wait3A_630 : memref<10112x16xf32, #tpu.memory_space<vmem_shared>>) dst(%dma_wait3A_624 : memref<128x16xf32, #tpu.memory_space<vmem>>)
        %dma_wait3A_631 = arith.constant 0 : i32
        %dma_wait3A_632 = arith.constant 3 : i32
        %dma_wait3A_633 = arith.constant 0 : i32
        %dma_wait3A_634 = arith.constant 0 : i32
        %dma_wait3A_635 = tpu.memref_slice %arg12[%dma_wait3A_632, %dma_wait3A_633, %dma_wait3A_634] : memref<8x128x16xf32, #tpu.memory_space<vmem>> -> memref<1x128x16xf32, #tpu.memory_space<vmem>>
        %dma_wait3A_636 = tpu.memref_squeeze %dma_wait3A_635 : memref<1x128x16xf32, #tpu.memory_space<vmem>> -> memref<128x16xf32, #tpu.memory_space<vmem>>
        %dma_wait3A_637 = arith.constant 0 : i32
        %dma_wait3A_638 = tpu.memref_slice %arg9[%dma_wait3A_631, %dma_wait3A_637] : memref<80x128xi32, #tpu.memory_space<vmem>> -> memref<1x128xi32, #tpu.memory_space<vmem>>
        %dma_wait3A_639 = tpu.memref_squeeze %dma_wait3A_638 : memref<1x128xi32, #tpu.memory_space<vmem>> -> memref<128xi32, #tpu.memory_space<vmem>>
        %dma_wait3A_640 = arith.constant 0 : i32
        %dma_wait3A_641 = arith.constant 0 : i32
        %dma_wait3A_642 = tpu.memref_slice %arg7[%dma_wait3A_640, %dma_wait3A_641] : memref<10112x16xf32, #tpu.memory_space<vmem_shared>> -> memref<10112x16xf32, #tpu.memory_space<vmem_shared>>
        tpu.wait_indirect_dma semaphore(%arg21 : memref<!tpu.dma_semaphore, #tpu.memory_space<semaphore_mem>>) src(%dma_wait3A_642 : memref<10112x16xf32, #tpu.memory_space<vmem_shared>>) dst(%dma_wait3A_636 : memref<128x16xf32, #tpu.memory_space<vmem>>)
        %dma_wait3A_643 = arith.constant 0 : i32
        %dma_wait3A_644 = arith.constant 4 : i32
        %dma_wait3A_645 = arith.constant 0 : i32
        %dma_wait3A_646 = arith.constant 0 : i32
        %dma_wait3A_647 = tpu.memref_slice %arg12[%dma_wait3A_644, %dma_wait3A_645, %dma_wait3A_646] : memref<8x128x16xf32, #tpu.memory_space<vmem>> -> memref<1x128x16xf32, #tpu.memory_space<vmem>>
        %dma_wait3A_648 = tpu.memref_squeeze %dma_wait3A_647 : memref<1x128x16xf32, #tpu.memory_space<vmem>> -> memref<128x16xf32, #tpu.memory_space<vmem>>
        %dma_wait3A_649 = arith.constant 0 : i32
        %dma_wait3A_650 = tpu.memref_slice %arg9[%dma_wait3A_643, %dma_wait3A_649] : memref<80x128xi32, #tpu.memory_space<vmem>> -> memref<1x128xi32, #tpu.memory_space<vmem>>
        %dma_wait3A_651 = tpu.memref_squeeze %dma_wait3A_650 : memref<1x128xi32, #tpu.memory_space<vmem>> -> memref<128xi32, #tpu.memory_space<vmem>>
        %dma_wait3A_652 = arith.constant 0 : i32
        %dma_wait3A_653 = arith.constant 0 : i32
        %dma_wait3A_654 = tpu.memref_slice %arg7[%dma_wait3A_652, %dma_wait3A_653] : memref<10112x16xf32, #tpu.memory_space<vmem_shared>> -> memref<10112x16xf32, #tpu.memory_space<vmem_shared>>
        tpu.wait_indirect_dma semaphore(%arg21 : memref<!tpu.dma_semaphore, #tpu.memory_space<semaphore_mem>>) src(%dma_wait3A_654 : memref<10112x16xf32, #tpu.memory_space<vmem_shared>>) dst(%dma_wait3A_648 : memref<128x16xf32, #tpu.memory_space<vmem>>)
        %dma_wait3A_655 = arith.constant 0 : i32
        %dma_wait3A_656 = arith.constant 5 : i32
        %dma_wait3A_657 = arith.constant 0 : i32
        %dma_wait3A_658 = arith.constant 0 : i32
        %dma_wait3A_659 = tpu.memref_slice %arg12[%dma_wait3A_656, %dma_wait3A_657, %dma_wait3A_658] : memref<8x128x16xf32, #tpu.memory_space<vmem>> -> memref<1x128x16xf32, #tpu.memory_space<vmem>>
        %dma_wait3A_660 = tpu.memref_squeeze %dma_wait3A_659 : memref<1x128x16xf32, #tpu.memory_space<vmem>> -> memref<128x16xf32, #tpu.memory_space<vmem>>
        %dma_wait3A_661 = arith.constant 0 : i32
        %dma_wait3A_662 = tpu.memref_slice %arg9[%dma_wait3A_655, %dma_wait3A_661] : memref<80x128xi32, #tpu.memory_space<vmem>> -> memref<1x128xi32, #tpu.memory_space<vmem>>
        %dma_wait3A_663 = tpu.memref_squeeze %dma_wait3A_662 : memref<1x128xi32, #tpu.memory_space<vmem>> -> memref<128xi32, #tpu.memory_space<vmem>>
        %dma_wait3A_664 = arith.constant 0 : i32
        %dma_wait3A_665 = arith.constant 0 : i32
        %dma_wait3A_666 = tpu.memref_slice %arg7[%dma_wait3A_664, %dma_wait3A_665] : memref<10112x16xf32, #tpu.memory_space<vmem_shared>> -> memref<10112x16xf32, #tpu.memory_space<vmem_shared>>
        tpu.wait_indirect_dma semaphore(%arg21 : memref<!tpu.dma_semaphore, #tpu.memory_space<semaphore_mem>>) src(%dma_wait3A_666 : memref<10112x16xf32, #tpu.memory_space<vmem_shared>>) dst(%dma_wait3A_660 : memref<128x16xf32, #tpu.memory_space<vmem>>)
        %dma_wait3A_667 = arith.constant 0 : i32
        %dma_wait3A_668 = arith.constant 6 : i32
        %dma_wait3A_669 = arith.constant 0 : i32
        %dma_wait3A_670 = arith.constant 0 : i32
        %dma_wait3A_671 = tpu.memref_slice %arg12[%dma_wait3A_668, %dma_wait3A_669, %dma_wait3A_670] : memref<8x128x16xf32, #tpu.memory_space<vmem>> -> memref<1x128x16xf32, #tpu.memory_space<vmem>>
        %dma_wait3A_672 = tpu.memref_squeeze %dma_wait3A_671 : memref<1x128x16xf32, #tpu.memory_space<vmem>> -> memref<128x16xf32, #tpu.memory_space<vmem>>
        %dma_wait3A_673 = arith.constant 0 : i32
        %dma_wait3A_674 = tpu.memref_slice %arg9[%dma_wait3A_667, %dma_wait3A_673] : memref<80x128xi32, #tpu.memory_space<vmem>> -> memref<1x128xi32, #tpu.memory_space<vmem>>
        %dma_wait3A_675 = tpu.memref_squeeze %dma_wait3A_674 : memref<1x128xi32, #tpu.memory_space<vmem>> -> memref<128xi32, #tpu.memory_space<vmem>>
        %dma_wait3A_676 = arith.constant 0 : i32
        %dma_wait3A_677 = arith.constant 0 : i32
        %dma_wait3A_678 = tpu.memref_slice %arg7[%dma_wait3A_676, %dma_wait3A_677] : memref<10112x16xf32, #tpu.memory_space<vmem_shared>> -> memref<10112x16xf32, #tpu.memory_space<vmem_shared>>
        tpu.wait_indirect_dma semaphore(%arg21 : memref<!tpu.dma_semaphore, #tpu.memory_space<semaphore_mem>>) src(%dma_wait3A_678 : memref<10112x16xf32, #tpu.memory_space<vmem_shared>>) dst(%dma_wait3A_672 : memref<128x16xf32, #tpu.memory_space<vmem>>)
        %dma_wait3A_679 = arith.constant 0 : i32
        %dma_wait3A_680 = arith.constant 7 : i32
        %dma_wait3A_681 = arith.constant 0 : i32
        %dma_wait3A_682 = arith.constant 0 : i32
        %dma_wait3A_683 = tpu.memref_slice %arg12[%dma_wait3A_680, %dma_wait3A_681, %dma_wait3A_682] : memref<8x128x16xf32, #tpu.memory_space<vmem>> -> memref<1x128x16xf32, #tpu.memory_space<vmem>>
        %dma_wait3A_684 = tpu.memref_squeeze %dma_wait3A_683 : memref<1x128x16xf32, #tpu.memory_space<vmem>> -> memref<128x16xf32, #tpu.memory_space<vmem>>
        %dma_wait3A_685 = arith.constant 0 : i32
        %dma_wait3A_686 = tpu.memref_slice %arg9[%dma_wait3A_679, %dma_wait3A_685] : memref<80x128xi32, #tpu.memory_space<vmem>> -> memref<1x128xi32, #tpu.memory_space<vmem>>
        %dma_wait3A_687 = tpu.memref_squeeze %dma_wait3A_686 : memref<1x128xi32, #tpu.memory_space<vmem>> -> memref<128xi32, #tpu.memory_space<vmem>>
        %dma_wait3A_688 = arith.constant 0 : i32
        %dma_wait3A_689 = arith.constant 0 : i32
        %dma_wait3A_690 = tpu.memref_slice %arg7[%dma_wait3A_688, %dma_wait3A_689] : memref<10112x16xf32, #tpu.memory_space<vmem_shared>> -> memref<10112x16xf32, #tpu.memory_space<vmem_shared>>
        tpu.wait_indirect_dma semaphore(%arg21 : memref<!tpu.dma_semaphore, #tpu.memory_space<semaphore_mem>>) src(%dma_wait3A_690 : memref<10112x16xf32, #tpu.memory_space<vmem_shared>>) dst(%dma_wait3A_684 : memref<128x16xf32, #tpu.memory_space<vmem>>)
        %add3A_691 = arith.constant 8 : i32
        %add3A_692 = arith.addi %mul3A_284, %add3A_691 : i32
        %add3A_693 = arith.constant 0 : i32
        %add3A_694 = arith.addi %add3A_692, %add3A_693 : i32
        %dma_start3A_695 = arith.constant 0 : i32
        %dma_start3A_696 = arith.constant 0 : i32
        %dma_start3A_697 = arith.constant 0 : i32
        %dma_start3A_698 = tpu.memref_slice %arg12[%dma_start3A_695, %dma_start3A_696, %dma_start3A_697] : memref<8x128x16xf32, #tpu.memory_space<vmem>> -> memref<1x128x16xf32, #tpu.memory_space<vmem>>
        %dma_start3A_699 = tpu.memref_squeeze %dma_start3A_698 : memref<1x128x16xf32, #tpu.memory_space<vmem>> -> memref<128x16xf32, #tpu.memory_space<vmem>>
        %dma_start3A_700 = arith.constant 0 : i32
        %dma_start3A_701 = tpu.memref_slice %arg10[%add3A_694, %dma_start3A_700] : memref<80x128xi32, #tpu.memory_space<vmem>> -> memref<1x128xi32, #tpu.memory_space<vmem>>
        %dma_start3A_702 = tpu.memref_squeeze %dma_start3A_701 : memref<1x128xi32, #tpu.memory_space<vmem>> -> memref<128xi32, #tpu.memory_space<vmem>>
        %dma_start3A_703 = arith.constant 0 : i32
        %dma_start3A_704 = arith.constant 0 : i32
        %dma_start3A_705 = tpu.memref_slice %arg8[%dma_start3A_703, %dma_start3A_704] : memref<10112x16xf32, #tpu.memory_space<vmem_shared>> -> memref<10112x16xf32, #tpu.memory_space<vmem_shared>>
        tpu.enqueue_indirect_dma source(%dma_start3A_699 : memref<128x16xf32, #tpu.memory_space<vmem>>) target(%dma_start3A_705 : memref<10112x16xf32, #tpu.memory_space<vmem_shared>>) offsets(%dma_start3A_702 : memref<128xi32, #tpu.memory_space<vmem>>) semaphore(%arg23 : memref<!tpu.dma_semaphore, #tpu.memory_space<semaphore_mem>>) {add = true}
        %add3A_706 = arith.constant 1 : i32
        %add3A_707 = arith.addi %add3A_692, %add3A_706 : i32
        %dma_start3A_708 = arith.constant 1 : i32
        %dma_start3A_709 = arith.constant 0 : i32
        %dma_start3A_710 = arith.constant 0 : i32
        %dma_start3A_711 = tpu.memref_slice %arg12[%dma_start3A_708, %dma_start3A_709, %dma_start3A_710] : memref<8x128x16xf32, #tpu.memory_space<vmem>> -> memref<1x128x16xf32, #tpu.memory_space<vmem>>
        %dma_start3A_712 = tpu.memref_squeeze %dma_start3A_711 : memref<1x128x16xf32, #tpu.memory_space<vmem>> -> memref<128x16xf32, #tpu.memory_space<vmem>>
        %dma_start3A_713 = arith.constant 0 : i32
        %dma_start3A_714 = tpu.memref_slice %arg10[%add3A_707, %dma_start3A_713] : memref<80x128xi32, #tpu.memory_space<vmem>> -> memref<1x128xi32, #tpu.memory_space<vmem>>
        %dma_start3A_715 = tpu.memref_squeeze %dma_start3A_714 : memref<1x128xi32, #tpu.memory_space<vmem>> -> memref<128xi32, #tpu.memory_space<vmem>>
        %dma_start3A_716 = arith.constant 0 : i32
        %dma_start3A_717 = arith.constant 0 : i32
        %dma_start3A_718 = tpu.memref_slice %arg8[%dma_start3A_716, %dma_start3A_717] : memref<10112x16xf32, #tpu.memory_space<vmem_shared>> -> memref<10112x16xf32, #tpu.memory_space<vmem_shared>>
        tpu.enqueue_indirect_dma source(%dma_start3A_712 : memref<128x16xf32, #tpu.memory_space<vmem>>) target(%dma_start3A_718 : memref<10112x16xf32, #tpu.memory_space<vmem_shared>>) offsets(%dma_start3A_715 : memref<128xi32, #tpu.memory_space<vmem>>) semaphore(%arg23 : memref<!tpu.dma_semaphore, #tpu.memory_space<semaphore_mem>>) {add = true}
        %add3A_719 = arith.constant 2 : i32
        %add3A_720 = arith.addi %add3A_692, %add3A_719 : i32
        %dma_start3A_721 = arith.constant 2 : i32
        %dma_start3A_722 = arith.constant 0 : i32
        %dma_start3A_723 = arith.constant 0 : i32
        %dma_start3A_724 = tpu.memref_slice %arg12[%dma_start3A_721, %dma_start3A_722, %dma_start3A_723] : memref<8x128x16xf32, #tpu.memory_space<vmem>> -> memref<1x128x16xf32, #tpu.memory_space<vmem>>
        %dma_start3A_725 = tpu.memref_squeeze %dma_start3A_724 : memref<1x128x16xf32, #tpu.memory_space<vmem>> -> memref<128x16xf32, #tpu.memory_space<vmem>>
        %dma_start3A_726 = arith.constant 0 : i32
        %dma_start3A_727 = tpu.memref_slice %arg10[%add3A_720, %dma_start3A_726] : memref<80x128xi32, #tpu.memory_space<vmem>> -> memref<1x128xi32, #tpu.memory_space<vmem>>
        %dma_start3A_728 = tpu.memref_squeeze %dma_start3A_727 : memref<1x128xi32, #tpu.memory_space<vmem>> -> memref<128xi32, #tpu.memory_space<vmem>>
        %dma_start3A_729 = arith.constant 0 : i32
        %dma_start3A_730 = arith.constant 0 : i32
        %dma_start3A_731 = tpu.memref_slice %arg8[%dma_start3A_729, %dma_start3A_730] : memref<10112x16xf32, #tpu.memory_space<vmem_shared>> -> memref<10112x16xf32, #tpu.memory_space<vmem_shared>>
        tpu.enqueue_indirect_dma source(%dma_start3A_725 : memref<128x16xf32, #tpu.memory_space<vmem>>) target(%dma_start3A_731 : memref<10112x16xf32, #tpu.memory_space<vmem_shared>>) offsets(%dma_start3A_728 : memref<128xi32, #tpu.memory_space<vmem>>) semaphore(%arg23 : memref<!tpu.dma_semaphore, #tpu.memory_space<semaphore_mem>>) {add = true}
        %add3A_732 = arith.constant 3 : i32
        %add3A_733 = arith.addi %add3A_692, %add3A_732 : i32
        %dma_start3A_734 = arith.constant 3 : i32
        %dma_start3A_735 = arith.constant 0 : i32
        %dma_start3A_736 = arith.constant 0 : i32
        %dma_start3A_737 = tpu.memref_slice %arg12[%dma_start3A_734, %dma_start3A_735, %dma_start3A_736] : memref<8x128x16xf32, #tpu.memory_space<vmem>> -> memref<1x128x16xf32, #tpu.memory_space<vmem>>
        %dma_start3A_738 = tpu.memref_squeeze %dma_start3A_737 : memref<1x128x16xf32, #tpu.memory_space<vmem>> -> memref<128x16xf32, #tpu.memory_space<vmem>>
        %dma_start3A_739 = arith.constant 0 : i32
        %dma_start3A_740 = tpu.memref_slice %arg10[%add3A_733, %dma_start3A_739] : memref<80x128xi32, #tpu.memory_space<vmem>> -> memref<1x128xi32, #tpu.memory_space<vmem>>
        %dma_start3A_741 = tpu.memref_squeeze %dma_start3A_740 : memref<1x128xi32, #tpu.memory_space<vmem>> -> memref<128xi32, #tpu.memory_space<vmem>>
        %dma_start3A_742 = arith.constant 0 : i32
        %dma_start3A_743 = arith.constant 0 : i32
        %dma_start3A_744 = tpu.memref_slice %arg8[%dma_start3A_742, %dma_start3A_743] : memref<10112x16xf32, #tpu.memory_space<vmem_shared>> -> memref<10112x16xf32, #tpu.memory_space<vmem_shared>>
        tpu.enqueue_indirect_dma source(%dma_start3A_738 : memref<128x16xf32, #tpu.memory_space<vmem>>) target(%dma_start3A_744 : memref<10112x16xf32, #tpu.memory_space<vmem_shared>>) offsets(%dma_start3A_741 : memref<128xi32, #tpu.memory_space<vmem>>) semaphore(%arg23 : memref<!tpu.dma_semaphore, #tpu.memory_space<semaphore_mem>>) {add = true}
        %add3A_745 = arith.constant 4 : i32
        %add3A_746 = arith.addi %add3A_692, %add3A_745 : i32
        %dma_start3A_747 = arith.constant 4 : i32
        %dma_start3A_748 = arith.constant 0 : i32
        %dma_start3A_749 = arith.constant 0 : i32
        %dma_start3A_750 = tpu.memref_slice %arg12[%dma_start3A_747, %dma_start3A_748, %dma_start3A_749] : memref<8x128x16xf32, #tpu.memory_space<vmem>> -> memref<1x128x16xf32, #tpu.memory_space<vmem>>
        %dma_start3A_751 = tpu.memref_squeeze %dma_start3A_750 : memref<1x128x16xf32, #tpu.memory_space<vmem>> -> memref<128x16xf32, #tpu.memory_space<vmem>>
        %dma_start3A_752 = arith.constant 0 : i32
        %dma_start3A_753 = tpu.memref_slice %arg10[%add3A_746, %dma_start3A_752] : memref<80x128xi32, #tpu.memory_space<vmem>> -> memref<1x128xi32, #tpu.memory_space<vmem>>
        %dma_start3A_754 = tpu.memref_squeeze %dma_start3A_753 : memref<1x128xi32, #tpu.memory_space<vmem>> -> memref<128xi32, #tpu.memory_space<vmem>>
        %dma_start3A_755 = arith.constant 0 : i32
        %dma_start3A_756 = arith.constant 0 : i32
        %dma_start3A_757 = tpu.memref_slice %arg8[%dma_start3A_755, %dma_start3A_756] : memref<10112x16xf32, #tpu.memory_space<vmem_shared>> -> memref<10112x16xf32, #tpu.memory_space<vmem_shared>>
        tpu.enqueue_indirect_dma source(%dma_start3A_751 : memref<128x16xf32, #tpu.memory_space<vmem>>) target(%dma_start3A_757 : memref<10112x16xf32, #tpu.memory_space<vmem_shared>>) offsets(%dma_start3A_754 : memref<128xi32, #tpu.memory_space<vmem>>) semaphore(%arg23 : memref<!tpu.dma_semaphore, #tpu.memory_space<semaphore_mem>>) {add = true}
        %add3A_758 = arith.constant 5 : i32
        %add3A_759 = arith.addi %add3A_692, %add3A_758 : i32
        %dma_start3A_760 = arith.constant 5 : i32
        %dma_start3A_761 = arith.constant 0 : i32
        %dma_start3A_762 = arith.constant 0 : i32
        %dma_start3A_763 = tpu.memref_slice %arg12[%dma_start3A_760, %dma_start3A_761, %dma_start3A_762] : memref<8x128x16xf32, #tpu.memory_space<vmem>> -> memref<1x128x16xf32, #tpu.memory_space<vmem>>
        %dma_start3A_764 = tpu.memref_squeeze %dma_start3A_763 : memref<1x128x16xf32, #tpu.memory_space<vmem>> -> memref<128x16xf32, #tpu.memory_space<vmem>>
        %dma_start3A_765 = arith.constant 0 : i32
        %dma_start3A_766 = tpu.memref_slice %arg10[%add3A_759, %dma_start3A_765] : memref<80x128xi32, #tpu.memory_space<vmem>> -> memref<1x128xi32, #tpu.memory_space<vmem>>
        %dma_start3A_767 = tpu.memref_squeeze %dma_start3A_766 : memref<1x128xi32, #tpu.memory_space<vmem>> -> memref<128xi32, #tpu.memory_space<vmem>>
        %dma_start3A_768 = arith.constant 0 : i32
        %dma_start3A_769 = arith.constant 0 : i32
        %dma_start3A_770 = tpu.memref_slice %arg8[%dma_start3A_768, %dma_start3A_769] : memref<10112x16xf32, #tpu.memory_space<vmem_shared>> -> memref<10112x16xf32, #tpu.memory_space<vmem_shared>>
        tpu.enqueue_indirect_dma source(%dma_start3A_764 : memref<128x16xf32, #tpu.memory_space<vmem>>) target(%dma_start3A_770 : memref<10112x16xf32, #tpu.memory_space<vmem_shared>>) offsets(%dma_start3A_767 : memref<128xi32, #tpu.memory_space<vmem>>) semaphore(%arg23 : memref<!tpu.dma_semaphore, #tpu.memory_space<semaphore_mem>>) {add = true}
        %add3A_771 = arith.constant 6 : i32
        %add3A_772 = arith.addi %add3A_692, %add3A_771 : i32
        %dma_start3A_773 = arith.constant 6 : i32
        %dma_start3A_774 = arith.constant 0 : i32
        %dma_start3A_775 = arith.constant 0 : i32
        %dma_start3A_776 = tpu.memref_slice %arg12[%dma_start3A_773, %dma_start3A_774, %dma_start3A_775] : memref<8x128x16xf32, #tpu.memory_space<vmem>> -> memref<1x128x16xf32, #tpu.memory_space<vmem>>
        %dma_start3A_777 = tpu.memref_squeeze %dma_start3A_776 : memref<1x128x16xf32, #tpu.memory_space<vmem>> -> memref<128x16xf32, #tpu.memory_space<vmem>>
        %dma_start3A_778 = arith.constant 0 : i32
        %dma_start3A_779 = tpu.memref_slice %arg10[%add3A_772, %dma_start3A_778] : memref<80x128xi32, #tpu.memory_space<vmem>> -> memref<1x128xi32, #tpu.memory_space<vmem>>
        %dma_start3A_780 = tpu.memref_squeeze %dma_start3A_779 : memref<1x128xi32, #tpu.memory_space<vmem>> -> memref<128xi32, #tpu.memory_space<vmem>>
        %dma_start3A_781 = arith.constant 0 : i32
        %dma_start3A_782 = arith.constant 0 : i32
        %dma_start3A_783 = tpu.memref_slice %arg8[%dma_start3A_781, %dma_start3A_782] : memref<10112x16xf32, #tpu.memory_space<vmem_shared>> -> memref<10112x16xf32, #tpu.memory_space<vmem_shared>>
        tpu.enqueue_indirect_dma source(%dma_start3A_777 : memref<128x16xf32, #tpu.memory_space<vmem>>) target(%dma_start3A_783 : memref<10112x16xf32, #tpu.memory_space<vmem_shared>>) offsets(%dma_start3A_780 : memref<128xi32, #tpu.memory_space<vmem>>) semaphore(%arg23 : memref<!tpu.dma_semaphore, #tpu.memory_space<semaphore_mem>>) {add = true}
        %add3A_784 = arith.constant 7 : i32
        %add3A_785 = arith.addi %add3A_692, %add3A_784 : i32
        %dma_start3A_786 = arith.constant 7 : i32
        %dma_start3A_787 = arith.constant 0 : i32
        %dma_start3A_788 = arith.constant 0 : i32
        %dma_start3A_789 = tpu.memref_slice %arg12[%dma_start3A_786, %dma_start3A_787, %dma_start3A_788] : memref<8x128x16xf32, #tpu.memory_space<vmem>> -> memref<1x128x16xf32, #tpu.memory_space<vmem>>
        %dma_start3A_790 = tpu.memref_squeeze %dma_start3A_789 : memref<1x128x16xf32, #tpu.memory_space<vmem>> -> memref<128x16xf32, #tpu.memory_space<vmem>>
        %dma_start3A_791 = arith.constant 0 : i32
        %dma_start3A_792 = tpu.memref_slice %arg10[%add3A_785, %dma_start3A_791] : memref<80x128xi32, #tpu.memory_space<vmem>> -> memref<1x128xi32, #tpu.memory_space<vmem>>
        %dma_start3A_793 = tpu.memref_squeeze %dma_start3A_792 : memref<1x128xi32, #tpu.memory_space<vmem>> -> memref<128xi32, #tpu.memory_space<vmem>>
        %dma_start3A_794 = arith.constant 0 : i32
        %dma_start3A_795 = arith.constant 0 : i32
        %dma_start3A_796 = tpu.memref_slice %arg8[%dma_start3A_794, %dma_start3A_795] : memref<10112x16xf32, #tpu.memory_space<vmem_shared>> -> memref<10112x16xf32, #tpu.memory_space<vmem_shared>>
        tpu.enqueue_indirect_dma source(%dma_start3A_790 : memref<128x16xf32, #tpu.memory_space<vmem>>) target(%dma_start3A_796 : memref<10112x16xf32, #tpu.memory_space<vmem_shared>>) offsets(%dma_start3A_793 : memref<128xi32, #tpu.memory_space<vmem>>) semaphore(%arg23 : memref<!tpu.dma_semaphore, #tpu.memory_space<semaphore_mem>>) {add = true}
        %dma_wait3A_797 = arith.constant 0 : i32
        %dma_wait3A_798 = arith.constant 0 : i32
        %dma_wait3A_799 = arith.constant 0 : i32
        %dma_wait3A_800 = arith.constant 0 : i32
        %dma_wait3A_801 = tpu.memref_slice %arg11[%dma_wait3A_797, %dma_wait3A_799, %dma_wait3A_800] : memref<8x128x16xf32, #tpu.memory_space<vmem>> -> memref<1x128x16xf32, #tpu.memory_space<vmem>>
        %dma_wait3A_802 = tpu.memref_squeeze %dma_wait3A_801 : memref<1x128x16xf32, #tpu.memory_space<vmem>> -> memref<128x16xf32, #tpu.memory_space<vmem>>
        %dma_wait3A_803 = arith.constant 0 : i32
        %dma_wait3A_804 = tpu.memref_slice %arg10[%dma_wait3A_798, %dma_wait3A_803] : memref<80x128xi32, #tpu.memory_space<vmem>> -> memref<1x128xi32, #tpu.memory_space<vmem>>
        %dma_wait3A_805 = tpu.memref_squeeze %dma_wait3A_804 : memref<1x128xi32, #tpu.memory_space<vmem>> -> memref<128xi32, #tpu.memory_space<vmem>>
        %dma_wait3A_806 = arith.constant 0 : i32
        %dma_wait3A_807 = arith.constant 0 : i32
        %dma_wait3A_808 = tpu.memref_slice %arg8[%dma_wait3A_806, %dma_wait3A_807] : memref<10112x16xf32, #tpu.memory_space<vmem_shared>> -> memref<10112x16xf32, #tpu.memory_space<vmem_shared>>
        tpu.wait_indirect_dma semaphore(%arg22 : memref<!tpu.dma_semaphore, #tpu.memory_space<semaphore_mem>>) src(%dma_wait3A_802 : memref<128x16xf32, #tpu.memory_space<vmem>>) dst(%dma_wait3A_808 : memref<10112x16xf32, #tpu.memory_space<vmem_shared>>)
        %dma_wait3A_809 = arith.constant 1 : i32
        %dma_wait3A_810 = arith.constant 0 : i32
        %dma_wait3A_811 = arith.constant 0 : i32
        %dma_wait3A_812 = arith.constant 0 : i32
        %dma_wait3A_813 = tpu.memref_slice %arg11[%dma_wait3A_809, %dma_wait3A_811, %dma_wait3A_812] : memref<8x128x16xf32, #tpu.memory_space<vmem>> -> memref<1x128x16xf32, #tpu.memory_space<vmem>>
        %dma_wait3A_814 = tpu.memref_squeeze %dma_wait3A_813 : memref<1x128x16xf32, #tpu.memory_space<vmem>> -> memref<128x16xf32, #tpu.memory_space<vmem>>
        %dma_wait3A_815 = arith.constant 0 : i32
        %dma_wait3A_816 = tpu.memref_slice %arg10[%dma_wait3A_810, %dma_wait3A_815] : memref<80x128xi32, #tpu.memory_space<vmem>> -> memref<1x128xi32, #tpu.memory_space<vmem>>
        %dma_wait3A_817 = tpu.memref_squeeze %dma_wait3A_816 : memref<1x128xi32, #tpu.memory_space<vmem>> -> memref<128xi32, #tpu.memory_space<vmem>>
        %dma_wait3A_818 = arith.constant 0 : i32
        %dma_wait3A_819 = arith.constant 0 : i32
        %dma_wait3A_820 = tpu.memref_slice %arg8[%dma_wait3A_818, %dma_wait3A_819] : memref<10112x16xf32, #tpu.memory_space<vmem_shared>> -> memref<10112x16xf32, #tpu.memory_space<vmem_shared>>
        tpu.wait_indirect_dma semaphore(%arg22 : memref<!tpu.dma_semaphore, #tpu.memory_space<semaphore_mem>>) src(%dma_wait3A_814 : memref<128x16xf32, #tpu.memory_space<vmem>>) dst(%dma_wait3A_820 : memref<10112x16xf32, #tpu.memory_space<vmem_shared>>)
        %dma_wait3A_821 = arith.constant 2 : i32
        %dma_wait3A_822 = arith.constant 0 : i32
        %dma_wait3A_823 = arith.constant 0 : i32
        %dma_wait3A_824 = arith.constant 0 : i32
        %dma_wait3A_825 = tpu.memref_slice %arg11[%dma_wait3A_821, %dma_wait3A_823, %dma_wait3A_824] : memref<8x128x16xf32, #tpu.memory_space<vmem>> -> memref<1x128x16xf32, #tpu.memory_space<vmem>>
        %dma_wait3A_826 = tpu.memref_squeeze %dma_wait3A_825 : memref<1x128x16xf32, #tpu.memory_space<vmem>> -> memref<128x16xf32, #tpu.memory_space<vmem>>
        %dma_wait3A_827 = arith.constant 0 : i32
        %dma_wait3A_828 = tpu.memref_slice %arg10[%dma_wait3A_822, %dma_wait3A_827] : memref<80x128xi32, #tpu.memory_space<vmem>> -> memref<1x128xi32, #tpu.memory_space<vmem>>
        %dma_wait3A_829 = tpu.memref_squeeze %dma_wait3A_828 : memref<1x128xi32, #tpu.memory_space<vmem>> -> memref<128xi32, #tpu.memory_space<vmem>>
        %dma_wait3A_830 = arith.constant 0 : i32
        %dma_wait3A_831 = arith.constant 0 : i32
        %dma_wait3A_832 = tpu.memref_slice %arg8[%dma_wait3A_830, %dma_wait3A_831] : memref<10112x16xf32, #tpu.memory_space<vmem_shared>> -> memref<10112x16xf32, #tpu.memory_space<vmem_shared>>
        tpu.wait_indirect_dma semaphore(%arg22 : memref<!tpu.dma_semaphore, #tpu.memory_space<semaphore_mem>>) src(%dma_wait3A_826 : memref<128x16xf32, #tpu.memory_space<vmem>>) dst(%dma_wait3A_832 : memref<10112x16xf32, #tpu.memory_space<vmem_shared>>)
        %dma_wait3A_833 = arith.constant 3 : i32
        %dma_wait3A_834 = arith.constant 0 : i32
        %dma_wait3A_835 = arith.constant 0 : i32
        %dma_wait3A_836 = arith.constant 0 : i32
        %dma_wait3A_837 = tpu.memref_slice %arg11[%dma_wait3A_833, %dma_wait3A_835, %dma_wait3A_836] : memref<8x128x16xf32, #tpu.memory_space<vmem>> -> memref<1x128x16xf32, #tpu.memory_space<vmem>>
        %dma_wait3A_838 = tpu.memref_squeeze %dma_wait3A_837 : memref<1x128x16xf32, #tpu.memory_space<vmem>> -> memref<128x16xf32, #tpu.memory_space<vmem>>
        %dma_wait3A_839 = arith.constant 0 : i32
        %dma_wait3A_840 = tpu.memref_slice %arg10[%dma_wait3A_834, %dma_wait3A_839] : memref<80x128xi32, #tpu.memory_space<vmem>> -> memref<1x128xi32, #tpu.memory_space<vmem>>
        %dma_wait3A_841 = tpu.memref_squeeze %dma_wait3A_840 : memref<1x128xi32, #tpu.memory_space<vmem>> -> memref<128xi32, #tpu.memory_space<vmem>>
        %dma_wait3A_842 = arith.constant 0 : i32
        %dma_wait3A_843 = arith.constant 0 : i32
        %dma_wait3A_844 = tpu.memref_slice %arg8[%dma_wait3A_842, %dma_wait3A_843] : memref<10112x16xf32, #tpu.memory_space<vmem_shared>> -> memref<10112x16xf32, #tpu.memory_space<vmem_shared>>
        tpu.wait_indirect_dma semaphore(%arg22 : memref<!tpu.dma_semaphore, #tpu.memory_space<semaphore_mem>>) src(%dma_wait3A_838 : memref<128x16xf32, #tpu.memory_space<vmem>>) dst(%dma_wait3A_844 : memref<10112x16xf32, #tpu.memory_space<vmem_shared>>)
        %dma_wait3A_845 = arith.constant 4 : i32
        %dma_wait3A_846 = arith.constant 0 : i32
        %dma_wait3A_847 = arith.constant 0 : i32
        %dma_wait3A_848 = arith.constant 0 : i32
        %dma_wait3A_849 = tpu.memref_slice %arg11[%dma_wait3A_845, %dma_wait3A_847, %dma_wait3A_848] : memref<8x128x16xf32, #tpu.memory_space<vmem>> -> memref<1x128x16xf32, #tpu.memory_space<vmem>>
        %dma_wait3A_850 = tpu.memref_squeeze %dma_wait3A_849 : memref<1x128x16xf32, #tpu.memory_space<vmem>> -> memref<128x16xf32, #tpu.memory_space<vmem>>
        %dma_wait3A_851 = arith.constant 0 : i32
        %dma_wait3A_852 = tpu.memref_slice %arg10[%dma_wait3A_846, %dma_wait3A_851] : memref<80x128xi32, #tpu.memory_space<vmem>> -> memref<1x128xi32, #tpu.memory_space<vmem>>
        %dma_wait3A_853 = tpu.memref_squeeze %dma_wait3A_852 : memref<1x128xi32, #tpu.memory_space<vmem>> -> memref<128xi32, #tpu.memory_space<vmem>>
        %dma_wait3A_854 = arith.constant 0 : i32
        %dma_wait3A_855 = arith.constant 0 : i32
        %dma_wait3A_856 = tpu.memref_slice %arg8[%dma_wait3A_854, %dma_wait3A_855] : memref<10112x16xf32, #tpu.memory_space<vmem_shared>> -> memref<10112x16xf32, #tpu.memory_space<vmem_shared>>
        tpu.wait_indirect_dma semaphore(%arg22 : memref<!tpu.dma_semaphore, #tpu.memory_space<semaphore_mem>>) src(%dma_wait3A_850 : memref<128x16xf32, #tpu.memory_space<vmem>>) dst(%dma_wait3A_856 : memref<10112x16xf32, #tpu.memory_space<vmem_shared>>)
        %dma_wait3A_857 = arith.constant 5 : i32
        %dma_wait3A_858 = arith.constant 0 : i32
        %dma_wait3A_859 = arith.constant 0 : i32
        %dma_wait3A_860 = arith.constant 0 : i32
        %dma_wait3A_861 = tpu.memref_slice %arg11[%dma_wait3A_857, %dma_wait3A_859, %dma_wait3A_860] : memref<8x128x16xf32, #tpu.memory_space<vmem>> -> memref<1x128x16xf32, #tpu.memory_space<vmem>>
        %dma_wait3A_862 = tpu.memref_squeeze %dma_wait3A_861 : memref<1x128x16xf32, #tpu.memory_space<vmem>> -> memref<128x16xf32, #tpu.memory_space<vmem>>
        %dma_wait3A_863 = arith.constant 0 : i32
        %dma_wait3A_864 = tpu.memref_slice %arg10[%dma_wait3A_858, %dma_wait3A_863] : memref<80x128xi32, #tpu.memory_space<vmem>> -> memref<1x128xi32, #tpu.memory_space<vmem>>
        %dma_wait3A_865 = tpu.memref_squeeze %dma_wait3A_864 : memref<1x128xi32, #tpu.memory_space<vmem>> -> memref<128xi32, #tpu.memory_space<vmem>>
        %dma_wait3A_866 = arith.constant 0 : i32
        %dma_wait3A_867 = arith.constant 0 : i32
        %dma_wait3A_868 = tpu.memref_slice %arg8[%dma_wait3A_866, %dma_wait3A_867] : memref<10112x16xf32, #tpu.memory_space<vmem_shared>> -> memref<10112x16xf32, #tpu.memory_space<vmem_shared>>
        tpu.wait_indirect_dma semaphore(%arg22 : memref<!tpu.dma_semaphore, #tpu.memory_space<semaphore_mem>>) src(%dma_wait3A_862 : memref<128x16xf32, #tpu.memory_space<vmem>>) dst(%dma_wait3A_868 : memref<10112x16xf32, #tpu.memory_space<vmem_shared>>)
        %dma_wait3A_869 = arith.constant 6 : i32
        %dma_wait3A_870 = arith.constant 0 : i32
        %dma_wait3A_871 = arith.constant 0 : i32
        %dma_wait3A_872 = arith.constant 0 : i32
        %dma_wait3A_873 = tpu.memref_slice %arg11[%dma_wait3A_869, %dma_wait3A_871, %dma_wait3A_872] : memref<8x128x16xf32, #tpu.memory_space<vmem>> -> memref<1x128x16xf32, #tpu.memory_space<vmem>>
        %dma_wait3A_874 = tpu.memref_squeeze %dma_wait3A_873 : memref<1x128x16xf32, #tpu.memory_space<vmem>> -> memref<128x16xf32, #tpu.memory_space<vmem>>
        %dma_wait3A_875 = arith.constant 0 : i32
        %dma_wait3A_876 = tpu.memref_slice %arg10[%dma_wait3A_870, %dma_wait3A_875] : memref<80x128xi32, #tpu.memory_space<vmem>> -> memref<1x128xi32, #tpu.memory_space<vmem>>
        %dma_wait3A_877 = tpu.memref_squeeze %dma_wait3A_876 : memref<1x128xi32, #tpu.memory_space<vmem>> -> memref<128xi32, #tpu.memory_space<vmem>>
        %dma_wait3A_878 = arith.constant 0 : i32
        %dma_wait3A_879 = arith.constant 0 : i32
        %dma_wait3A_880 = tpu.memref_slice %arg8[%dma_wait3A_878, %dma_wait3A_879] : memref<10112x16xf32, #tpu.memory_space<vmem_shared>> -> memref<10112x16xf32, #tpu.memory_space<vmem_shared>>
        tpu.wait_indirect_dma semaphore(%arg22 : memref<!tpu.dma_semaphore, #tpu.memory_space<semaphore_mem>>) src(%dma_wait3A_874 : memref<128x16xf32, #tpu.memory_space<vmem>>) dst(%dma_wait3A_880 : memref<10112x16xf32, #tpu.memory_space<vmem_shared>>)
        %dma_wait3A_881 = arith.constant 7 : i32
        %dma_wait3A_882 = arith.constant 0 : i32
        %dma_wait3A_883 = arith.constant 0 : i32
        %dma_wait3A_884 = arith.constant 0 : i32
        %dma_wait3A_885 = tpu.memref_slice %arg11[%dma_wait3A_881, %dma_wait3A_883, %dma_wait3A_884] : memref<8x128x16xf32, #tpu.memory_space<vmem>> -> memref<1x128x16xf32, #tpu.memory_space<vmem>>
        %dma_wait3A_886 = tpu.memref_squeeze %dma_wait3A_885 : memref<1x128x16xf32, #tpu.memory_space<vmem>> -> memref<128x16xf32, #tpu.memory_space<vmem>>
        %dma_wait3A_887 = arith.constant 0 : i32
        %dma_wait3A_888 = tpu.memref_slice %arg10[%dma_wait3A_882, %dma_wait3A_887] : memref<80x128xi32, #tpu.memory_space<vmem>> -> memref<1x128xi32, #tpu.memory_space<vmem>>
        %dma_wait3A_889 = tpu.memref_squeeze %dma_wait3A_888 : memref<1x128xi32, #tpu.memory_space<vmem>> -> memref<128xi32, #tpu.memory_space<vmem>>
        %dma_wait3A_890 = arith.constant 0 : i32
        %dma_wait3A_891 = arith.constant 0 : i32
        %dma_wait3A_892 = tpu.memref_slice %arg8[%dma_wait3A_890, %dma_wait3A_891] : memref<10112x16xf32, #tpu.memory_space<vmem_shared>> -> memref<10112x16xf32, #tpu.memory_space<vmem_shared>>
        tpu.wait_indirect_dma semaphore(%arg22 : memref<!tpu.dma_semaphore, #tpu.memory_space<semaphore_mem>>) src(%dma_wait3A_886 : memref<128x16xf32, #tpu.memory_space<vmem>>) dst(%dma_wait3A_892 : memref<10112x16xf32, #tpu.memory_space<vmem_shared>>)
        %add3A_893 = arith.constant 16 : i32
        %add3A_894 = arith.addi %mul3A_284, %add3A_893 : i32
        %lt3A_895 = arith.constant 80 : i32
        %lt3A_896 = arith.cmpi slt, %add3A_894, %lt3A_895 : i32
        %convert_element_type3A_897 = arith.extui %lt3A_896 : i1 to i32
        %cond3A_898 = arith.constant 0 : i32
        %cond3A_899 = arith.cmpi ne, %convert_element_type3A_897, %cond3A_898 : i32
        scf.if %cond3A_899 {
          %add3A_900 = arith.constant 16 : i32
          %add3A_901 = arith.addi %mul3A_284, %add3A_900 : i32
          %add3A_902 = arith.constant 0 : i32
          %add3A_903 = arith.addi %add3A_901, %add3A_902 : i32
          %dma_start3A_904 = arith.constant 0 : i32
          %dma_start3A_905 = arith.constant 0 : i32
          %dma_start3A_906 = arith.constant 0 : i32
          %dma_start3A_907 = tpu.memref_slice %arg11[%dma_start3A_904, %dma_start3A_905, %dma_start3A_906] : memref<8x128x16xf32, #tpu.memory_space<vmem>> -> memref<1x128x16xf32, #tpu.memory_space<vmem>>
          %dma_start3A_908 = tpu.memref_squeeze %dma_start3A_907 : memref<1x128x16xf32, #tpu.memory_space<vmem>> -> memref<128x16xf32, #tpu.memory_space<vmem>>
          %dma_start3A_909 = arith.constant 0 : i32
          %dma_start3A_910 = tpu.memref_slice %arg9[%add3A_903, %dma_start3A_909] : memref<80x128xi32, #tpu.memory_space<vmem>> -> memref<1x128xi32, #tpu.memory_space<vmem>>
          %dma_start3A_911 = tpu.memref_squeeze %dma_start3A_910 : memref<1x128xi32, #tpu.memory_space<vmem>> -> memref<128xi32, #tpu.memory_space<vmem>>
          %dma_start3A_912 = arith.constant 0 : i32
          %dma_start3A_913 = arith.constant 0 : i32
          %dma_start3A_914 = tpu.memref_slice %arg7[%dma_start3A_912, %dma_start3A_913] : memref<10112x16xf32, #tpu.memory_space<vmem_shared>> -> memref<10112x16xf32, #tpu.memory_space<vmem_shared>>
          tpu.enqueue_indirect_dma source(%dma_start3A_914 : memref<10112x16xf32, #tpu.memory_space<vmem_shared>>) target(%dma_start3A_908 : memref<128x16xf32, #tpu.memory_space<vmem>>) offsets(%dma_start3A_911 : memref<128xi32, #tpu.memory_space<vmem>>) semaphore(%arg20 : memref<!tpu.dma_semaphore, #tpu.memory_space<semaphore_mem>>)
          %add3A_915 = arith.constant 1 : i32
          %add3A_916 = arith.addi %add3A_901, %add3A_915 : i32
          %dma_start3A_917 = arith.constant 1 : i32
          %dma_start3A_918 = arith.constant 0 : i32
          %dma_start3A_919 = arith.constant 0 : i32
          %dma_start3A_920 = tpu.memref_slice %arg11[%dma_start3A_917, %dma_start3A_918, %dma_start3A_919] : memref<8x128x16xf32, #tpu.memory_space<vmem>> -> memref<1x128x16xf32, #tpu.memory_space<vmem>>
          %dma_start3A_921 = tpu.memref_squeeze %dma_start3A_920 : memref<1x128x16xf32, #tpu.memory_space<vmem>> -> memref<128x16xf32, #tpu.memory_space<vmem>>
          %dma_start3A_922 = arith.constant 0 : i32
          %dma_start3A_923 = tpu.memref_slice %arg9[%add3A_916, %dma_start3A_922] : memref<80x128xi32, #tpu.memory_space<vmem>> -> memref<1x128xi32, #tpu.memory_space<vmem>>
          %dma_start3A_924 = tpu.memref_squeeze %dma_start3A_923 : memref<1x128xi32, #tpu.memory_space<vmem>> -> memref<128xi32, #tpu.memory_space<vmem>>
          %dma_start3A_925 = arith.constant 0 : i32
          %dma_start3A_926 = arith.constant 0 : i32
          %dma_start3A_927 = tpu.memref_slice %arg7[%dma_start3A_925, %dma_start3A_926] : memref<10112x16xf32, #tpu.memory_space<vmem_shared>> -> memref<10112x16xf32, #tpu.memory_space<vmem_shared>>
          tpu.enqueue_indirect_dma source(%dma_start3A_927 : memref<10112x16xf32, #tpu.memory_space<vmem_shared>>) target(%dma_start3A_921 : memref<128x16xf32, #tpu.memory_space<vmem>>) offsets(%dma_start3A_924 : memref<128xi32, #tpu.memory_space<vmem>>) semaphore(%arg20 : memref<!tpu.dma_semaphore, #tpu.memory_space<semaphore_mem>>)
          %add3A_928 = arith.constant 2 : i32
          %add3A_929 = arith.addi %add3A_901, %add3A_928 : i32
          %dma_start3A_930 = arith.constant 2 : i32
          %dma_start3A_931 = arith.constant 0 : i32
          %dma_start3A_932 = arith.constant 0 : i32
          %dma_start3A_933 = tpu.memref_slice %arg11[%dma_start3A_930, %dma_start3A_931, %dma_start3A_932] : memref<8x128x16xf32, #tpu.memory_space<vmem>> -> memref<1x128x16xf32, #tpu.memory_space<vmem>>
          %dma_start3A_934 = tpu.memref_squeeze %dma_start3A_933 : memref<1x128x16xf32, #tpu.memory_space<vmem>> -> memref<128x16xf32, #tpu.memory_space<vmem>>
          %dma_start3A_935 = arith.constant 0 : i32
          %dma_start3A_936 = tpu.memref_slice %arg9[%add3A_929, %dma_start3A_935] : memref<80x128xi32, #tpu.memory_space<vmem>> -> memref<1x128xi32, #tpu.memory_space<vmem>>
          %dma_start3A_937 = tpu.memref_squeeze %dma_start3A_936 : memref<1x128xi32, #tpu.memory_space<vmem>> -> memref<128xi32, #tpu.memory_space<vmem>>
          %dma_start3A_938 = arith.constant 0 : i32
          %dma_start3A_939 = arith.constant 0 : i32
          %dma_start3A_940 = tpu.memref_slice %arg7[%dma_start3A_938, %dma_start3A_939] : memref<10112x16xf32, #tpu.memory_space<vmem_shared>> -> memref<10112x16xf32, #tpu.memory_space<vmem_shared>>
          tpu.enqueue_indirect_dma source(%dma_start3A_940 : memref<10112x16xf32, #tpu.memory_space<vmem_shared>>) target(%dma_start3A_934 : memref<128x16xf32, #tpu.memory_space<vmem>>) offsets(%dma_start3A_937 : memref<128xi32, #tpu.memory_space<vmem>>) semaphore(%arg20 : memref<!tpu.dma_semaphore, #tpu.memory_space<semaphore_mem>>)
          %add3A_941 = arith.constant 3 : i32
          %add3A_942 = arith.addi %add3A_901, %add3A_941 : i32
          %dma_start3A_943 = arith.constant 3 : i32
          %dma_start3A_944 = arith.constant 0 : i32
          %dma_start3A_945 = arith.constant 0 : i32
          %dma_start3A_946 = tpu.memref_slice %arg11[%dma_start3A_943, %dma_start3A_944, %dma_start3A_945] : memref<8x128x16xf32, #tpu.memory_space<vmem>> -> memref<1x128x16xf32, #tpu.memory_space<vmem>>
          %dma_start3A_947 = tpu.memref_squeeze %dma_start3A_946 : memref<1x128x16xf32, #tpu.memory_space<vmem>> -> memref<128x16xf32, #tpu.memory_space<vmem>>
          %dma_start3A_948 = arith.constant 0 : i32
          %dma_start3A_949 = tpu.memref_slice %arg9[%add3A_942, %dma_start3A_948] : memref<80x128xi32, #tpu.memory_space<vmem>> -> memref<1x128xi32, #tpu.memory_space<vmem>>
          %dma_start3A_950 = tpu.memref_squeeze %dma_start3A_949 : memref<1x128xi32, #tpu.memory_space<vmem>> -> memref<128xi32, #tpu.memory_space<vmem>>
          %dma_start3A_951 = arith.constant 0 : i32
          %dma_start3A_952 = arith.constant 0 : i32
          %dma_start3A_953 = tpu.memref_slice %arg7[%dma_start3A_951, %dma_start3A_952] : memref<10112x16xf32, #tpu.memory_space<vmem_shared>> -> memref<10112x16xf32, #tpu.memory_space<vmem_shared>>
          tpu.enqueue_indirect_dma source(%dma_start3A_953 : memref<10112x16xf32, #tpu.memory_space<vmem_shared>>) target(%dma_start3A_947 : memref<128x16xf32, #tpu.memory_space<vmem>>) offsets(%dma_start3A_950 : memref<128xi32, #tpu.memory_space<vmem>>) semaphore(%arg20 : memref<!tpu.dma_semaphore, #tpu.memory_space<semaphore_mem>>)
          %add3A_954 = arith.constant 4 : i32
          %add3A_955 = arith.addi %add3A_901, %add3A_954 : i32
          %dma_start3A_956 = arith.constant 4 : i32
          %dma_start3A_957 = arith.constant 0 : i32
          %dma_start3A_958 = arith.constant 0 : i32
          %dma_start3A_959 = tpu.memref_slice %arg11[%dma_start3A_956, %dma_start3A_957, %dma_start3A_958] : memref<8x128x16xf32, #tpu.memory_space<vmem>> -> memref<1x128x16xf32, #tpu.memory_space<vmem>>
          %dma_start3A_960 = tpu.memref_squeeze %dma_start3A_959 : memref<1x128x16xf32, #tpu.memory_space<vmem>> -> memref<128x16xf32, #tpu.memory_space<vmem>>
          %dma_start3A_961 = arith.constant 0 : i32
          %dma_start3A_962 = tpu.memref_slice %arg9[%add3A_955, %dma_start3A_961] : memref<80x128xi32, #tpu.memory_space<vmem>> -> memref<1x128xi32, #tpu.memory_space<vmem>>
          %dma_start3A_963 = tpu.memref_squeeze %dma_start3A_962 : memref<1x128xi32, #tpu.memory_space<vmem>> -> memref<128xi32, #tpu.memory_space<vmem>>
          %dma_start3A_964 = arith.constant 0 : i32
          %dma_start3A_965 = arith.constant 0 : i32
          %dma_start3A_966 = tpu.memref_slice %arg7[%dma_start3A_964, %dma_start3A_965] : memref<10112x16xf32, #tpu.memory_space<vmem_shared>> -> memref<10112x16xf32, #tpu.memory_space<vmem_shared>>
          tpu.enqueue_indirect_dma source(%dma_start3A_966 : memref<10112x16xf32, #tpu.memory_space<vmem_shared>>) target(%dma_start3A_960 : memref<128x16xf32, #tpu.memory_space<vmem>>) offsets(%dma_start3A_963 : memref<128xi32, #tpu.memory_space<vmem>>) semaphore(%arg20 : memref<!tpu.dma_semaphore, #tpu.memory_space<semaphore_mem>>)
          %add3A_967 = arith.constant 5 : i32
          %add3A_968 = arith.addi %add3A_901, %add3A_967 : i32
          %dma_start3A_969 = arith.constant 5 : i32
          %dma_start3A_970 = arith.constant 0 : i32
          %dma_start3A_971 = arith.constant 0 : i32
          %dma_start3A_972 = tpu.memref_slice %arg11[%dma_start3A_969, %dma_start3A_970, %dma_start3A_971] : memref<8x128x16xf32, #tpu.memory_space<vmem>> -> memref<1x128x16xf32, #tpu.memory_space<vmem>>
          %dma_start3A_973 = tpu.memref_squeeze %dma_start3A_972 : memref<1x128x16xf32, #tpu.memory_space<vmem>> -> memref<128x16xf32, #tpu.memory_space<vmem>>
          %dma_start3A_974 = arith.constant 0 : i32
          %dma_start3A_975 = tpu.memref_slice %arg9[%add3A_968, %dma_start3A_974] : memref<80x128xi32, #tpu.memory_space<vmem>> -> memref<1x128xi32, #tpu.memory_space<vmem>>
          %dma_start3A_976 = tpu.memref_squeeze %dma_start3A_975 : memref<1x128xi32, #tpu.memory_space<vmem>> -> memref<128xi32, #tpu.memory_space<vmem>>
          %dma_start3A_977 = arith.constant 0 : i32
          %dma_start3A_978 = arith.constant 0 : i32
          %dma_start3A_979 = tpu.memref_slice %arg7[%dma_start3A_977, %dma_start3A_978] : memref<10112x16xf32, #tpu.memory_space<vmem_shared>> -> memref<10112x16xf32, #tpu.memory_space<vmem_shared>>
          tpu.enqueue_indirect_dma source(%dma_start3A_979 : memref<10112x16xf32, #tpu.memory_space<vmem_shared>>) target(%dma_start3A_973 : memref<128x16xf32, #tpu.memory_space<vmem>>) offsets(%dma_start3A_976 : memref<128xi32, #tpu.memory_space<vmem>>) semaphore(%arg20 : memref<!tpu.dma_semaphore, #tpu.memory_space<semaphore_mem>>)
          %add3A_980 = arith.constant 6 : i32
          %add3A_981 = arith.addi %add3A_901, %add3A_980 : i32
          %dma_start3A_982 = arith.constant 6 : i32
          %dma_start3A_983 = arith.constant 0 : i32
          %dma_start3A_984 = arith.constant 0 : i32
          %dma_start3A_985 = tpu.memref_slice %arg11[%dma_start3A_982, %dma_start3A_983, %dma_start3A_984] : memref<8x128x16xf32, #tpu.memory_space<vmem>> -> memref<1x128x16xf32, #tpu.memory_space<vmem>>
          %dma_start3A_986 = tpu.memref_squeeze %dma_start3A_985 : memref<1x128x16xf32, #tpu.memory_space<vmem>> -> memref<128x16xf32, #tpu.memory_space<vmem>>
          %dma_start3A_987 = arith.constant 0 : i32
          %dma_start3A_988 = tpu.memref_slice %arg9[%add3A_981, %dma_start3A_987] : memref<80x128xi32, #tpu.memory_space<vmem>> -> memref<1x128xi32, #tpu.memory_space<vmem>>
          %dma_start3A_989 = tpu.memref_squeeze %dma_start3A_988 : memref<1x128xi32, #tpu.memory_space<vmem>> -> memref<128xi32, #tpu.memory_space<vmem>>
          %dma_start3A_990 = arith.constant 0 : i32
          %dma_start3A_991 = arith.constant 0 : i32
          %dma_start3A_992 = tpu.memref_slice %arg7[%dma_start3A_990, %dma_start3A_991] : memref<10112x16xf32, #tpu.memory_space<vmem_shared>> -> memref<10112x16xf32, #tpu.memory_space<vmem_shared>>
          tpu.enqueue_indirect_dma source(%dma_start3A_992 : memref<10112x16xf32, #tpu.memory_space<vmem_shared>>) target(%dma_start3A_986 : memref<128x16xf32, #tpu.memory_space<vmem>>) offsets(%dma_start3A_989 : memref<128xi32, #tpu.memory_space<vmem>>) semaphore(%arg20 : memref<!tpu.dma_semaphore, #tpu.memory_space<semaphore_mem>>)
          %add3A_993 = arith.constant 7 : i32
          %add3A_994 = arith.addi %add3A_901, %add3A_993 : i32
          %dma_start3A_995 = arith.constant 7 : i32
          %dma_start3A_996 = arith.constant 0 : i32
          %dma_start3A_997 = arith.constant 0 : i32
          %dma_start3A_998 = tpu.memref_slice %arg11[%dma_start3A_995, %dma_start3A_996, %dma_start3A_997] : memref<8x128x16xf32, #tpu.memory_space<vmem>> -> memref<1x128x16xf32, #tpu.memory_space<vmem>>
          %dma_start3A_999 = tpu.memref_squeeze %dma_start3A_998 : memref<1x128x16xf32, #tpu.memory_space<vmem>> -> memref<128x16xf32, #tpu.memory_space<vmem>>
          %dma_start3A_1000 = arith.constant 0 : i32
          %dma_start3A_1001 = tpu.memref_slice %arg9[%add3A_994, %dma_start3A_1000] : memref<80x128xi32, #tpu.memory_space<vmem>> -> memref<1x128xi32, #tpu.memory_space<vmem>>
          %dma_start3A_1002 = tpu.memref_squeeze %dma_start3A_1001 : memref<1x128xi32, #tpu.memory_space<vmem>> -> memref<128xi32, #tpu.memory_space<vmem>>
          %dma_start3A_1003 = arith.constant 0 : i32
          %dma_start3A_1004 = arith.constant 0 : i32
          %dma_start3A_1005 = tpu.memref_slice %arg7[%dma_start3A_1003, %dma_start3A_1004] : memref<10112x16xf32, #tpu.memory_space<vmem_shared>> -> memref<10112x16xf32, #tpu.memory_space<vmem_shared>>
          tpu.enqueue_indirect_dma source(%dma_start3A_1005 : memref<10112x16xf32, #tpu.memory_space<vmem_shared>>) target(%dma_start3A_999 : memref<128x16xf32, #tpu.memory_space<vmem>>) offsets(%dma_start3A_1002 : memref<128xi32, #tpu.memory_space<vmem>>) semaphore(%arg20 : memref<!tpu.dma_semaphore, #tpu.memory_space<semaphore_mem>>)
        } else {
        }
      }
      %scan3A_156 = arith.constant 5 : i32
      %dma_wait3A = arith.constant 0 : i32
      %dma_wait3A_157 = arith.constant 0 : i32
      %dma_wait3A_158 = arith.constant 0 : i32
      %dma_wait3A_159 = arith.constant 0 : i32
      %dma_wait3A_160 = tpu.memref_slice %arg12[%dma_wait3A, %dma_wait3A_158, %dma_wait3A_159] : memref<8x128x16xf32, #tpu.memory_space<vmem>> -> memref<1x128x16xf32, #tpu.memory_space<vmem>>
      %dma_wait3A_161 = tpu.memref_squeeze %dma_wait3A_160 : memref<1x128x16xf32, #tpu.memory_space<vmem>> -> memref<128x16xf32, #tpu.memory_space<vmem>>
      %dma_wait3A_162 = arith.constant 0 : i32
      %dma_wait3A_163 = tpu.memref_slice %arg10[%dma_wait3A_157, %dma_wait3A_162] : memref<80x128xi32, #tpu.memory_space<vmem>> -> memref<1x128xi32, #tpu.memory_space<vmem>>
      %dma_wait3A_164 = tpu.memref_squeeze %dma_wait3A_163 : memref<1x128xi32, #tpu.memory_space<vmem>> -> memref<128xi32, #tpu.memory_space<vmem>>
      %dma_wait3A_165 = arith.constant 0 : i32
      %dma_wait3A_166 = arith.constant 0 : i32
      %dma_wait3A_167 = tpu.memref_slice %arg8[%dma_wait3A_165, %dma_wait3A_166] : memref<10112x16xf32, #tpu.memory_space<vmem_shared>> -> memref<10112x16xf32, #tpu.memory_space<vmem_shared>>
      tpu.wait_indirect_dma semaphore(%arg23 : memref<!tpu.dma_semaphore, #tpu.memory_space<semaphore_mem>>) src(%dma_wait3A_161 : memref<128x16xf32, #tpu.memory_space<vmem>>) dst(%dma_wait3A_167 : memref<10112x16xf32, #tpu.memory_space<vmem_shared>>)
      %dma_wait3A_168 = arith.constant 1 : i32
      %dma_wait3A_169 = arith.constant 0 : i32
      %dma_wait3A_170 = arith.constant 0 : i32
      %dma_wait3A_171 = arith.constant 0 : i32
      %dma_wait3A_172 = tpu.memref_slice %arg12[%dma_wait3A_168, %dma_wait3A_170, %dma_wait3A_171] : memref<8x128x16xf32, #tpu.memory_space<vmem>> -> memref<1x128x16xf32, #tpu.memory_space<vmem>>
      %dma_wait3A_173 = tpu.memref_squeeze %dma_wait3A_172 : memref<1x128x16xf32, #tpu.memory_space<vmem>> -> memref<128x16xf32, #tpu.memory_space<vmem>>
      %dma_wait3A_174 = arith.constant 0 : i32
      %dma_wait3A_175 = tpu.memref_slice %arg10[%dma_wait3A_169, %dma_wait3A_174] : memref<80x128xi32, #tpu.memory_space<vmem>> -> memref<1x128xi32, #tpu.memory_space<vmem>>
      %dma_wait3A_176 = tpu.memref_squeeze %dma_wait3A_175 : memref<1x128xi32, #tpu.memory_space<vmem>> -> memref<128xi32, #tpu.memory_space<vmem>>
      %dma_wait3A_177 = arith.constant 0 : i32
      %dma_wait3A_178 = arith.constant 0 : i32
      %dma_wait3A_179 = tpu.memref_slice %arg8[%dma_wait3A_177, %dma_wait3A_178] : memref<10112x16xf32, #tpu.memory_space<vmem_shared>> -> memref<10112x16xf32, #tpu.memory_space<vmem_shared>>
      tpu.wait_indirect_dma semaphore(%arg23 : memref<!tpu.dma_semaphore, #tpu.memory_space<semaphore_mem>>) src(%dma_wait3A_173 : memref<128x16xf32, #tpu.memory_space<vmem>>) dst(%dma_wait3A_179 : memref<10112x16xf32, #tpu.memory_space<vmem_shared>>)
      %dma_wait3A_180 = arith.constant 2 : i32
      %dma_wait3A_181 = arith.constant 0 : i32
      %dma_wait3A_182 = arith.constant 0 : i32
      %dma_wait3A_183 = arith.constant 0 : i32
      %dma_wait3A_184 = tpu.memref_slice %arg12[%dma_wait3A_180, %dma_wait3A_182, %dma_wait3A_183] : memref<8x128x16xf32, #tpu.memory_space<vmem>> -> memref<1x128x16xf32, #tpu.memory_space<vmem>>
      %dma_wait3A_185 = tpu.memref_squeeze %dma_wait3A_184 : memref<1x128x16xf32, #tpu.memory_space<vmem>> -> memref<128x16xf32, #tpu.memory_space<vmem>>
      %dma_wait3A_186 = arith.constant 0 : i32
      %dma_wait3A_187 = tpu.memref_slice %arg10[%dma_wait3A_181, %dma_wait3A_186] : memref<80x128xi32, #tpu.memory_space<vmem>> -> memref<1x128xi32, #tpu.memory_space<vmem>>
      %dma_wait3A_188 = tpu.memref_squeeze %dma_wait3A_187 : memref<1x128xi32, #tpu.memory_space<vmem>> -> memref<128xi32, #tpu.memory_space<vmem>>
      %dma_wait3A_189 = arith.constant 0 : i32
      %dma_wait3A_190 = arith.constant 0 : i32
      %dma_wait3A_191 = tpu.memref_slice %arg8[%dma_wait3A_189, %dma_wait3A_190] : memref<10112x16xf32, #tpu.memory_space<vmem_shared>> -> memref<10112x16xf32, #tpu.memory_space<vmem_shared>>
      tpu.wait_indirect_dma semaphore(%arg23 : memref<!tpu.dma_semaphore, #tpu.memory_space<semaphore_mem>>) src(%dma_wait3A_185 : memref<128x16xf32, #tpu.memory_space<vmem>>) dst(%dma_wait3A_191 : memref<10112x16xf32, #tpu.memory_space<vmem_shared>>)
      %dma_wait3A_192 = arith.constant 3 : i32
      %dma_wait3A_193 = arith.constant 0 : i32
      %dma_wait3A_194 = arith.constant 0 : i32
      %dma_wait3A_195 = arith.constant 0 : i32
      %dma_wait3A_196 = tpu.memref_slice %arg12[%dma_wait3A_192, %dma_wait3A_194, %dma_wait3A_195] : memref<8x128x16xf32, #tpu.memory_space<vmem>> -> memref<1x128x16xf32, #tpu.memory_space<vmem>>
      %dma_wait3A_197 = tpu.memref_squeeze %dma_wait3A_196 : memref<1x128x16xf32, #tpu.memory_space<vmem>> -> memref<128x16xf32, #tpu.memory_space<vmem>>
      %dma_wait3A_198 = arith.constant 0 : i32
      %dma_wait3A_199 = tpu.memref_slice %arg10[%dma_wait3A_193, %dma_wait3A_198] : memref<80x128xi32, #tpu.memory_space<vmem>> -> memref<1x128xi32, #tpu.memory_space<vmem>>
      %dma_wait3A_200 = tpu.memref_squeeze %dma_wait3A_199 : memref<1x128xi32, #tpu.memory_space<vmem>> -> memref<128xi32, #tpu.memory_space<vmem>>
      %dma_wait3A_201 = arith.constant 0 : i32
      %dma_wait3A_202 = arith.constant 0 : i32
      %dma_wait3A_203 = tpu.memref_slice %arg8[%dma_wait3A_201, %dma_wait3A_202] : memref<10112x16xf32, #tpu.memory_space<vmem_shared>> -> memref<10112x16xf32, #tpu.memory_space<vmem_shared>>
      tpu.wait_indirect_dma semaphore(%arg23 : memref<!tpu.dma_semaphore, #tpu.memory_space<semaphore_mem>>) src(%dma_wait3A_197 : memref<128x16xf32, #tpu.memory_space<vmem>>) dst(%dma_wait3A_203 : memref<10112x16xf32, #tpu.memory_space<vmem_shared>>)
      %dma_wait3A_204 = arith.constant 4 : i32
      %dma_wait3A_205 = arith.constant 0 : i32
      %dma_wait3A_206 = arith.constant 0 : i32
      %dma_wait3A_207 = arith.constant 0 : i32
      %dma_wait3A_208 = tpu.memref_slice %arg12[%dma_wait3A_204, %dma_wait3A_206, %dma_wait3A_207] : memref<8x128x16xf32, #tpu.memory_space<vmem>> -> memref<1x128x16xf32, #tpu.memory_space<vmem>>
      %dma_wait3A_209 = tpu.memref_squeeze %dma_wait3A_208 : memref<1x128x16xf32, #tpu.memory_space<vmem>> -> memref<128x16xf32, #tpu.memory_space<vmem>>
      %dma_wait3A_210 = arith.constant 0 : i32
      %dma_wait3A_211 = tpu.memref_slice %arg10[%dma_wait3A_205, %dma_wait3A_210] : memref<80x128xi32, #tpu.memory_space<vmem>> -> memref<1x128xi32, #tpu.memory_space<vmem>>
      %dma_wait3A_212 = tpu.memref_squeeze %dma_wait3A_211 : memref<1x128xi32, #tpu.memory_space<vmem>> -> memref<128xi32, #tpu.memory_space<vmem>>
      %dma_wait3A_213 = arith.constant 0 : i32
      %dma_wait3A_214 = arith.constant 0 : i32
      %dma_wait3A_215 = tpu.memref_slice %arg8[%dma_wait3A_213, %dma_wait3A_214] : memref<10112x16xf32, #tpu.memory_space<vmem_shared>> -> memref<10112x16xf32, #tpu.memory_space<vmem_shared>>
      tpu.wait_indirect_dma semaphore(%arg23 : memref<!tpu.dma_semaphore, #tpu.memory_space<semaphore_mem>>) src(%dma_wait3A_209 : memref<128x16xf32, #tpu.memory_space<vmem>>) dst(%dma_wait3A_215 : memref<10112x16xf32, #tpu.memory_space<vmem_shared>>)
      %dma_wait3A_216 = arith.constant 5 : i32
      %dma_wait3A_217 = arith.constant 0 : i32
      %dma_wait3A_218 = arith.constant 0 : i32
      %dma_wait3A_219 = arith.constant 0 : i32
      %dma_wait3A_220 = tpu.memref_slice %arg12[%dma_wait3A_216, %dma_wait3A_218, %dma_wait3A_219] : memref<8x128x16xf32, #tpu.memory_space<vmem>> -> memref<1x128x16xf32, #tpu.memory_space<vmem>>
      %dma_wait3A_221 = tpu.memref_squeeze %dma_wait3A_220 : memref<1x128x16xf32, #tpu.memory_space<vmem>> -> memref<128x16xf32, #tpu.memory_space<vmem>>
      %dma_wait3A_222 = arith.constant 0 : i32
      %dma_wait3A_223 = tpu.memref_slice %arg10[%dma_wait3A_217, %dma_wait3A_222] : memref<80x128xi32, #tpu.memory_space<vmem>> -> memref<1x128xi32, #tpu.memory_space<vmem>>
      %dma_wait3A_224 = tpu.memref_squeeze %dma_wait3A_223 : memref<1x128xi32, #tpu.memory_space<vmem>> -> memref<128xi32, #tpu.memory_space<vmem>>
      %dma_wait3A_225 = arith.constant 0 : i32
      %dma_wait3A_226 = arith.constant 0 : i32
      %dma_wait3A_227 = tpu.memref_slice %arg8[%dma_wait3A_225, %dma_wait3A_226] : memref<10112x16xf32, #tpu.memory_space<vmem_shared>> -> memref<10112x16xf32, #tpu.memory_space<vmem_shared>>
      tpu.wait_indirect_dma semaphore(%arg23 : memref<!tpu.dma_semaphore, #tpu.memory_space<semaphore_mem>>) src(%dma_wait3A_221 : memref<128x16xf32, #tpu.memory_space<vmem>>) dst(%dma_wait3A_227 : memref<10112x16xf32, #tpu.memory_space<vmem_shared>>)
      %dma_wait3A_228 = arith.constant 6 : i32
      %dma_wait3A_229 = arith.constant 0 : i32
      %dma_wait3A_230 = arith.constant 0 : i32
      %dma_wait3A_231 = arith.constant 0 : i32
      %dma_wait3A_232 = tpu.memref_slice %arg12[%dma_wait3A_228, %dma_wait3A_230, %dma_wait3A_231] : memref<8x128x16xf32, #tpu.memory_space<vmem>> -> memref<1x128x16xf32, #tpu.memory_space<vmem>>
      %dma_wait3A_233 = tpu.memref_squeeze %dma_wait3A_232 : memref<1x128x16xf32, #tpu.memory_space<vmem>> -> memref<128x16xf32, #tpu.memory_space<vmem>>
      %dma_wait3A_234 = arith.constant 0 : i32
      %dma_wait3A_235 = tpu.memref_slice %arg10[%dma_wait3A_229, %dma_wait3A_234] : memref<80x128xi32, #tpu.memory_space<vmem>> -> memref<1x128xi32, #tpu.memory_space<vmem>>
      %dma_wait3A_236 = tpu.memref_squeeze %dma_wait3A_235 : memref<1x128xi32, #tpu.memory_space<vmem>> -> memref<128xi32, #tpu.memory_space<vmem>>
      %dma_wait3A_237 = arith.constant 0 : i32
      %dma_wait3A_238 = arith.constant 0 : i32
      %dma_wait3A_239 = tpu.memref_slice %arg8[%dma_wait3A_237, %dma_wait3A_238] : memref<10112x16xf32, #tpu.memory_space<vmem_shared>> -> memref<10112x16xf32, #tpu.memory_space<vmem_shared>>
      tpu.wait_indirect_dma semaphore(%arg23 : memref<!tpu.dma_semaphore, #tpu.memory_space<semaphore_mem>>) src(%dma_wait3A_233 : memref<128x16xf32, #tpu.memory_space<vmem>>) dst(%dma_wait3A_239 : memref<10112x16xf32, #tpu.memory_space<vmem_shared>>)
      %dma_wait3A_240 = arith.constant 7 : i32
      %dma_wait3A_241 = arith.constant 0 : i32
      %dma_wait3A_242 = arith.constant 0 : i32
      %dma_wait3A_243 = arith.constant 0 : i32
      %dma_wait3A_244 = tpu.memref_slice %arg12[%dma_wait3A_240, %dma_wait3A_242, %dma_wait3A_243] : memref<8x128x16xf32, #tpu.memory_space<vmem>> -> memref<1x128x16xf32, #tpu.memory_space<vmem>>
      %dma_wait3A_245 = tpu.memref_squeeze %dma_wait3A_244 : memref<1x128x16xf32, #tpu.memory_space<vmem>> -> memref<128x16xf32, #tpu.memory_space<vmem>>
      %dma_wait3A_246 = arith.constant 0 : i32
      %dma_wait3A_247 = tpu.memref_slice %arg10[%dma_wait3A_241, %dma_wait3A_246] : memref<80x128xi32, #tpu.memory_space<vmem>> -> memref<1x128xi32, #tpu.memory_space<vmem>>
      %dma_wait3A_248 = tpu.memref_squeeze %dma_wait3A_247 : memref<1x128xi32, #tpu.memory_space<vmem>> -> memref<128xi32, #tpu.memory_space<vmem>>
      %dma_wait3A_249 = arith.constant 0 : i32
      %dma_wait3A_250 = arith.constant 0 : i32
      %dma_wait3A_251 = tpu.memref_slice %arg8[%dma_wait3A_249, %dma_wait3A_250] : memref<10112x16xf32, #tpu.memory_space<vmem_shared>> -> memref<10112x16xf32, #tpu.memory_space<vmem_shared>>
      tpu.wait_indirect_dma semaphore(%arg23 : memref<!tpu.dma_semaphore, #tpu.memory_space<semaphore_mem>>) src(%dma_wait3A_245 : memref<128x16xf32, #tpu.memory_space<vmem>>) dst(%dma_wait3A_251 : memref<10112x16xf32, #tpu.memory_space<vmem_shared>>)
      %barrier3A_252 = arith.constant 0 : index
      tpu.barrier barrier_id(%barrier3A_252)
      %jit3A = arith.constant 2 : i32
      %eq3A_253 = arith.constant 0 : i32
      %eq3A_254 = arith.cmpi eq, %jit3A, %eq3A_253 : i32
      %jit3A_255 = arith.constant 1 : i32
      %select_n3A = arith.select %eq3A_254, %jit3A_255, %jit3A : i32
      %rem3A = arith.remsi %scan3A_55, %select_n3A : i32
      %ne3A = arith.constant 0 : i32
      %ne3A_256 = arith.cmpi ne, %rem3A, %ne3A : i32
      %lt3A = arith.constant 0 : i32
      %lt3A_257 = arith.cmpi slt, %rem3A, %lt3A : i32
      %lt3A_258 = arith.constant 0 : i32
      %lt3A_259 = arith.cmpi slt, %select_n3A, %lt3A_258 : i32
      %ne3A_260 = arith.xori %lt3A_257, %lt3A_259 : i1
      %and3A = arith.andi %ne3A_260, %ne3A_256 : i1
      %add3A_261 = arith.addi %rem3A, %select_n3A : i32
      %select_n3A_262 = arith.select %and3A, %add3A_261, %rem3A : i32
      "tpu.region"() ({
        %run_scoped3A_282 = tpu.sem_alloc : memref<!tpu.dma_semaphore, #tpu.memory_space<semaphore_mem>>
        %dma_start3A_283 = arith.constant 0 : i32
        %dma_start3A_284 = tpu.memref_slice %arg6[%select_n3A_262, %arg0, %mul3A_2, %dma_start3A_283] : memref<2x2x10112x16xf32, #tpu.memory_space<hbm>> -> memref<1x1x632x16xf32, #tpu.memory_space<hbm>>
        %dma_start3A_285 = tpu.memref_squeeze %dma_start3A_284 : memref<1x1x632x16xf32, #tpu.memory_space<hbm>> -> memref<632x16xf32, #tpu.memory_space<hbm>>
        %dma_start3A_286 = arith.constant 0 : i32
        %dma_start3A_287 = tpu.memref_slice %arg8[%mul3A_2, %dma_start3A_286] : memref<10112x16xf32, #tpu.memory_space<vmem_shared>> -> memref<632x16xf32, #tpu.memory_space<vmem_shared>>
        tpu.enqueue_dma source(%dma_start3A_287 : memref<632x16xf32, #tpu.memory_space<vmem_shared>>) target(%dma_start3A_285 : memref<632x16xf32, #tpu.memory_space<hbm>>) target_semaphore(%run_scoped3A_282 : memref<!tpu.dma_semaphore, #tpu.memory_space<semaphore_mem>>)
        %dma_wait3A_288 = arith.constant 0 : i32
        %dma_wait3A_289 = tpu.memref_slice %arg6[%select_n3A_262, %arg0, %mul3A_2, %dma_wait3A_288] : memref<2x2x10112x16xf32, #tpu.memory_space<hbm>> -> memref<1x1x632x16xf32, #tpu.memory_space<hbm>>
        %dma_wait3A_290 = tpu.memref_squeeze %dma_wait3A_289 : memref<1x1x632x16xf32, #tpu.memory_space<hbm>> -> memref<632x16xf32, #tpu.memory_space<hbm>>
        %dma_wait3A_291 = arith.constant 0 : i32
        %dma_wait3A_292 = tpu.memref_slice %arg8[%mul3A_2, %dma_wait3A_291] : memref<10112x16xf32, #tpu.memory_space<vmem_shared>> -> memref<632x16xf32, #tpu.memory_space<vmem_shared>>
        tpu.wait_dma2 semaphore(%run_scoped3A_282 : memref<!tpu.dma_semaphore, #tpu.memory_space<semaphore_mem>>) src(%dma_wait3A_292 : memref<632x16xf32, #tpu.memory_space<vmem_shared>>) dst(%dma_wait3A_290 : memref<632x16xf32, #tpu.memory_space<hbm>>)
        tpu.yield
      }) : () -> ()
      %barrier3A_263 = arith.constant 0 : index
      tpu.barrier barrier_id(%barrier3A_263)
      %eq3A_264 = arith.constant 0 : i32
      %eq3A_265 = arith.cmpi eq, %arg1, %eq3A_264 : i32
      %convert_element_type3A_266 = arith.extui %eq3A_265 : i1 to i32
      %cond3A_267 = arith.constant 0 : i32
      %cond3A_268 = arith.cmpi ne, %convert_element_type3A_266, %cond3A_267 : i32
      scf.if %cond3A_268 {
        %sub3A = arith.constant 1 : i32
        %sub3A_282 = arith.subi %sub3A, %arg0 : i32
        %semaphore_signal3A = arith.constant 1 : i32
        %semaphore_signal3A_283 = arith.constant 0 : i32
        tpu.sem_signal %arg24, %semaphore_signal3A : memref<!tpu.semaphore, #tpu.memory_space<semaphore_mem>>
        %semaphore_wait3A = arith.constant 1 : i32
        %semaphore_wait3A_284 = arith.constant true
        tpu.sem_wait %arg24, %semaphore_wait3A : memref<!tpu.semaphore, #tpu.memory_space<semaphore_mem>>
      } else {
      }
      %barrier3A_269 = arith.constant 0 : index
      tpu.barrier barrier_id(%barrier3A_269)
      %run_scoped3A_270 = arith.constant 0 : i32
      "tpu.region"() ({
        %run_scoped3A_282 = tpu.sem_alloc : memref<!tpu.dma_semaphore, #tpu.memory_space<semaphore_mem>>
        %dma_start3A_283 = arith.constant 0 : i32
        %dma_start3A_284 = tpu.memref_slice %arg6[%select_n3A_262, %run_scoped3A_270, %mul3A_2, %dma_start3A_283] : memref<2x2x10112x16xf32, #tpu.memory_space<hbm>> -> memref<1x1x632x16xf32, #tpu.memory_space<hbm>>
        %dma_start3A_285 = tpu.memref_squeeze %dma_start3A_284 : memref<1x1x632x16xf32, #tpu.memory_space<hbm>> -> memref<632x16xf32, #tpu.memory_space<hbm>>
        %dma_start3A_286 = arith.constant 0 : i32
        %dma_start3A_287 = tpu.memref_slice %arg6[%select_n3A_262, %run_scoped3A_270, %mul3A_2, %dma_start3A_286] : memref<2x2x10112x16xf32, #tpu.memory_space<hbm>> -> memref<1x1x632x16xf32, #tpu.memory_space<hbm>>
        %dma_start3A_288 = tpu.memref_squeeze %dma_start3A_287 : memref<1x1x632x16xf32, #tpu.memory_space<hbm>> -> memref<632x16xf32, #tpu.memory_space<hbm>>
        tpu.enqueue_dma source(%dma_start3A_288 : memref<632x16xf32, #tpu.memory_space<hbm>>) target(%arg14 : memref<632x16xf32, #tpu.memory_space<vmem>>) target_semaphore(%run_scoped3A_282 : memref<!tpu.dma_semaphore, #tpu.memory_space<semaphore_mem>>)
        %dma_wait3A_289 = arith.constant 0 : i32
        %dma_wait3A_290 = tpu.memref_slice %arg6[%select_n3A_262, %run_scoped3A_270, %mul3A_2, %dma_wait3A_289] : memref<2x2x10112x16xf32, #tpu.memory_space<hbm>> -> memref<1x1x632x16xf32, #tpu.memory_space<hbm>>
        %dma_wait3A_291 = tpu.memref_squeeze %dma_wait3A_290 : memref<1x1x632x16xf32, #tpu.memory_space<hbm>> -> memref<632x16xf32, #tpu.memory_space<hbm>>
        %dma_wait3A_292 = arith.constant 0 : i32
        %dma_wait3A_293 = tpu.memref_slice %arg6[%select_n3A_262, %run_scoped3A_270, %mul3A_2, %dma_wait3A_292] : memref<2x2x10112x16xf32, #tpu.memory_space<hbm>> -> memref<1x1x632x16xf32, #tpu.memory_space<hbm>>
        %dma_wait3A_294 = tpu.memref_squeeze %dma_wait3A_293 : memref<1x1x632x16xf32, #tpu.memory_space<hbm>> -> memref<632x16xf32, #tpu.memory_space<hbm>>
        tpu.wait_dma2 semaphore(%run_scoped3A_282 : memref<!tpu.dma_semaphore, #tpu.memory_space<semaphore_mem>>) src(%dma_wait3A_294 : memref<632x16xf32, #tpu.memory_space<hbm>>) dst(%arg14 : memref<632x16xf32, #tpu.memory_space<vmem>>)
        tpu.yield
      }) : () -> ()
      %run_scoped3A_271 = arith.constant 1 : i32
      "tpu.region"() ({
        %run_scoped3A_282 = tpu.sem_alloc : memref<!tpu.dma_semaphore, #tpu.memory_space<semaphore_mem>>
        %dma_start3A_283 = arith.constant 0 : i32
        %dma_start3A_284 = tpu.memref_slice %arg6[%select_n3A_262, %run_scoped3A_271, %mul3A_2, %dma_start3A_283] : memref<2x2x10112x16xf32, #tpu.memory_space<hbm>> -> memref<1x1x632x16xf32, #tpu.memory_space<hbm>>
        %dma_start3A_285 = tpu.memref_squeeze %dma_start3A_284 : memref<1x1x632x16xf32, #tpu.memory_space<hbm>> -> memref<632x16xf32, #tpu.memory_space<hbm>>
        %dma_start3A_286 = arith.constant 0 : i32
        %dma_start3A_287 = tpu.memref_slice %arg6[%select_n3A_262, %run_scoped3A_271, %mul3A_2, %dma_start3A_286] : memref<2x2x10112x16xf32, #tpu.memory_space<hbm>> -> memref<1x1x632x16xf32, #tpu.memory_space<hbm>>
        %dma_start3A_288 = tpu.memref_squeeze %dma_start3A_287 : memref<1x1x632x16xf32, #tpu.memory_space<hbm>> -> memref<632x16xf32, #tpu.memory_space<hbm>>
        tpu.enqueue_dma source(%dma_start3A_288 : memref<632x16xf32, #tpu.memory_space<hbm>>) target(%arg15 : memref<632x16xf32, #tpu.memory_space<vmem>>) target_semaphore(%run_scoped3A_282 : memref<!tpu.dma_semaphore, #tpu.memory_space<semaphore_mem>>)
        %dma_wait3A_289 = arith.constant 0 : i32
        %dma_wait3A_290 = tpu.memref_slice %arg6[%select_n3A_262, %run_scoped3A_271, %mul3A_2, %dma_wait3A_289] : memref<2x2x10112x16xf32, #tpu.memory_space<hbm>> -> memref<1x1x632x16xf32, #tpu.memory_space<hbm>>
        %dma_wait3A_291 = tpu.memref_squeeze %dma_wait3A_290 : memref<1x1x632x16xf32, #tpu.memory_space<hbm>> -> memref<632x16xf32, #tpu.memory_space<hbm>>
        %dma_wait3A_292 = arith.constant 0 : i32
        %dma_wait3A_293 = tpu.memref_slice %arg6[%select_n3A_262, %run_scoped3A_271, %mul3A_2, %dma_wait3A_292] : memref<2x2x10112x16xf32, #tpu.memory_space<hbm>> -> memref<1x1x632x16xf32, #tpu.memory_space<hbm>>
        %dma_wait3A_294 = tpu.memref_squeeze %dma_wait3A_293 : memref<1x1x632x16xf32, #tpu.memory_space<hbm>> -> memref<632x16xf32, #tpu.memory_space<hbm>>
        tpu.wait_dma2 semaphore(%run_scoped3A_282 : memref<!tpu.dma_semaphore, #tpu.memory_space<semaphore_mem>>) src(%dma_wait3A_294 : memref<632x16xf32, #tpu.memory_space<hbm>>) dst(%arg15 : memref<632x16xf32, #tpu.memory_space<vmem>>)
        tpu.yield
      }) : () -> ()
      %get3A_272 = arith.index_cast %scan3A_55 : i32 to index
      %get3A_273 = arith.constant 0 : index
      %get3A_274 = tpu.vector_load %arg19[%get3A_272, %get3A_273] {strides = array<i32>} : memref<16x16xf32, #tpu.memory_space<vmem>>, vector<16xf32>,
      %scan3A_275 = arith.constant 0 : i32
      %scan3A_276 = arith.constant 0 : i32
      %scan3A_277 = arith.constant 632 : i32
      %scan3A_278 = arith.addi %scan3A_276, %scan3A_277 : i32
      %scan3A_279 = arith.constant 1 : i32
      scf.for %scan3A_282 = %scan3A_276 to %scan3A_278 step %scan3A_279  : i32 {
        %get3A_283 = arith.index_cast %scan3A_282 : i32 to index
        %get3A_284 = arith.constant 0 : index
        %get3A_285 = tpu.vector_load %arg14[%get3A_283, %get3A_284] {strides = array<i32>} : memref<632x16xf32, #tpu.memory_space<vmem>>, vector<16xf32>,
        %get3A_286 = arith.index_cast %scan3A_282 : i32 to index
        %get3A_287 = arith.constant 0 : index
        %get3A_288 = tpu.vector_load %arg15[%get3A_286, %get3A_287] {strides = array<i32>} : memref<632x16xf32, #tpu.memory_space<vmem>>, vector<16xf32>,
        %add3A_289 = arith.addf %get3A_285, %get3A_288 : vector<16xf32>
        %swap3A = arith.index_cast %scan3A_282 : i32 to index
        %swap3A_290 = arith.constant 0 : index
        %swap3A_291 = tpu.vector_load %arg14[%swap3A, %swap3A_290] {strides = array<i32>} : memref<632x16xf32, #tpu.memory_space<vmem>>, vector<16xf32>,
        tpu.vector_store %arg14[%swap3A, %swap3A_290], %broadcast_in_dim3A_6 {strides = array<i32>} : memref<632x16xf32, #tpu.memory_space<vmem>>, vector<16xf32>,
        %get3A_292 = arith.index_cast %scan3A_282 : i32 to index
        %get3A_293 = arith.constant 0 : index
        %get3A_294 = tpu.vector_load %arg17[%get3A_292, %get3A_293] {strides = array<i32>} : memref<632x16xf32, #tpu.memory_space<vmem>>, vector<16xf32>,
        %get3A_295 = arith.index_cast %scan3A_282 : i32 to index
        %get3A_296 = arith.constant 0 : index
        %get3A_297 = tpu.vector_load %arg18[%get3A_295, %get3A_296] {strides = array<i32>} : memref<632x16xf32, #tpu.memory_space<vmem>>, vector<16xf32>,
        %mul3A_298 = arith.mulf %get3A_274, %get3A_294 : vector<16xf32>
        %mul3A_299 = arith.mulf %mul3A_298, %add3A_289 : vector<16xf32>
        %add3A_300 = arith.addf %get3A_297, %mul3A_299 : vector<16xf32>
        %swap3A_301 = arith.index_cast %scan3A_282 : i32 to index
        %swap3A_302 = arith.constant 0 : index
        %swap3A_303 = tpu.vector_load %arg18[%swap3A_301, %swap3A_302] {strides = array<i32>} : memref<632x16xf32, #tpu.memory_space<vmem>>, vector<16xf32>,
        tpu.vector_store %arg18[%swap3A_301, %swap3A_302], %add3A_300 {strides = array<i32>} : memref<632x16xf32, #tpu.memory_space<vmem>>, vector<16xf32>,
        %mul3A_304 = arith.mulf %get3A_294, %get3A_294 : vector<16xf32>
        %mul3A_305 = arith.mulf %mul3A_304, %add3A_289 : vector<16xf32>
        %swap3A_306 = arith.index_cast %scan3A_282 : i32 to index
        %swap3A_307 = arith.constant 0 : index
        %swap3A_308 = tpu.vector_load %arg16[%swap3A_306, %swap3A_307] {strides = array<i32>} : memref<632x16xf32, #tpu.memory_space<vmem>>, vector<16xf32>,
        tpu.vector_store %arg16[%swap3A_306, %swap3A_307], %mul3A_305 {strides = array<i32>} : memref<632x16xf32, #tpu.memory_space<vmem>>, vector<16xf32>,
      }
      %scan3A_280 = arith.constant 632 : i32
      "tpu.region"() ({
        %run_scoped3A_282 = tpu.sem_alloc : memref<!tpu.dma_semaphore, #tpu.memory_space<semaphore_mem>>
        %dma_start3A_283 = arith.constant 0 : i32
        %dma_start3A_284 = tpu.memref_slice %arg7[%mul3A_2, %dma_start3A_283] : memref<10112x16xf32, #tpu.memory_space<vmem_shared>> -> memref<632x16xf32, #tpu.memory_space<vmem_shared>>
        %dma_start3A_285 = arith.constant 0 : i32
        %dma_start3A_286 = tpu.memref_slice %arg7[%mul3A_2, %dma_start3A_285] : memref<10112x16xf32, #tpu.memory_space<vmem_shared>> -> memref<632x16xf32, #tpu.memory_space<vmem_shared>>
        tpu.enqueue_dma source(%arg16 : memref<632x16xf32, #tpu.memory_space<vmem>>) target(%dma_start3A_286 : memref<632x16xf32, #tpu.memory_space<vmem_shared>>) target_semaphore(%run_scoped3A_282 : memref<!tpu.dma_semaphore, #tpu.memory_space<semaphore_mem>>)
        %dma_wait3A_287 = arith.constant 0 : i32
        %dma_wait3A_288 = tpu.memref_slice %arg7[%mul3A_2, %dma_wait3A_287] : memref<10112x16xf32, #tpu.memory_space<vmem_shared>> -> memref<632x16xf32, #tpu.memory_space<vmem_shared>>
        %dma_wait3A_289 = arith.constant 0 : i32
        %dma_wait3A_290 = tpu.memref_slice %arg7[%mul3A_2, %dma_wait3A_289] : memref<10112x16xf32, #tpu.memory_space<vmem_shared>> -> memref<632x16xf32, #tpu.memory_space<vmem_shared>>
        tpu.wait_dma2 semaphore(%run_scoped3A_282 : memref<!tpu.dma_semaphore, #tpu.memory_space<semaphore_mem>>) src(%arg16 : memref<632x16xf32, #tpu.memory_space<vmem>>) dst(%dma_wait3A_290 : memref<632x16xf32, #tpu.memory_space<vmem_shared>>)
        tpu.yield
      }) : () -> ()
      "tpu.region"() ({
        %run_scoped3A_282 = tpu.sem_alloc : memref<!tpu.dma_semaphore, #tpu.memory_space<semaphore_mem>>
        %dma_start3A_283 = arith.constant 0 : i32
        %dma_start3A_284 = tpu.memref_slice %arg8[%mul3A_2, %dma_start3A_283] : memref<10112x16xf32, #tpu.memory_space<vmem_shared>> -> memref<632x16xf32, #tpu.memory_space<vmem_shared>>
        %dma_start3A_285 = arith.constant 0 : i32
        %dma_start3A_286 = tpu.memref_slice %arg8[%mul3A_2, %dma_start3A_285] : memref<10112x16xf32, #tpu.memory_space<vmem_shared>> -> memref<632x16xf32, #tpu.memory_space<vmem_shared>>
        tpu.enqueue_dma source(%arg14 : memref<632x16xf32, #tpu.memory_space<vmem>>) target(%dma_start3A_286 : memref<632x16xf32, #tpu.memory_space<vmem_shared>>) target_semaphore(%run_scoped3A_282 : memref<!tpu.dma_semaphore, #tpu.memory_space<semaphore_mem>>)
        %dma_wait3A_287 = arith.constant 0 : i32
        %dma_wait3A_288 = tpu.memref_slice %arg8[%mul3A_2, %dma_wait3A_287] : memref<10112x16xf32, #tpu.memory_space<vmem_shared>> -> memref<632x16xf32, #tpu.memory_space<vmem_shared>>
        %dma_wait3A_289 = arith.constant 0 : i32
        %dma_wait3A_290 = tpu.memref_slice %arg8[%mul3A_2, %dma_wait3A_289] : memref<10112x16xf32, #tpu.memory_space<vmem_shared>> -> memref<632x16xf32, #tpu.memory_space<vmem_shared>>
        tpu.wait_dma2 semaphore(%run_scoped3A_282 : memref<!tpu.dma_semaphore, #tpu.memory_space<semaphore_mem>>) src(%arg14 : memref<632x16xf32, #tpu.memory_space<vmem>>) dst(%dma_wait3A_290 : memref<632x16xf32, #tpu.memory_space<vmem_shared>>)
        tpu.yield
      }) : () -> ()
      %barrier3A_281 = arith.constant 0 : index
      tpu.barrier barrier_id(%barrier3A_281)
    }
    %scan3A_49 = arith.constant 10 : i32
    %eq3A_50 = arith.constant 0 : i32
    %eq3A_51 = arith.cmpi eq, %arg0, %eq3A_50 : i32
    %convert_element_type3A_52 = arith.extui %eq3A_51 : i1 to i32
    %cond3A_53 = arith.constant 0 : i32
    %cond3A_54 = arith.cmpi ne, %convert_element_type3A_52, %cond3A_53 : i32
    scf.if %cond3A_54 {
      "tpu.region"() ({
        %run_scoped3A_55 = tpu.sem_alloc : memref<!tpu.dma_semaphore, #tpu.memory_space<semaphore_mem>>
        %dma_start3A = arith.constant 0 : i32
        %dma_start3A_56 = tpu.memref_slice %arg5[%mul3A_2, %dma_start3A] : memref<10112x16xf32, #tpu.memory_space<hbm>> -> memref<632x16xf32, #tpu.memory_space<hbm>>
        %dma_start3A_57 = arith.constant 0 : i32
        %dma_start3A_58 = tpu.memref_slice %arg5[%mul3A_2, %dma_start3A_57] : memref<10112x16xf32, #tpu.memory_space<hbm>> -> memref<632x16xf32, #tpu.memory_space<hbm>>
        tpu.enqueue_dma source(%arg18 : memref<632x16xf32, #tpu.memory_space<vmem>>) target(%dma_start3A_58 : memref<632x16xf32, #tpu.memory_space<hbm>>) target_semaphore(%run_scoped3A_55 : memref<!tpu.dma_semaphore, #tpu.memory_space<semaphore_mem>>)
        %dma_wait3A = arith.constant 0 : i32
        %dma_wait3A_59 = tpu.memref_slice %arg5[%mul3A_2, %dma_wait3A] : memref<10112x16xf32, #tpu.memory_space<hbm>> -> memref<632x16xf32, #tpu.memory_space<hbm>>
        %dma_wait3A_60 = arith.constant 0 : i32
        %dma_wait3A_61 = tpu.memref_slice %arg5[%mul3A_2, %dma_wait3A_60] : memref<10112x16xf32, #tpu.memory_space<hbm>> -> memref<632x16xf32, #tpu.memory_space<hbm>>
        tpu.wait_dma2 semaphore(%run_scoped3A_55 : memref<!tpu.dma_semaphore, #tpu.memory_space<semaphore_mem>>) src(%arg18 : memref<632x16xf32, #tpu.memory_space<vmem>>) dst(%dma_wait3A_61 : memref<632x16xf32, #tpu.memory_space<hbm>>)
        tpu.yield
      }) : () -> ()
    } else {
    }
    return
  }
}

module attributes {stable_mosaic.version = 14 : i64} {
  func.func @body(%arg0: i32, %arg1: memref<1000x128xf32, #tpu.memory_space<vmem>>, %arg2: memref<128x64xf32, #tpu.memory_space<vmem>>, %arg3: memref<1x64xf32, #tpu.memory_space<vmem>>, %arg4: memref<64x16xf32, #tpu.memory_space<vmem>>, %arg5: memref<1x16xf32, #tpu.memory_space<vmem>>, %arg6: memref<1000x16xf32, #tpu.memory_space<vmem>>) attributes {dimension_semantics = [#tpu.dimension_semantics<arbitrary>], iteration_bounds = array<i64: 10>, scalar_prefetch = 0 : i64, scratch_operands = 0 : i64, tpu.core_type = #tpu.core_type<tc>, window_params = [{transform_indices = @transform_0, window_bounds = array<i64: 1000, 128>}, {pipeline_mode = #tpu.pipeline_mode<synchronous>, transform_indices = @transform_1, window_bounds = array<i64: 128, 64>}, {pipeline_mode = #tpu.pipeline_mode<synchronous>, transform_indices = @transform_2, window_bounds = array<i64: 1, 64>}, {pipeline_mode = #tpu.pipeline_mode<synchronous>, transform_indices = @transform_3, window_bounds = array<i64: 64, 16>}, {pipeline_mode = #tpu.pipeline_mode<synchronous>, transform_indices = @transform_4, window_bounds = array<i64: 1, 16>}, {transform_indices = @transform_5, window_bounds = array<i64: 1000, 16>}]} {
    %get3A = arith.constant 0 : index
    %get3A_0 = arith.constant 0 : index
    %get3A_1 = vector.load %arg1[%get3A, %get3A_0] : memref<1000x128xf32, #tpu.memory_space<vmem>>, vector<1000x128xf32>
    %get3A_2 = arith.constant 0 : index
    %get3A_3 = arith.constant 0 : index
    %get3A_4 = vector.load %arg2[%get3A_2, %get3A_3] : memref<128x64xf32, #tpu.memory_space<vmem>>, vector<128x64xf32>
    %dot_general3A = arith.constant dense<0.000000e+00> : vector<1000x64xf32>
    %dot_general3A_5 = tpu.matmul %get3A_1, %get3A_4, %dot_general3A {dimension_numbers = #tpu.dot_dimension_numbers<[1], [0], [0], [1], [0, 0, 1, 1], [], []>, transpose_lhs_hint = false} : vector<1000x128xf32>, vector<128x64xf32>, vector<1000x64xf32> -> vector<1000x64xf32>
    %get3A_6 = arith.constant 0 : index
    %get3A_7 = arith.constant 0 : index
    %get3A_8 = vector.load %arg3[%get3A_6, %get3A_7] : memref<1x64xf32, #tpu.memory_space<vmem>>, vector<1x64xf32>
    %add3A = vector.broadcast %get3A_8 : vector<1x64xf32> to vector<1000x64xf32>
    %add3A_9 = arith.addf %dot_general3A_5, %add3A : vector<1000x64xf32>
    %max3A = arith.constant 0.000000e+00 : f32
    %max3A_10 = vector.broadcast %max3A : f32 to vector<1000x64xf32>
    %max3A_11 = arith.maximumf %add3A_9, %max3A_10 : vector<1000x64xf32>
    %get3A_12 = arith.constant 0 : index
    %get3A_13 = arith.constant 0 : index
    %get3A_14 = vector.load %arg4[%get3A_12, %get3A_13] : memref<64x16xf32, #tpu.memory_space<vmem>>, vector<64x16xf32>
    %dot_general3A_15 = arith.constant dense<0.000000e+00> : vector<1000x16xf32>
    %dot_general3A_16 = tpu.matmul %max3A_11, %get3A_14, %dot_general3A_15 {dimension_numbers = #tpu.dot_dimension_numbers<[1], [0], [0], [1], [0, 0, 1, 1], [], []>, transpose_lhs_hint = false} : vector<1000x64xf32>, vector<64x16xf32>, vector<1000x16xf32> -> vector<1000x16xf32>
    %get3A_17 = arith.constant 0 : index
    %get3A_18 = arith.constant 0 : index
    %get3A_19 = vector.load %arg5[%get3A_17, %get3A_18] : memref<1x16xf32, #tpu.memory_space<vmem>>, vector<1x16xf32>
    %add3A_20 = vector.broadcast %get3A_19 : vector<1x16xf32> to vector<1000x16xf32>
    %add3A_21 = arith.addf %dot_general3A_16, %add3A_20 : vector<1000x16xf32>
    %swap3A = arith.constant 0 : index
    %swap3A_22 = arith.constant 0 : index
    %swap3A_23 = vector.load %arg6[%swap3A, %swap3A_22] : memref<1000x16xf32, #tpu.memory_space<vmem>>, vector<1000x16xf32>
    tpu.vector_store %arg6[%swap3A, %swap3A_22], %add3A_21 {strides = array<i32>} : memref<1000x16xf32, #tpu.memory_space<vmem>>, vector<1000x16xf32>,
    return
  }
  func.func @transform_0(%arg0: i32) -> (i32, i32) {
    %c0_i32 = arith.constant 0 : i32
    %c0_i32_0 = arith.constant 0 : i32
    return %arg0, %c0_i32 : i32, i32
  }
  func.func @transform_1(%arg0: i32) -> (i32, i32) {
    %c0_i32 = arith.constant 0 : i32
    %c0_i32_0 = arith.constant 0 : i32
    %c0_i32_1 = arith.constant 0 : i32
    return %c0_i32, %c0_i32_0 : i32, i32
  }
  func.func @transform_2(%arg0: i32) -> (i32, i32) {
    %c0_i32 = arith.constant 0 : i32
    %c0_i32_0 = arith.constant 0 : i32
    %c0_i32_1 = arith.constant 0 : i32
    return %c0_i32, %c0_i32_0 : i32, i32
  }
  func.func @transform_3(%arg0: i32) -> (i32, i32) {
    %c0_i32 = arith.constant 0 : i32
    %c0_i32_0 = arith.constant 0 : i32
    %c0_i32_1 = arith.constant 0 : i32
    return %c0_i32, %c0_i32_0 : i32, i32
  }
  func.func @transform_4(%arg0: i32) -> (i32, i32) {
    %c0_i32 = arith.constant 0 : i32
    %c0_i32_0 = arith.constant 0 : i32
    %c0_i32_1 = arith.constant 0 : i32
    return %c0_i32, %c0_i32_0 : i32, i32
  }
  func.func @transform_5(%arg0: i32) -> (i32, i32) {
    %c0_i32 = arith.constant 0 : i32
    %c0_i32_0 = arith.constant 0 : i32
    return %arg0, %c0_i32 : i32, i32
  }
}

module attributes {stable_mosaic.version = 14 : i64} {
  func.func @body(%arg0: i32, %arg1: memref<1000x16xf32, #tpu.memory_space<vmem>>, %arg2: memref<1000x16xf32, #tpu.memory_space<vmem>>) attributes {dimension_semantics = [#tpu.dimension_semantics<arbitrary>], iteration_bounds = array<i64: 10>, scalar_prefetch = 0 : i64, scratch_operands = 0 : i64, tpu.core_type = #tpu.core_type<tc>, window_params = [{transform_indices = @transform_0, window_bounds = array<i64: 1000, 16>}, {transform_indices = @transform_1, window_bounds = array<i64: 1000, 16>}]} {
    %get3A = arith.constant 0 : index
    %get3A_0 = arith.constant 0 : index
    %get3A_1 = vector.load %arg1[%get3A, %get3A_0] : memref<1000x16xf32, #tpu.memory_space<vmem>>, vector<1000x16xf32>
    %reduce_max3A = arith.constant dense<0xFF800000> : vector<1000xf32>
    %reduce_max3A_2 = vector.multi_reduction <maximumf>, %get3A_1, %reduce_max3A [1] : vector<1000x16xf32> to vector<1000xf32>
    %broadcast_in_dim3A = vector.shape_cast %reduce_max3A_2 : vector<1000xf32> to vector<1000x1xf32>
    %sub3A = vector.broadcast %broadcast_in_dim3A : vector<1000x1xf32> to vector<1000x16xf32>
    %sub3A_3 = arith.subf %get3A_1, %sub3A : vector<1000x16xf32>
    %exp3A = math.exp %sub3A_3 : vector<1000x16xf32>
    %reduce_sum3A = arith.constant dense<0.000000e+00> : vector<1000xf32>
    %reduce_sum3A_4 = vector.multi_reduction <add>, %exp3A, %reduce_sum3A [1] : vector<1000x16xf32> to vector<1000xf32>
    %broadcast_in_dim3A_5 = vector.shape_cast %reduce_sum3A_4 : vector<1000xf32> to vector<1000x1xf32>
    %sub3A_6 = vector.broadcast %broadcast_in_dim3A : vector<1000x1xf32> to vector<1000x16xf32>
    %sub3A_7 = arith.subf %get3A_1, %sub3A_6 : vector<1000x16xf32>
    %log3A = math.log %broadcast_in_dim3A_5 : vector<1000x1xf32>
    %sub3A_8 = vector.broadcast %log3A : vector<1000x1xf32> to vector<1000x16xf32>
    %sub3A_9 = arith.subf %sub3A_7, %sub3A_8 : vector<1000x16xf32>
    %swap3A = arith.constant 0 : index
    %swap3A_10 = arith.constant 0 : index
    %swap3A_11 = vector.load %arg2[%swap3A, %swap3A_10] : memref<1000x16xf32, #tpu.memory_space<vmem>>, vector<1000x16xf32>
    tpu.vector_store %arg2[%swap3A, %swap3A_10], %sub3A_9 {strides = array<i32>} : memref<1000x16xf32, #tpu.memory_space<vmem>>, vector<1000x16xf32>,
    return
  }
  func.func @transform_0(%arg0: i32) -> (i32, i32) {
    %c0_i32 = arith.constant 0 : i32
    %c0_i32_0 = arith.constant 0 : i32
    return %arg0, %c0_i32 : i32, i32
  }
  func.func @transform_1(%arg0: i32) -> (i32, i32) {
    %c0_i32 = arith.constant 0 : i32
    %c0_i32_0 = arith.constant 0 : i32
    return %arg0, %c0_i32 : i32, i32
  }
}

</mosaic_0001>

<sc_bundles>
// kernel: bern_sc_prop.3.cloned.1.call-start
scs
__scs_entry_jumppad:
0x0: {  	(pc) =	sbr.rel $0x88, $3  }
0x1: {  	(tag) =	ssettag $0x0;
	lr =	simm.s32 $0x1  }
0x2: {  	[smem:$0x3F9A] =	sst lr;
	_ =	strace $0xD0000000  }
0x3: {  	_ = 	snop  }
0x4: {  	_ = 	snop  }
0x5: {  	_ = 	snop  }
0x6: {  	_ = 	snop  }
0x7: {  	_ = 	snop  }
__scs_overlays_trampoline_lowered:
0x8: {  	[smem:$0x3FA9] =	sst s0  }
0x9: {  	[smem:$0x3FAA] =	sst s1  }
0xa: {  	[smem:$0x3FAB] =	sst s2  }
0xb: {  	[smem:$0x3FAC] =	sst s3  }
0xc: {  	[smem:$0x3FAD] =	sst s4  }
0xd: {  	[smem:$0x3FAE] =	sst s5  }
0xe: {  	[smem:$0x3FAF] =	sst s6  }
0xf: {  	[smem:$0x3FB0] =	sst s7  }
0x10: {  	[smem:$0x3FB1] =	sst s8  }
0x11: {  	[smem:$0x3FB2] =	sst s9;
	s0 =	simm.s32 @!p0 $0x0  }
0x12: {  	s1 =	sld [smem:$0x3F98];
	s0 =	simm.s32 @p0 $0x1  }
0x13: {  	[smem:$0x3FB3] =	sst s0;
	s0 =	simm.s32 @!p1 $0x0  }
0x14: {  	s2 =	sld [smem:$0x3F97];
	s0 =	simm.s32 @p1 $0x1  }
0x15: {  	[smem:$0x3FB4] =	sst s0;
	s0 =	simm.s32 @!p2 $0x0  }
0x16: {  	s3 =	sld [smem:$0x3FDB];
	s0 =	simm.s32 @p2 $0x1  }
0x17: {  	s4 =	simm.s32 $0x1BF5;
	[smem:$0x3FB6] =	sst s0  }
0x18: {  	s0 =	sld [smem:$0x3F99];
	_ =	swait.ge [sflag:s4], $0x0  }
0x19: {  	s7 =	sld [smem:$0x3F9A]  }
0x1a: {  	s8 =	sadd.s32 $0xFFFFE003, lr  }
0x1b: {  	s9 =	sadd.s32 $0xFFFFFEF7, lr;
	s5 =	simm.s32 $0xFFFFFFFF;
	p2 =	slt.u32 s8, $0xFFFFF086  }
0x1c: {  	p1 =	slt.u32 s9, $0xF7A;
	s5 =	simm.s32 @!p2 $0x0  }
0x1d: {  	s5 =	simm.s32 @p1 $0x1;
	p0 =	seq.s32 s7, s2  }
0x1e: {  	s7 =	smul.u32 @!p0 $0xF7A, s2;
	p2 =	seq.s32 @!p0 s5, $0x0  }
0x1f: {  	s9 =	smul.u32 $0xF7A, s1;
	s8 =	simm.s32 @!p0 $0x1BF5;
	p2 =	por !p2, p0  }
0x20: {  	[sflag:s8] =	ssyncset.s32 @!p0 $0xFFFFF086;
	s6 =	sadd.s32 @!p0 s3, s7;
	s7 =	simm.s32 @!p0 $0x108  }
0x21: {  	s3 =	sadd.s32 s3, s9;
	s6 =	sadd.s32 @!p0 $0x88, s6;
	s7 =	simm.s32 @p2 $0x1082  }
0x22: {  	[simem:s7], [sflag:s8] =	dma.local @!p0 [hbm:s6], $0xF7A  }
0x23: {  	s9 =	sor.u32 $0xD0000000, s2;
	s6 =	simm.s32 $0x108;
	_ =	swait.ge @!p0 [sflag:s8], $0x0  }
0x24: {  	s3 =	sadd.s32 $0x88, s3;
	s6 =	simm.s32 @!p1 $0x1082;
	[sflag:s4] =	ssyncset.s32 $0xFFFFF086  }
0x25: {  	[simem:s6], [sflag:s4] =	dma.local [hbm:s3], $0xF7A  }
0x26: {  	[smem:$0x3F9A] =	sst s1;
	(tag) =	ssettag s2;
	_ =	strace s9  }
0x27: {  	s1 =	sld [smem:$0x3FAA]  }
0x28: {  	s2 =	sld [smem:$0x3FAB]  }
0x29: {  	s4 =	sld [smem:$0x3FAD]  }
0x2a: {  	p0 =	seq.s32 s5, $0x0;
	s5 =	sld [smem:$0x3FAE]  }
0x2b: {  	s6 =	sld [smem:$0x3FAF]  }
0x2c: {  	s7 =	sld [smem:$0x3FB0]  }
0x2d: {  	s3 =	simm.s32 $0x108;
	s8 =	sld [smem:$0x3FB1]  }
0x2e: {  	s3 =	simm.s32 @!p0 $0x1082;
	s9 =	sld [smem:$0x3FB2]  }
0x2f: {  	lr =	sadd.s32 s0, s3;
	s0 =	sld [smem:$0x3FA9]  }
0x30: {  	s3 =	sld [smem:$0x3FAC]  }
0x31: {  	[smem:$0x3FB5] =	sst s10  }
0x32: {  	s10 =	sld [smem:$0x3FB3];
	_ =	sdelay $0x3  }
0x33: {  	p0 =	seq.s32 s10, $0x1;
	s10 =	sld [smem:$0x3FB5];
	_ =	sdelay $0x3  }
0x34: {  	[smem:$0x3FB5] =	sst s10  }
0x35: {  	s10 =	sld [smem:$0x3FB4];
	_ =	sdelay $0x3  }
0x36: {  	p1 =	seq.s32 s10, $0x1;
	s10 =	sld [smem:$0x3FB5];
	_ =	sdelay $0x3  }
0x37: {  	[smem:$0x3FB5] =	sst s10  }
0x38: {  	s10 =	sld [smem:$0x3FB6]  }
0x39: {  	_ = 	snop;
	(pc) =	sbr.ind lr, $3  }
0x3a: {  	_ = 	snop  }
0x3b: {  	_ = 	snop  }
0x3c: {  	p2 =	seq.s32 s10, $0x1;
	s10 =	sld [smem:$0x3FB5]  }
0x3d: {  	_ =	shalt  }
0x3e: {  	_ =	shalt  }
0x3f: {  	_ =	shalt  }
0x40: {  	_ =	shalt  }
0x41: {  	_ =	shalt  }
0x42: {  	_ =	shalt  }
0x43: {  	_ =	shalt  }
0x44: {  	_ =	shalt  }
0x45: {  	_ =	shalt  }
0x46: {  	_ =	shalt  }
0x47: {  	_ =	shalt  }
0x48: {  	_ =	shalt  }
0x49: {  	_ =	shalt  }
0x4a: {  	_ =	shalt  }
0x4b: {  	_ =	shalt  }
0x4c: {  	_ =	shalt  }
0x4d: {  	_ =	shalt  }
0x4e: {  	_ =	shalt  }
0x4f: {  	_ =	shalt  }
0x50: {  	_ =	shalt  }
0x51: {  	_ =	shalt  }
0x52: {  	_ =	shalt  }
0x53: {  	_ =	shalt  }
0x54: {  	_ =	shalt  }
0x55: {  	_ =	shalt  }
0x56: {  	_ =	shalt  }
0x57: {  	_ =	shalt  }
0x58: {  	_ =	shalt  }
0x59: {  	_ =	shalt  }
0x5a: {  	_ =	shalt  }
0x5b: {  	_ =	shalt  }
0x5c: {  	_ =	shalt  }
0x5d: {  	_ =	shalt  }
0x5e: {  	_ =	shalt  }
0x5f: {  	_ =	shalt  }
0x60: {  	_ =	shalt  }
0x61: {  	_ =	shalt  }
0x62: {  	_ =	shalt  }
0x63: {  	_ =	shalt  }
0x64: {  	_ =	shalt  }
0x65: {  	_ =	shalt  }
0x66: {  	_ =	shalt  }
0x67: {  	_ =	shalt  }
0x68: {  	_ =	shalt  }
0x69: {  	_ =	shalt  }
0x6a: {  	_ =	shalt  }
0x6b: {  	_ =	shalt  }
0x6c: {  	_ =	shalt  }
0x6d: {  	_ =	shalt  }
0x6e: {  	_ =	shalt  }
0x6f: {  	_ =	shalt  }
0x70: {  	_ =	shalt  }
0x71: {  	_ =	shalt  }
0x72: {  	_ =	shalt  }
0x73: {  	_ =	shalt  }
0x74: {  	_ =	shalt  }
0x75: {  	_ =	shalt  }
0x76: {  	_ =	shalt  }
0x77: {  	_ =	shalt  }
0x78: {  	_ =	shalt  }
0x79: {  	_ =	shalt  }
0x7a: {  	_ =	shalt  }
0x7b: {  	_ =	shalt  }
0x7c: {  	_ =	shalt  }
0x7d: {  	_ =	shalt  }
0x7e: {  	_ =	shalt  }
0x7f: {  	_ =	shalt  }
0x80: {  	_ =	shalt  }
0x81: {  	_ =	shalt  }
0x82: {  	_ =	shalt  }
0x83: {  	_ =	shalt  }
0x84: {  	_ =	shalt  }
0x85: {  	_ =	shalt  }
0x86: {  	_ =	shalt  }
0x87: {  	_ =	shalt  }
.Lfunc_end0:
.L_simem_size_0:
called_computation_lowered:
.L_overlay_start_0:
0x88: {  	s2 =	sld [smem:$0x3FD9]  }
0x89: {  	s3 =	sld [smem:$0x3FFE];
	_ =	sdelay $0x1  }
0x8a: {  	s1 =	srdreg.scid  }
0x8b: {  	s0 =	sand.u32 $0x1, s1  }
0x8c: {  	s14 =	sshll.u32 s0, $0xA;
	s2 =	sadd.s32 s3, s2  }
0x8d: {  	s2 =	sadd.s32 s2, s14  }
0x8e: {  	[smem:$0x3FC1] =	sst s2  }
0x8f: {  	_ = 	snop  }
0x90: {  	s2 =	sld [smem:$0x3FD0];
	_ =	sdelay $0x2  }
0x91: {  	s15 =	simm.s32 $0xA;
	s4 =	simm.s32 $0x10  }
0x92: {  	[smem:s4], [sflag:s15] =	dma.local [hbm:s2], $0x1  }
0x93: {  	_ =	swait.eq [sflag:s15], $0x1  }
0x94: {  	[sflag:s15] =	ssyncset.done $0x0  }
0x95: {  	[sflag:s15] =	ssyncadd.s32 $0xFFFFFFFF  }
0x96: {  	s16 =	sld [smem:$0x10];
	(tm) =	ssettm $0x1  }
0x97: {  	s17 =	sld [smem:$0x3FFB];
	_ =	sdelay $0x3  }
0x98: {  	_ =	strace s17  }
0x99: {  	s3 =	sld [smem:$0x3FFC];
	_ =	sdelay $0x3  }
0x9a: {  	_ =	strace s3  }
0x9b: {  	s3 =	sld [smem:$0x3FFD];
	_ =	sdelay $0x3  }
0x9c: {  	_ =	strace s3  }
0x9d: {  	_ =	strace $0x8FFFFFFF  }
0x9e: {  	s18 =	sld [smem:$0x3FDB];
	_ =	sdelay $0x1  }
0x9f: {  	s19 =	simm.s32 $_scs_section_size  }
0xa0: {  	s5 =	simm.s32 $_size__tile_overlayer_lowered;
	s6 =	simm.s32 $_tile_overlayer_lowered  }
0xa1: {  	s22 =	simm.s32 $0x1BFF;
	s21 =	sshll.u32 s6, $0x1;
	s3 =	sadd.s32 s19, s18  }
0xa2: {  	s7 =	simm.s32 $0x0;
	s20 =	sshll.u32 s5, $0x1;
	s5 =	sadd.s32 s21, s3  }
0xa3: {  	[timem:s7], [sflag:s22] =	dma.local [hbm:s5], s20  }
0xa4: {  	_ =	swait.ge [sflag:s22], s20  }
0xa5: {  	s4 =	ssub.s32 $0x0, s20;
	[sflag:s22] =	ssyncset.done $0x0  }
0xa6: {  	[sflag:s22] =	ssyncadd.s32 s4;
	_ =	sdelay $0x1  }
0xa7: {  	s23 =	simm.s32 $0x1B8B  }
0xa8: {  	_ =	swait.ge [sflag:s23], $0x1  }
0xa9: {  	[sflag:s23] =	ssyncset.done $0x0  }
0xaa: {  	s25 =	simm.s32 $0x1B8E;
	s24 =	sld [smem:$0x3FFE];
	[sflag:s23] =	ssyncadd.s32 $0xFFFFFFFF  }
0xab: {  	s26 =	simm.s32 $execute0_lowered;
	[smem:$0x3FD2] =	sst s25  }
0xac: {  	s5 =	sshll.u32 s26, $0x1;
	_ =	strace $0x80000046;
	[dreg:$0x1] =	wrdreg $0xFFFFFFFF  }
0xad: {  	s28 =	simm.s32 $_size_execute0_lowered;
	s3 =	sadd.s32 s3, s5;
	[dreg:$0x0] =	wrdreg $0x0  }
0xae: {  	s5 =	sshll.u32 s28, $0x1;
	[dreg:$0x2] =	wrdreg s3  }
0xaf: {  	[dreg:$0x3] =	wrdreg s5  }
0xb0: {  	[dreg:$0x4] =	wrdreg $0xC0  }
0xb1: {  	_ =	task [dreg:s7], $0x5FFFF  }
0xb2: {  	[dreg:$0x1] =	wrdreg $0xFFFFFFFF  }
0xb3: {  	[dreg:$0x0] =	wrdreg $0x60  }
0xb4: {  	[dreg:$0x2] =	wrdreg s16  }
0xb5: {  	[dreg:$0x3] =	wrdreg s24  }
0xb6: {  	[dreg:$0x4] =	wrdreg $0x27800  }
0xb7: {  	[dreg:$0x5] =	wrdreg $0x0  }
0xb8: {  	[dreg:$0x6] =	wrdreg $0x9  }
0xb9: {  	_ =	task.clear_ibuf [dreg:s7], $0x7FFFF;
	_ =	strace $0x90000046  }
0xba: {  	s29 =	simm.s32 $0x9;
	_ =	strace $0x80000048  }
0xbb: {  	_ =	swait.ge [sflag:s29], $0x1  }
0xbc: {  	[sflag:s29] =	ssyncadd.s32 $0xFFFFFFFF  }
0xbd: {  	_ =	strace $0x90000048  }
0xbe: {  	_ =	sfence  }
0xbf: {  	s30 =	sld [smem:$0x0];
	_ =	sdelay $0x2  }
0xc0: {  	s31 =	sshll.u32 s1, $0xD;
	s1 =	sshrl.u32 s1, $0x2  }
0xc1: {  	s3 =	sand.u32 $0x4000, s31;
	s1 =	sadd.s32 s1, s30  }
0xc2: {  	s0 =	sor.u32 s3, s0;
	s1 =	sshll.u32 s1, $0x11  }
0xc3: {  	s0 =	sor.u32 s1, s0  }
0xc4: {  	s0 =	sadd.s32 $0x8F2B, s0  }
0xc5: {  	[sflag:s0] =	ssyncadd.remote.s32 $0x1  }
0xc6: {  	_ =	sfence.sel $0xFFFF  }
0xc7: {  	[dreg:$0x0] =	wrdreg $0xFFFFFFFF;
	(pc) =	sbr.abs _section_cstart, $3  }
0xc8: {  	[dreg:$0x1] =	wrdreg $0xFFFFFFFF  }
0xc9: {  	_ =	task.clear_ibuf [dreg:s7], $0x2FFFF;
	_ =	strace $0x9FFFFFFF  }
0xca: {  	(tm) =	ssettm $0x7FFFFFFF  }
0xcb: {  	_ =	shalt  }
tec
execute0_lowered:
.L_overlay_start_1:
0x0: {  	(tag) =	ssettag $0x1  }
0x1: {  	s0 =	rddreg [dreg:$0x0];
	s1 =	srdreg.scid  }
0x2: {  	s2 =	rddreg [dreg:$0x1];
	s11 =	stileid.u32  }
0x3: {  	s3 =	rddreg [dreg:$0x3];
	s6 =	simm.s32 $0x0;
	s30 =	simm.s32 $0x9F00  }
0x4: {  	s14 =	simm.s32 $0xC700;
	s31 =	simm.s32 $0xDF00;
	s13 =	simm.s32 $0xFF00  }
0x5: {  	s28 =	simm.s32 $0x2;
	s4 =	sand.u32 $0x1, s1;
	s1 =	rddreg [dreg:$0x2]  }
0x6: {  	s29 =	simm.s32 $0x4;
	[smem:$0x7FF] =	sst s6;
	s20 =	smul.u32 $0x2780, s11  }
0x7: {  	s15 =	sadd.s32 $0x15400, s2;
	s12 =	sadd.s32 $0x15600, s2;
	p0 =	sne.s32 s11, $0x0  }
0x8: {  	s6 =	simm.s32 $0xB700;
	s5 =	sshll.u32 s4, $0x4;
	_ =	strace $0x80000047  }
0x9: {  	[dreg:$0x6] =	wrdreg s15;
	s16 =	ssub.s32 $0x2, s4;
	s9 =	smul.u32 $0x27800, s4  }
0xa: {  	[dreg:$0x7] =	wrdreg s12;
	p1 =	sne.s32 s4, $0x0;
	s4 =	simm.s32 $0x1  }
0xb: {  	s15 =	simm.s32 $0x10700;
	s5 =	sor.u32 s11, s5;
	s7 =	sshrl.u32 s20, $0x3  }
0xc: {  	s8 =	sshrl.u32 s16, $0x1;
	s21 =	sadd.s32 s20, s1;
	s24 =	sadd.s32 s20, s3  }
0xd: {  	[dreg:$0x5] =	wrdreg s20;
	s5 =	smul.u32 $0x2800, s5;
	s10 =	sadd.s32 s7, s2  }
0xe: {  	s17 =	ssub.s32 s16, s8;
	s19 =	sadd.s32 s20, s9;
	[dreg:$0xb] =	wrdreg s21  }
0xf: {  	s22 =	sadd.s32 s12, s7;
	s0 =	sadd.s32 s0, s7;
	[dreg:$0x10] =	wrdreg s24  }
0x10: {  	s24 =	simm.s32 $0x80;
	s9 =	simm.s32 $0xBF00;
	[dreg:$0xa] =	wrdreg s19  }
0x11: {  	s21 =	simm.s32 $0xE700;
	s8 =	simm.s32 $0xF700;
	[dreg:$0xc] =	wrdreg s22  }
0x12: {  	s23 =	sadd.s32 $0x4F00, s22;
	[dreg:$0xf] =	wrdreg s0;
	s25 =	sadd.s32 $0x29200, s10  }
0x13: {  	s26 =	smax.u32 s17, $0x1;
	s0 =	simm.s32 $0xA700;
	[dreg:$0xe] =	wrdreg s23  }
0x14: {  	s22 =	simm.s32 $0xAF00;
	s17 =	simm.s32 $0xCF00;
	[dreg:$0x11] =	wrdreg s25  }
0x15: {  	s10 =	simm.s32 $0x0;
	s5 =	sshrl.u32 s5, $0x3;
	[dreg:$0x12] =	wrdreg s26  }
0x16: {  	s23 =	simm.s32 $0x6;
	s25 =	simm.s32 $0x11F00;
	s5 =	sadd.s32 s5, s2  }
0x17: {  	s26 =	simm.s32 $0x3;
	s18 =	sadd.s32 $0x1400, s5;
	s5 =	sadd.s32 $0xB400, s5  }
0x18: {  	s2 =	simm.s32 $0xEF00;
	[dreg:$0x9] =	wrdreg s5;
	s5 =	sshrl.u32 s19, $0x3  }
0x19: {  	[dreg:$0x8] =	wrdreg s18;
	s18 =	simm.s32 $0x10F00;
	s5 =	sadd.s32 s12, s5  }
0x1a: {  	v0 =	vimm.f32 $1.000000000e+00;
	v1 =	vimm.f32 $0.0e+00;
	s19 =	simm.s32 $0x11700;
	s12 =	simm.s32 $0xD700;
	[dreg:$0xd] =	wrdreg s5  }
.LBB2_1:
0x1b: {  	[dreg:$0x13] =	wrdreg s10  }
0x1c: {  	s5 =	simm.s32 $0x0;
	s7 =	rddreg [dreg:$0x8];
	s20 =	simm.s32 $0x4F00  }
0x1d: {  	[tilespmem:s20], [sflag:$0x6] =	stream.linear.gather [hbm4b:s7+s5], $0x2800, $0x38;
	[tilespmem:$0x1ED80] =	vst v63  }
0x1e: {  	_ =	swait.ge [sflag:s23], $0x2800  }
0x1f: {  	[sflag:s23] =	ssyncset.done $0x0  }
0x20: {  	s11 =	simm.s32 $0x7700;
	s10 =	rddreg [dreg:$0x9];
	[sflag:s23] =	ssyncadd.s32 $0xFFFFD800  }
0x21: {  	[tilespmem:s11], [sflag:$0x6] =	stream.linear.gather [hbm4b:s10+s5], $0x2800, $0x38;
	[tilespmem:$0x1ED80] =	vst v63  }
0x22: {  	_ =	swait.ge [sflag:s23], $0x2800  }
0x23: {  	[sflag:s23] =	ssyncset.done $0x0  }
0x24: {  	s20 =	simm.s32 $0x1EC80;
	s16 =	rddreg [dreg:$0x6];
	[sflag:s23] =	ssyncadd.s32 $0xFFFFD800  }
0x25: {  	[tilespmem:s20], [sflag:$0x6] =	stream.linear.gather [hbm4b:s16+s5], $0x100, $0x38;
	[tilespmem:$0x1ED80] =	vst v63  }
0x26: {  	_ =	swait.ge [sflag:s23], $0x100  }
0x27: {  	[sflag:s23] =	ssyncset.done $0x0  }
0x28: {  	s5 =	simm.s32 $0x0;
	[sflag:s23] =	ssyncadd.s32 $0xFFFFFF00  }
.LBB2_2:
0x29: {  	p2 =	sne.s32 s5, $0x1FC0  }
.Ltmp0:
0x2a: {  	_ = 	snop;
	(pc) =	sbr.rel @p2 .LBB2_2-.Ltmp0, $3  }
0x2b: {  	_ =	sdelay $0x1  }
0x2c: {  	s7 =	sshra.s32 s5, $0x2  }
0x2d: {  	s5 =	sadd.s32 $0x40, s5;
	[tilespmem:s7+$0x11F00] =	vst v0  }
0x2e: {  	s5 =	simm.s32 $0x40;
	s7 =	simm.s32 $0x0  }
.LBB2_4:
0x2f: {  	p2 =	sne.s32 s5, $0x9DC0;
	[tilespmem:s7+$0x12700] =	vst v1;
	s7 =	smov.u32 s5;
	s5 =	sadd.s32 $0x40, s5  }
.Ltmp1:
0x30: {  	(pc) =	sbr.rel @p2 .LBB2_4-.Ltmp1, $2  }
0x31: {  	_ =	sdelay $0x2  }
0x32: {  	s7 =	sshra.s32 s7, $0x2  }
0x33: {  	[tilespmem:s7+$0x12700] =	vst v1;
	s5 =	rddreg [dreg:$0xb];
	s10 =	simm.s32 $0x12700  }
0x34: {  	[spmem:s5] =	stream.linear.scatter [tilespmem:s10], [sflag:$0x6], $0x2780, $0x38;
	[tilespmem:$0x1ED80] =	vst v63  }
0x35: {  	_ =	swait.ge [sflag:s23], $0x2780  }
0x36: {  	[sflag:s23] =	ssyncset.done $0x0  }
0x37: {  	[sflag:s23] =	ssyncadd.s32 $0xFFFFD880  }
0x38: {  	s11 =	simm.s32 $0x4F00;
	[bflag:$0x0] =	sbarrier.arrive $0xFFFF  }
0x39: {  	[spmem:s1] =	stream.indirect.scatter.add.f32 [tilespmem:s25], [sflag:$0x3], $0x10, s11, s24, $0xb8;
	[tilespmem:$0x1ED80] =	vst v63  }
0x3a: {  	s16 =	simm.s32 $0x4F80  }
0x3b: {  	[spmem:s1] =	stream.indirect.scatter.add.f32 [tilespmem:s25], [sflag:$0x3], $0x10, s16, s24, $0xb8;
	[tilespmem:$0x1ED80] =	vst v63  }
0x3c: {  	s20 =	simm.s32 $0x5000  }
0x3d: {  	[spmem:s1] =	stream.indirect.scatter.add.f32 [tilespmem:s25], [sflag:$0x3], $0x10, s20, s24, $0xb8;
	[tilespmem:$0x1ED80] =	vst v63  }
0x3e: {  	s7 =	simm.s32 $0x5080  }
0x3f: {  	[spmem:s1] =	stream.indirect.scatter.add.f32 [tilespmem:s25], [sflag:$0x3], $0x10, s7, s24, $0xb8;
	[tilespmem:$0x1ED80] =	vst v63  }
0x40: {  	s10 =	simm.s32 $0x5100  }
0x41: {  	[spmem:s1] =	stream.indirect.scatter.add.f32 [tilespmem:s25], [sflag:$0x3], $0x10, s10, s24, $0xb8;
	[tilespmem:$0x1ED80] =	vst v63  }
0x42: {  	s11 =	simm.s32 $0x5180  }
0x43: {  	[spmem:s1] =	stream.indirect.scatter.add.f32 [tilespmem:s25], [sflag:$0x3], $0x10, s11, s24, $0xb8;
	[tilespmem:$0x1ED80] =	vst v63  }
0x44: {  	s16 =	simm.s32 $0x5200  }
0x45: {  	[spmem:s1] =	stream.indirect.scatter.add.f32 [tilespmem:s25], [sflag:$0x3], $0x10, s16, s24, $0xb8;
	[tilespmem:$0x1ED80] =	vst v63  }
0x46: {  	s20 =	simm.s32 $0x5280  }
0x47: {  	[spmem:s1] =	stream.indirect.scatter.add.f32 [tilespmem:s25], [sflag:$0x3], $0x10, s20, s24, $0xb8;
	[tilespmem:$0x1ED80] =	vst v63  }
0x48: {  	_ =	swait.ge [sflag:s26], $0x800  }
0x49: {  	[sflag:s26] =	ssyncset.done $0x0  }
0x4a: {  	[sflag:s26] =	ssyncadd.s32 $0xFFFFF800  }
0x4b: {  	_ =	swait.ge [sflag:s26], $0x800  }
0x4c: {  	[sflag:s26] =	ssyncset.done $0x0  }
0x4d: {  	[sflag:s26] =	ssyncadd.s32 $0xFFFFF800  }
0x4e: {  	_ =	swait.ge [sflag:s26], $0x800  }
0x4f: {  	[sflag:s26] =	ssyncset.done $0x0  }
0x50: {  	[sflag:s26] =	ssyncadd.s32 $0xFFFFF800  }
0x51: {  	_ =	swait.ge [sflag:s26], $0x800  }
0x52: {  	[sflag:s26] =	ssyncset.done $0x0  }
0x53: {  	[sflag:s26] =	ssyncadd.s32 $0xFFFFF800  }
0x54: {  	_ =	swait.ge [sflag:s26], $0x800  }
0x55: {  	[sflag:s26] =	ssyncset.done $0x0  }
0x56: {  	[sflag:s26] =	ssyncadd.s32 $0xFFFFF800  }
0x57: {  	_ =	swait.ge [sflag:s26], $0x800  }
0x58: {  	[sflag:s26] =	ssyncset.done $0x0  }
0x59: {  	[sflag:s26] =	ssyncadd.s32 $0xFFFFF800  }
0x5a: {  	_ =	swait.ge [sflag:s26], $0x800  }
0x5b: {  	[sflag:s26] =	ssyncset.done $0x0  }
0x5c: {  	[sflag:s26] =	ssyncadd.s32 $0xFFFFF800  }
0x5d: {  	_ =	swait.ge [sflag:s26], $0x800  }
0x5e: {  	s7 =	simm.s32 $0x400;
	s11 =	simm.s32 $0x2000;
	[sflag:s26] =	ssyncset.done $0x0  }
.LBB2_6:
0x5f: {  	s16 =	sadd.s32 $0x4F00, s7  }
0x60: {  	[sflag:s26] =	ssyncadd.s32 $0xFFFFF800;
	s10 =	smov.u32 s11;
	s5 =	sadd.s32 $0x1000, s11  }
0x61: {  	[spmem:s1] =	stream.indirect.scatter.add.f32 [tilespmem:s25], [sflag:$0x3], $0x10, s16, s24, $0xb8;
	[tilespmem:$0x1ED80] =	vst v63  }
0x62: {  	p2 =	sne.s32 s11, $0x9000;
	s11 =	sadd.s32 $0x4F80, s7  }
0x63: {  	[spmem:s1] =	stream.indirect.scatter.add.f32 [tilespmem:s25], [sflag:$0x3], $0x10, s11, s24, $0xb8;
	[tilespmem:$0x1ED80] =	vst v63  }
0x64: {  	s11 =	sadd.s32 $0x5000, s7  }
0x65: {  	[spmem:s1] =	stream.indirect.scatter.add.f32 [tilespmem:s25], [sflag:$0x3], $0x10, s11, s24, $0xb8;
	[tilespmem:$0x1ED80] =	vst v63  }
0x66: {  	s11 =	sadd.s32 $0x5080, s7  }
0x67: {  	[spmem:s1] =	stream.indirect.scatter.add.f32 [tilespmem:s25], [sflag:$0x3], $0x10, s11, s24, $0xb8;
	[tilespmem:$0x1ED80] =	vst v63  }
0x68: {  	s11 =	sadd.s32 $0x5100, s7  }
0x69: {  	[spmem:s1] =	stream.indirect.scatter.add.f32 [tilespmem:s25], [sflag:$0x3], $0x10, s11, s24, $0xb8;
	[tilespmem:$0x1ED80] =	vst v63  }
0x6a: {  	s11 =	sadd.s32 $0x5180, s7  }
0x6b: {  	[spmem:s1] =	stream.indirect.scatter.add.f32 [tilespmem:s25], [sflag:$0x3], $0x10, s11, s24, $0xb8;
	[tilespmem:$0x1ED80] =	vst v63  }
0x6c: {  	s11 =	sadd.s32 $0x5200, s7  }
0x6d: {  	[spmem:s1] =	stream.indirect.scatter.add.f32 [tilespmem:s25], [sflag:$0x3], $0x10, s11, s24, $0xb8;
	[tilespmem:$0x1ED80] =	vst v63  }
0x6e: {  	s7 =	sadd.s32 $0x5280, s7  }
0x6f: {  	[spmem:s1] =	stream.indirect.scatter.add.f32 [tilespmem:s25], [sflag:$0x3], $0x10, s7, s24, $0xb8;
	[tilespmem:$0x1ED80] =	vst v63  }
0x70: {  	_ =	swait.ge [sflag:s26], $0x800  }
0x71: {  	[sflag:s26] =	ssyncset.done $0x0  }
0x72: {  	[sflag:s26] =	ssyncadd.s32 $0xFFFFF800  }
0x73: {  	_ =	swait.ge [sflag:s26], $0x800  }
0x74: {  	[sflag:s26] =	ssyncset.done $0x0  }
0x75: {  	[sflag:s26] =	ssyncadd.s32 $0xFFFFF800  }
0x76: {  	_ =	swait.ge [sflag:s26], $0x800  }
0x77: {  	[sflag:s26] =	ssyncset.done $0x0  }
0x78: {  	[sflag:s26] =	ssyncadd.s32 $0xFFFFF800  }
0x79: {  	_ =	swait.ge [sflag:s26], $0x800  }
0x7a: {  	[sflag:s26] =	ssyncset.done $0x0  }
0x7b: {  	[sflag:s26] =	ssyncadd.s32 $0xFFFFF800  }
0x7c: {  	_ =	swait.ge [sflag:s26], $0x800  }
0x7d: {  	[sflag:s26] =	ssyncset.done $0x0  }
0x7e: {  	[sflag:s26] =	ssyncadd.s32 $0xFFFFF800  }
0x7f: {  	_ =	swait.ge [sflag:s26], $0x800  }
0x80: {  	[sflag:s26] =	ssyncset.done $0x0  }
0x81: {  	[sflag:s26] =	ssyncadd.s32 $0xFFFFF800  }
.Ltmp2:
0x82: {  	_ =	swait.ge [sflag:s26], $0x800;
	(pc) =	sbr.rel @p2 .LBB2_6-.Ltmp2, $4  }
0x83: {  	[sflag:s26] =	ssyncset.done $0x0  }
0x84: {  	[sflag:s26] =	ssyncadd.s32 $0xFFFFF800  }
0x85: {  	_ =	swait.ge [sflag:s26], $0x800  }
0x86: {  	s11 =	smov.u32 s5;
	s7 =	sshra.s32 s10, $0x2;
	[sflag:s26] =	ssyncset.done $0x0  }
0x87: {  	s5 =	sadd.s32 $0x4F00, s7;
	[sflag:s26] =	ssyncadd.s32 $0xFFFFF800  }
0x88: {  	[spmem:s1] =	stream.indirect.scatter.add.f32 [tilespmem:s25], [sflag:$0x3], $0x10, s5, s24, $0xb8;
	[tilespmem:$0x1ED80] =	vst v63  }
0x89: {  	s20 =	sadd.s32 $0x4F80, s7  }
0x8a: {  	[spmem:s1] =	stream.indirect.scatter.add.f32 [tilespmem:s25], [sflag:$0x3], $0x10, s20, s24, $0xb8;
	[tilespmem:$0x1ED80] =	vst v63  }
0x8b: {  	s10 =	sadd.s32 $0x5000, s7  }
0x8c: {  	[spmem:s1] =	stream.indirect.scatter.add.f32 [tilespmem:s25], [sflag:$0x3], $0x10, s10, s24, $0xb8;
	[tilespmem:$0x1ED80] =	vst v63  }
0x8d: {  	s11 =	sadd.s32 $0x5080, s7  }
0x8e: {  	[spmem:s1] =	stream.indirect.scatter.add.f32 [tilespmem:s25], [sflag:$0x3], $0x10, s11, s24, $0xb8;
	[tilespmem:$0x1ED80] =	vst v63  }
0x8f: {  	s16 =	sadd.s32 $0x5100, s7  }
0x90: {  	[spmem:s1] =	stream.indirect.scatter.add.f32 [tilespmem:s25], [sflag:$0x3], $0x10, s16, s24, $0xb8;
	[tilespmem:$0x1ED80] =	vst v63  }
0x91: {  	s20 =	sadd.s32 $0x5180, s7  }
0x92: {  	[spmem:s1] =	stream.indirect.scatter.add.f32 [tilespmem:s25], [sflag:$0x3], $0x10, s20, s24, $0xb8;
	[tilespmem:$0x1ED80] =	vst v63  }
0x93: {  	s10 =	sadd.s32 $0x5200, s7  }
0x94: {  	[spmem:s1] =	stream.indirect.scatter.add.f32 [tilespmem:s25], [sflag:$0x3], $0x10, s10, s24, $0xb8;
	[tilespmem:$0x1ED80] =	vst v63  }
0x95: {  	s11 =	sadd.s32 $0x5280, s7  }
0x96: {  	[spmem:s1] =	stream.indirect.scatter.add.f32 [tilespmem:s25], [sflag:$0x3], $0x10, s11, s24, $0xb8;
	[tilespmem:$0x1ED80] =	vst v63  }
0x97: {  	_ =	swait.ge [sflag:s26], $0x800  }
0x98: {  	[sflag:s26] =	ssyncset.done $0x0  }
0x99: {  	[sflag:s26] =	ssyncadd.s32 $0xFFFFF800  }
0x9a: {  	_ =	swait.ge [sflag:s26], $0x800  }
0x9b: {  	[sflag:s26] =	ssyncset.done $0x0  }
0x9c: {  	[sflag:s26] =	ssyncadd.s32 $0xFFFFF800  }
0x9d: {  	_ =	swait.ge [sflag:s26], $0x800  }
0x9e: {  	[sflag:s26] =	ssyncset.done $0x0  }
0x9f: {  	[sflag:s26] =	ssyncadd.s32 $0xFFFFF800  }
0xa0: {  	_ =	swait.ge [sflag:s26], $0x800  }
0xa1: {  	[sflag:s26] =	ssyncset.done $0x0  }
0xa2: {  	[sflag:s26] =	ssyncadd.s32 $0xFFFFF800  }
0xa3: {  	_ =	swait.ge [sflag:s26], $0x800  }
0xa4: {  	[sflag:s26] =	ssyncset.done $0x0  }
0xa5: {  	[sflag:s26] =	ssyncadd.s32 $0xFFFFF800  }
0xa6: {  	_ =	swait.ge [sflag:s26], $0x800  }
0xa7: {  	[sflag:s26] =	ssyncset.done $0x0  }
0xa8: {  	[sflag:s26] =	ssyncadd.s32 $0xFFFFF800  }
0xa9: {  	_ =	swait.ge [sflag:s26], $0x800  }
0xaa: {  	[sflag:s26] =	ssyncset.done $0x0  }
0xab: {  	[sflag:s26] =	ssyncadd.s32 $0xFFFFF800  }
0xac: {  	_ =	swait.ge [sflag:s26], $0x800  }
0xad: {  	[sflag:s26] =	ssyncset.done $0x0  }
0xae: {  	[sflag:s26] =	ssyncadd.s32 $0xFFFFF800  }
0xaf: {  	s16 =	stileid.u32;
	[bflag:$0x0] =	sbarrier.arrive $0xFFFF  }
0xb0: {  	s5 =	sshll.u32 s16, $0x6;
	s10 =	rddreg [dreg:$0xb]  }
0xb1: {  	s20 =	sor.u32 $0x1C06, s5;
	s11 =	rddreg [dreg:$0xd]  }
0xb2: {  	[dreg:$0x14] =	wrdreg s20;
	s10 =	sshrl.u32 s10, $0x3  }
0xb3: {  	[dreg:$0x15] =	wrdreg s10  }
0xb4: {  	[hbm:s11], [sflag:s20] =	dma.local [spmem:s10], $0x4F0  }
0xb5: {  	_ =	swait.ge [sflag:s23], $0x4F0  }
0xb6: {  	[sflag:s23] =	ssyncset.done $0x0  }
0xb7: {  	[sflag:s23] =	ssyncadd.s32 $0xFFFFFB10  }
0xb8: {  	s5 =	simm.s32 @!p0 $0x5;
	[bflag:$0x0] =	sbarrier.arrive $0xFFFF  }
0xb9: {  	[sflag:s5] =	ssyncadd.s32 @!p0 $0x1  }
0xba: {  	_ =	swait.ge @!p0 [sflag:s5], $0x1  }
0xbb: {  	[sflag:s5] =	ssyncset.done @!p0 $0x0  }
0xbc: {  	[sflag:s5] =	ssyncadd.s32 @!p0 $0xFFFFFFFF  }
0xbd: {  	[bflag:$0x0] =	sbarrier.arrive $0xFFFF  }
0xbe: {  	s20 =	simm.s32 $0x12700;
	s5 =	simm.s32 $0x0;
	s16 =	rddreg [dreg:$0xc]  }
0xbf: {  	[tilespmem:s20], [sflag:$0x6] =	stream.linear.gather [hbm4b:s16+s5], $0x2780, $0x38;
	[tilespmem:$0x1ED80] =	vst v63  }
0xc0: {  	_ =	swait.ge [sflag:s23], $0x2780  }
0xc1: {  	[sflag:s23] =	ssyncset.done $0x0  }
0xc2: {  	s11 =	simm.s32 $0x14E80;
	s10 =	rddreg [dreg:$0xe];
	[sflag:s23] =	ssyncadd.s32 $0xFFFFD880  }
0xc3: {  	[tilespmem:s11], [sflag:$0x6] =	stream.linear.gather [hbm4b:s10+s5], $0x2780, $0x38;
	[tilespmem:$0x1ED80] =	vst v63  }
0xc4: {  	_ =	swait.ge [sflag:s23], $0x2780  }
0xc5: {  	[sflag:s23] =	ssyncset.done $0x0  }
0xc6: {  	s20 =	simm.s32 $0x17600;
	s16 =	rddreg [dreg:$0xf];
	[sflag:s23] =	ssyncadd.s32 $0xFFFFD880  }
0xc7: {  	[tilespmem:s20], [sflag:$0x6] =	stream.linear.gather [hbm4b:s16+s5], $0x2780, $0x38;
	[tilespmem:$0x1ED80] =	vst v63  }
0xc8: {  	_ =	swait.ge [sflag:s23], $0x2780  }
0xc9: {  	[sflag:s23] =	ssyncset.done $0x0  }
0xca: {  	s10 =	simm.s32 $0x0;
	[sflag:s23] =	ssyncadd.s32 $0xFFFFD880  }
0xcb: {  	v3 =	vld [tilespmem:s10+$0x12700]  }
0xcc: {  	v4 =	vld [tilespmem:s10+$0x14E80];
	_ =	sdelay $0x4  }
0xcd: {  	v18 =	vadd.f32 v4, v3  }
0xce: {  	s23 =	simm.s32 $0x10;
	v2 =	vld [tilespmem:$0x1EC80];
	[tilespmem:s10+$0x12700] =	vst v1  }
0xcf: {  	v6 =	vld [tilespmem:s23+$0x14E80];
	v4 =	vshrl.u32 v18, $0x1;
	v5 =	vmul.f32 $5.000000000e-01, v18  }
0xd0: {  	v3 =	vld [tilespmem:s23+$0x12700];
	v8 =	vsub.s32 $0x5F3759DF, v4  }
0xd1: {  	v4 =	vmul.f32 v8, v5;
	_ =	sdelay $0x1  }
0xd2: {  	v7 =	vmul.f32 v8, v4;
	_ =	sdelay $0x1  }
0xd3: {  	s16 =	simm.s32 $0x20;
	[tilespmem:s23+$0x12700] =	vst v1;
	v4 =	vadd.f32 v6, v3;
	v3 =	vsub.f32 $1.500000000e+00, v7  }
0xd4: {  	v6 =	vld [tilespmem:s16+$0x12700]  }
0xd5: {  	v9 =	vshrl.u32 v4, $0x1;
	v7 =	vmul.f32 $5.000000000e-01, v4;
	v8 =	vmul.f32 v8, v3;
	v3 =	vld [tilespmem:s16+$0x14E80]  }
0xd6: {  	v9 =	vsub.s32 $0x5F3759DF, v9  }
0xd7: {  	v10 =	vmul.f32 v9, v7;
	v11 =	vmul.f32 v8, v5;
	_ =	sdelay $0x1  }
0xd8: {  	v10 =	vmul.f32 v9, v10;
	v11 =	vmul.f32 v11, v8  }
0xd9: {  	v3 =	vadd.f32 v3, v6  }
0xda: {  	s11 =	simm.s32 $0x30;
	[tilespmem:s16+$0x12700] =	vst v1;
	v10 =	vsub.f32 $1.500000000e+00, v10;
	v11 =	vsub.f32 $1.500000000e+00, v11  }
0xdb: {  	v12 =	vld [tilespmem:s11+$0x12700];
	v13 =	vshrl.u32 v3, $0x1;
	v6 =	vmul.f32 $5.000000000e-01, v3  }
0xdc: {  	v9 =	vmul.f32 v9, v10;
	v10 =	vld [tilespmem:s11+$0x14E80];
	v13 =	vsub.s32 $0x5F3759DF, v13;
	v15 =	vmul.f32 v11, v8  }
0xdd: {  	v8 =	vmul.f32 v13, v6  }
0xde: {  	v11 =	vmul.f32 v9, v7;
	v5 =	vmul.f32 v15, v5  }
0xdf: {  	v8 =	vmul.f32 v13, v8  }
0xe0: {  	v14 =	vmul.f32 v11, v9;
	v16 =	vmul.f32 v5, v15  }
0xe1: {  	s5 =	simm.s32 $0x40;
	[tilespmem:s11+$0x12700] =	vst v1;
	v5 =	vadd.f32 v10, v12;
	v10 =	vsub.f32 $1.500000000e+00, v8  }
0xe2: {  	v11 =	vld [tilespmem:s5+$0x12700];
	v17 =	vsub.f32 $1.500000000e+00, v14;
	v16 =	vsub.f32 $1.500000000e+00, v16  }
0xe3: {  	v12 =	vshrl.u32 v5, $0x1;
	v8 =	vmul.f32 $5.000000000e-01, v5;
	v13 =	vmul.f32 v13, v10;
	v10 =	vld [tilespmem:s10+$0x17600]  }
0xe4: {  	v14 =	vld [tilespmem:s5+$0x14E80];
	v9 =	vmul.f32 v17, v9;
	v12 =	vsub.s32 $0x5F3759DF, v12;
	v16 =	vmul.f32 v16, v15  }
0xe5: {  	s7 =	simm.s32 $0x140;
	vm0 =	vge.f32 v18, $5.000000000e-01;
	[tilespmem:s5+$0x12700] =	vst v1;
	v17 =	vmul.f32 v12, v8;
	v15 =	vmul.f32 v13, v6  }
.LBB2_8:
0xe6: {  	p2 =	sne.s32 s7, $0x9DC0;
	v18 =	vmul.f32 v9, v7;
	v16 =	vnsel vm0, $0x0, v16;
	v19 =	vmovc v5;
	v7 =	vmovc v6;
	v6 =	vmov v8;
	s20 =	smov.u32 s7;
	s7 =	sadd.s32 $0x40, s7  }
0xe7: {  	v8 =	vmul.f32 v12, v17;
	v15 =	vmul.f32 v15, v13;
	[tilespmem:s10+$0x19D80] =	vst v16;
	v17 =	vmov v13  }
0xe8: {  	v13 =	vmul.f32 v18, v9;
	v16 =	vmul.f32 v16, v10  }
.Ltmp3:
0xe9: {  	s20 =	sshra.s32 s20, $0x2;
	v18 =	vmul.f32 v10, v2;
	v5 =	vadd.f32 v14, v11;
	v14 =	vsub.f32 $1.500000000e+00, v8;
	(pc) =	sbr.rel @p2 .LBB2_8-.Ltmp3, $4  }
0xea: {  	v15 =	vsub.f32 $1.500000000e+00, v15;
	v11 =	vld [tilespmem:s20+$0x12700];
	v20 =	vsub.f32 $1.500000000e+00, v13;
	[tilespmem:s10+$0x17600] =	vst v16  }
0xeb: {  	v16 =	vshrl.u32 v5, $0x1;
	v8 =	vmul.f32 $5.000000000e-01, v5;
	v13 =	vmul.f32 v12, v14;
	v10 =	vld [tilespmem:s23+$0x17600];
	[tilespmem:s10+$0x1C500] =	vst v18;
	s10 =	smov.u32 s23;
	s23 =	smov.u32 s16;
	s16 =	smov.u32 s11  }
0xec: {  	s11 =	smov.u32 s5;
	s5 =	smov.u32 s20;
	v14 =	vld [tilespmem:s20+$0x14E80];
	[tilespmem:s20+$0x12700] =	vst v1;
	v12 =	vsub.s32 $0x5F3759DF, v16;
	v16 =	vmul.f32 v20, v9;
	v9 =	vmul.f32 v15, v17  }
0xed: {  	vm0 =	vge.f32 v4, $5.000000000e-01;
	v4 =	vmovc v3;
	v3 =	vmovc v19;
	v17 =	vmul.f32 v12, v8;
	v15 =	vmul.f32 v13, v6  }
0xee: {  	_ = 	snop  }
0xef: {  	v7 =	vmul.f32 v9, v7;
	v16 =	vnsel vm0, $0x0, v16  }
0xf0: {  	v17 =	vmul.f32 v12, v17;
	v18 =	vmul.f32 v16, v10  }
0xf1: {  	[tilespmem:s10+$0x19D80] =	vst v16;
	v15 =	vmul.f32 v15, v13;
	v7 =	vmul.f32 v7, v9  }
0xf2: {  	v11 =	vadd.f32 v14, v11;
	v40 =	vsub.f32 $1.500000000e+00, v17;
	[tilespmem:s10+$0x17600] =	vst v18  }
0xf3: {  	v15 =	vsub.f32 $1.500000000e+00, v15;
	v7 =	vsub.f32 $1.500000000e+00, v7;
	v16 =	vld [tilespmem:s23+$0x17600]  }
0xf4: {  	v41 =	vshrl.u32 v11, $0x1;
	v42 =	vmul.f32 v12, v40;
	v43 =	vmul.f32 $5.000000000e-01, v11  }
0xf5: {  	v44 =	vmul.f32 v15, v13;
	v17 =	vsub.s32 $0x5F3759DF, v41;
	v7 =	vmul.f32 v7, v9  }
0xf6: {  	vm12 =	vge.f32 v4, $5.000000000e-01;
	v45 =	vmul.f32 v10, v2;
	v46 =	vmul.f32 v17, v43  }
0xf7: {  	v47 =	vmul.f32 v42, v8;
	v6 =	vmul.f32 v44, v6;
	v7 =	vnsel vm12, $0x0, v7  }
0xf8: {  	[tilespmem:s10+$0x1C500] =	vst v45;
	v48 =	vmul.f32 v17, v46;
	v49 =	vmul.f32 v7, v16  }
0xf9: {  	v4 =	vmul.f32 v47, v42;
	[tilespmem:s23+$0x19D80] =	vst v7;
	v6 =	vmul.f32 v6, v44  }
0xfa: {  	v50 =	vsub.f32 $1.500000000e+00, v48;
	[tilespmem:s23+$0x17600] =	vst v49  }
0xfb: {  	v4 =	vsub.f32 $1.500000000e+00, v4;
	v6 =	vsub.f32 $1.500000000e+00, v6;
	v51 =	vld [tilespmem:s16+$0x17600]  }
0xfc: {  	v7 =	vmul.f32 v17, v50  }
0xfd: {  	v4 =	vmul.f32 v4, v42;
	v6 =	vmul.f32 v6, v44  }
0xfe: {  	vm13 =	vge.f32 v3, $5.000000000e-01;
	v52 =	vmul.f32 v16, v2  }
0xff: {  	v3 =	vmul.f32 v7, v43;
	v53 =	vmul.f32 v4, v8;
	v6 =	vnsel vm13, $0x0, v6  }
0x100: {  	[tilespmem:s23+$0x1C500] =	vst v52;
	v54 =	vmul.f32 v6, v51  }
0x101: {  	[tilespmem:s16+$0x19D80] =	vst v6;
	v3 =	vmul.f32 v3, v7;
	v55 =	vmul.f32 v53, v4  }
0x102: {  	[tilespmem:s16+$0x17600] =	vst v54  }
0x103: {  	v3 =	vsub.f32 $1.500000000e+00, v3;
	v6 =	vsub.f32 $1.500000000e+00, v55;
	v56 =	vld [tilespmem:s11+$0x17600];
	_ =	sdelay $0x1  }
0x104: {  	v3 =	vmul.f32 v3, v7;
	v4 =	vmul.f32 v6, v4  }
0x105: {  	vm14 =	vge.f32 v5, $5.000000000e-01;
	v57 =	vmul.f32 v51, v2  }
0x106: {  	v58 =	vmul.f32 v3, v43;
	v4 =	vnsel vm14, $0x0, v4  }
0x107: {  	[tilespmem:s16+$0x1C500] =	vst v57;
	v59 =	vmul.f32 v4, v56  }
0x108: {  	[tilespmem:s11+$0x19D80] =	vst v4;
	v60 =	vmul.f32 v58, v3  }
0x109: {  	[tilespmem:s11+$0x17600] =	vst v59  }
0x10a: {  	v4 =	vsub.f32 $1.500000000e+00, v60;
	v61 =	vld [tilespmem:s5+$0x17600];
	_ =	sdelay $0x1  }
0x10b: {  	v3 =	vmul.f32 v4, v3  }
0x10c: {  	vm15 =	vge.f32 v11, $5.000000000e-01;
	v62 =	vmul.f32 v56, v2  }
0x10d: {  	v3 =	vnsel vm15, $0x0, v3  }
0x10e: {  	[tilespmem:s11+$0x1C500] =	vst v62;
	v63 =	vmul.f32 v3, v61  }
0x10f: {  	[tilespmem:s5+$0x19D80] =	vst v3;
	v2 =	vmul.f32 v61, v2  }
0x110: {  	[tilespmem:s5+$0x17600] =	vst v63  }
0x111: {  	s7 =	simm.s32 $0x17600;
	s16 =	simm.s32 $0x6;
	s11 =	rddreg [dreg:$0x10];
	[tilespmem:s5+$0x1C500] =	vst v2  }
0x112: {  	[spmem:s11] =	stream.linear.scatter [tilespmem:s7], [sflag:$0x6], $0x2780, $0x38;
	[tilespmem:$0x1ED80] =	vst v63  }
0x113: {  	_ =	swait.ge [sflag:s16], $0x2780  }
0x114: {  	[sflag:s16] =	ssyncset.done $0x0  }
0x115: {  	s23 =	simm.s32 $0x12700;
	s20 =	rddreg [dreg:$0xb];
	[sflag:s16] =	ssyncadd.s32 $0xFFFFD880  }
0x116: {  	[spmem:s20] =	stream.linear.scatter [tilespmem:s23], [sflag:$0x6], $0x2780, $0x38;
	[tilespmem:$0x1ED80] =	vst v63  }
0x117: {  	_ =	swait.ge [sflag:s16], $0x2780  }
0x118: {  	[sflag:s16] =	ssyncset.done $0x0  }
0x119: {  	[sflag:s16] =	ssyncadd.s32 $0xFFFFD880  }
0x11a: {  	[bflag:$0x0] =	sbarrier.arrive $0xFFFF  }
0x11b: {  	s16 =	simm.s32 $0x1;
	s20 =	rddreg [dreg:$0x5]  }
.LBB2_10:
0x11c: {  	s5 =	simm.s32 $0x4F00  }
0x11d: {  	[tilespmem:s30], [sflag:$0x1] =	stream.indirect.gather [spmem:s3], $0x10, s5, s24, $0xb8;
	[tilespmem:$0x1ED80] =	vst v63  }
0x11e: {  	s10 =	simm.s32 $0x4F80  }
0x11f: {  	[tilespmem:s0], [sflag:$0x1] =	stream.indirect.gather [spmem:s3], $0x10, s10, s24, $0xb8;
	[tilespmem:$0x1ED80] =	vst v63  }
0x120: {  	s11 =	simm.s32 $0x5000  }
0x121: {  	[tilespmem:s22], [sflag:$0x1] =	stream.indirect.gather [spmem:s3], $0x10, s11, s24, $0xb8;
	[tilespmem:$0x1ED80] =	vst v63  }
0x122: {  	s23 =	simm.s32 $0x5080  }
0x123: {  	[tilespmem:s6], [sflag:$0x1] =	stream.indirect.gather [spmem:s3], $0x10, s23, s24, $0xb8;
	[tilespmem:$0x1ED80] =	vst v63  }
0x124: {  	s7 =	simm.s32 $0x5100  }
0x125: {  	[tilespmem:s9], [sflag:$0x1] =	stream.indirect.gather [spmem:s3], $0x10, s7, s24, $0xb8;
	[tilespmem:$0x1ED80] =	vst v63  }
0x126: {  	s10 =	simm.s32 $0x5180  }
0x127: {  	[tilespmem:s14], [sflag:$0x1] =	stream.indirect.gather [spmem:s3], $0x10, s10, s24, $0xb8;
	[tilespmem:$0x1ED80] =	vst v63  }
0x128: {  	s11 =	simm.s32 $0x5200  }
0x129: {  	[tilespmem:s17], [sflag:$0x1] =	stream.indirect.gather [spmem:s3], $0x10, s11, s24, $0xb8;
	[tilespmem:$0x1ED80] =	vst v63  }
0x12a: {  	s23 =	simm.s32 $0x5280  }
0x12b: {  	[tilespmem:s12], [sflag:$0x1] =	stream.indirect.gather [spmem:s3], $0x10, s23, s24, $0xb8;
	[tilespmem:$0x1ED80] =	vst v63  }
0x12c: {  	s23 =	simm.s32 $0x0  }
.LBB2_11:
0x12d: {  	_ =	swait.ge [sflag:s4], $0x800  }
0x12e: {  	[sflag:s4] =	ssyncset.done $0x0  }
0x12f: {  	[sflag:s4] =	ssyncadd.s32 $0xFFFFF800  }
0x130: {  	_ =	swait.ge [sflag:s4], $0x800  }
0x131: {  	[sflag:s4] =	ssyncset.done $0x0  }
0x132: {  	[sflag:s4] =	ssyncadd.s32 $0xFFFFF800  }
0x133: {  	_ =	swait.ge [sflag:s4], $0x800  }
0x134: {  	[sflag:s4] =	ssyncset.done $0x0  }
0x135: {  	[sflag:s4] =	ssyncadd.s32 $0xFFFFF800  }
0x136: {  	_ =	swait.ge [sflag:s4], $0x800  }
0x137: {  	[sflag:s4] =	ssyncset.done $0x0  }
0x138: {  	[sflag:s4] =	ssyncadd.s32 $0xFFFFF800  }
0x139: {  	_ =	swait.ge [sflag:s4], $0x800  }
0x13a: {  	[sflag:s4] =	ssyncset.done $0x0  }
0x13b: {  	[sflag:s4] =	ssyncadd.s32 $0xFFFFF800  }
0x13c: {  	_ =	swait.ge [sflag:s4], $0x800  }
0x13d: {  	[sflag:s4] =	ssyncset.done $0x0  }
0x13e: {  	[sflag:s4] =	ssyncadd.s32 $0xFFFFF800  }
0x13f: {  	_ =	swait.ge [sflag:s4], $0x800  }
0x140: {  	[sflag:s4] =	ssyncset.done $0x0  }
0x141: {  	[sflag:s4] =	ssyncadd.s32 $0xFFFFF800  }
0x142: {  	_ =	swait.ge [sflag:s4], $0x800  }
0x143: {  	s5 =	sshra.s32 s23, $0x2;
	[sflag:s4] =	ssyncset.done $0x0  }
0x144: {  	s7 =	sadd.s32 $0x7700, s5;
	[sflag:s4] =	ssyncadd.s32 $0xFFFFF800  }
0x145: {  	[spmem:s1] =	stream.indirect.scatter.add.f32 [tilespmem:s30], [sflag:$0x3], $0x10, s7, s24, $0xb8;
	[tilespmem:$0x1ED80] =	vst v63  }
0x146: {  	s11 =	sadd.s32 $0x7780, s5  }
0x147: {  	[spmem:s1] =	stream.indirect.scatter.add.f32 [tilespmem:s0], [sflag:$0x3], $0x10, s11, s24, $0xb8;
	[tilespmem:$0x1ED80] =	vst v63  }
0x148: {  	s10 =	sadd.s32 $0x7800, s5  }
0x149: {  	[spmem:s1] =	stream.indirect.scatter.add.f32 [tilespmem:s22], [sflag:$0x3], $0x10, s10, s24, $0xb8;
	[tilespmem:$0x1ED80] =	vst v63  }
0x14a: {  	s11 =	sadd.s32 $0x7880, s5  }
0x14b: {  	[spmem:s1] =	stream.indirect.scatter.add.f32 [tilespmem:s6], [sflag:$0x3], $0x10, s11, s24, $0xb8;
	[tilespmem:$0x1ED80] =	vst v63  }
0x14c: {  	s10 =	sadd.s32 $0x7900, s5  }
0x14d: {  	[spmem:s1] =	stream.indirect.scatter.add.f32 [tilespmem:s9], [sflag:$0x3], $0x10, s10, s24, $0xb8;
	[tilespmem:$0x1ED80] =	vst v63  }
0x14e: {  	s11 =	sadd.s32 $0x7980, s5  }
0x14f: {  	[spmem:s1] =	stream.indirect.scatter.add.f32 [tilespmem:s14], [sflag:$0x3], $0x10, s11, s24, $0xb8;
	[tilespmem:$0x1ED80] =	vst v63  }
0x150: {  	p2 =	seq.s32 s23, $0x0;
	s10 =	sadd.s32 $0x7A00, s5  }
0x151: {  	[spmem:s1] =	stream.indirect.scatter.add.f32 [tilespmem:s17], [sflag:$0x3], $0x10, s10, s24, $0xb8;
	[tilespmem:$0x1ED80] =	vst v63  }
0x152: {  	s7 =	simm.s32 @!p2 $0x4;
	s11 =	sadd.s32 $0x7A80, s5  }
0x153: {  	[spmem:s1] =	stream.indirect.scatter.add.f32 [tilespmem:s12], [sflag:$0x3], $0x10, s11, s24, $0xb8;
	[tilespmem:$0x1ED80] =	vst v63  }
0x154: {  	_ =	swait.ge @!p2 [sflag:s7], $0x800  }
0x155: {  	[sflag:s7] =	ssyncset.done @!p2 $0x0  }
0x156: {  	[sflag:s7] =	ssyncadd.s32 @!p2 $0xFFFFF800  }
0x157: {  	_ =	swait.ge @!p2 [sflag:s7], $0x800  }
0x158: {  	[sflag:s7] =	ssyncset.done @!p2 $0x0  }
0x159: {  	[sflag:s7] =	ssyncadd.s32 @!p2 $0xFFFFF800  }
0x15a: {  	_ =	swait.ge @!p2 [sflag:s7], $0x800  }
0x15b: {  	[sflag:s7] =	ssyncset.done @!p2 $0x0  }
0x15c: {  	[sflag:s7] =	ssyncadd.s32 @!p2 $0xFFFFF800  }
0x15d: {  	_ =	swait.ge @!p2 [sflag:s7], $0x800  }
0x15e: {  	[sflag:s7] =	ssyncset.done @!p2 $0x0  }
0x15f: {  	[sflag:s7] =	ssyncadd.s32 @!p2 $0xFFFFF800  }
0x160: {  	_ =	swait.ge @!p2 [sflag:s7], $0x800  }
0x161: {  	[sflag:s7] =	ssyncset.done @!p2 $0x0  }
0x162: {  	[sflag:s7] =	ssyncadd.s32 @!p2 $0xFFFFF800  }
0x163: {  	_ =	swait.ge @!p2 [sflag:s7], $0x800  }
0x164: {  	[sflag:s7] =	ssyncset.done @!p2 $0x0  }
0x165: {  	[sflag:s7] =	ssyncadd.s32 @!p2 $0xFFFFF800  }
0x166: {  	_ =	swait.ge @!p2 [sflag:s7], $0x800  }
0x167: {  	[sflag:s7] =	ssyncset.done @!p2 $0x0  }
0x168: {  	[sflag:s7] =	ssyncadd.s32 @!p2 $0xFFFFF800  }
0x169: {  	_ =	swait.ge @!p2 [sflag:s7], $0x800  }
0x16a: {  	[sflag:s7] =	ssyncset.done @!p2 $0x0  }
0x16b: {  	s10 =	sadd.s32 $0x5300, s5;
	[sflag:s7] =	ssyncadd.s32 @!p2 $0xFFFFF800  }
0x16c: {  	[tilespmem:s31], [sflag:$0x2] =	stream.indirect.gather [spmem:s3], $0x10, s10, s24, $0xb8;
	[tilespmem:$0x1ED80] =	vst v63  }
0x16d: {  	s11 =	sadd.s32 $0x5380, s5  }
0x16e: {  	[tilespmem:s21], [sflag:$0x2] =	stream.indirect.gather [spmem:s3], $0x10, s11, s24, $0xb8;
	[tilespmem:$0x1ED80] =	vst v63  }
0x16f: {  	s10 =	sadd.s32 $0x5400, s5  }
0x170: {  	[tilespmem:s2], [sflag:$0x2] =	stream.indirect.gather [spmem:s3], $0x10, s10, s24, $0xb8;
	[tilespmem:$0x1ED80] =	vst v63  }
0x171: {  	s11 =	sadd.s32 $0x5480, s5  }
0x172: {  	[tilespmem:s8], [sflag:$0x2] =	stream.indirect.gather [spmem:s3], $0x10, s11, s24, $0xb8;
	[tilespmem:$0x1ED80] =	vst v63  }
0x173: {  	s10 =	sadd.s32 $0x5500, s5  }
0x174: {  	[tilespmem:s13], [sflag:$0x2] =	stream.indirect.gather [spmem:s3], $0x10, s10, s24, $0xb8;
	[tilespmem:$0x1ED80] =	vst v63  }
0x175: {  	s11 =	sadd.s32 $0x5580, s5  }
0x176: {  	[tilespmem:s15], [sflag:$0x2] =	stream.indirect.gather [spmem:s3], $0x10, s11, s24, $0xb8;
	[tilespmem:$0x1ED80] =	vst v63  }
0x177: {  	s10 =	sadd.s32 $0x5600, s5  }
0x178: {  	[tilespmem:s18], [sflag:$0x2] =	stream.indirect.gather [spmem:s3], $0x10, s10, s24, $0xb8;
	[tilespmem:$0x1ED80] =	vst v63  }
0x179: {  	s11 =	sadd.s32 $0x5680, s5  }
0x17a: {  	[tilespmem:s19], [sflag:$0x2] =	stream.indirect.gather [spmem:s3], $0x10, s11, s24, $0xb8;
	[tilespmem:$0x1ED80] =	vst v63  }
0x17b: {  	_ =	swait.ge [sflag:s28], $0x800  }
0x17c: {  	[sflag:s28] =	ssyncset.done $0x0  }
0x17d: {  	[sflag:s28] =	ssyncadd.s32 $0xFFFFF800  }
0x17e: {  	_ =	swait.ge [sflag:s28], $0x800  }
0x17f: {  	[sflag:s28] =	ssyncset.done $0x0  }
0x180: {  	[sflag:s28] =	ssyncadd.s32 $0xFFFFF800  }
0x181: {  	_ =	swait.ge [sflag:s28], $0x800  }
0x182: {  	[sflag:s28] =	ssyncset.done $0x0  }
0x183: {  	[sflag:s28] =	ssyncadd.s32 $0xFFFFF800  }
0x184: {  	_ =	swait.ge [sflag:s28], $0x800  }
0x185: {  	[sflag:s28] =	ssyncset.done $0x0  }
0x186: {  	[sflag:s28] =	ssyncadd.s32 $0xFFFFF800  }
0x187: {  	_ =	swait.ge [sflag:s28], $0x800  }
0x188: {  	[sflag:s28] =	ssyncset.done $0x0  }
0x189: {  	[sflag:s28] =	ssyncadd.s32 $0xFFFFF800  }
0x18a: {  	_ =	swait.ge [sflag:s28], $0x800  }
0x18b: {  	[sflag:s28] =	ssyncset.done $0x0  }
0x18c: {  	[sflag:s28] =	ssyncadd.s32 $0xFFFFF800  }
0x18d: {  	_ =	swait.ge [sflag:s28], $0x800  }
0x18e: {  	[sflag:s28] =	ssyncset.done $0x0  }
0x18f: {  	[sflag:s28] =	ssyncadd.s32 $0xFFFFF800  }
0x190: {  	_ =	swait.ge [sflag:s28], $0x800  }
0x191: {  	[sflag:s28] =	ssyncset.done $0x0  }
0x192: {  	s10 =	sadd.s32 $0x7B00, s5;
	[sflag:s28] =	ssyncadd.s32 $0xFFFFF800  }
0x193: {  	[spmem:s1] =	stream.indirect.scatter.add.f32 [tilespmem:s31], [sflag:$0x4], $0x10, s10, s24, $0xb8;
	[tilespmem:$0x1ED80] =	vst v63  }
0x194: {  	s11 =	sadd.s32 $0x7B80, s5  }
0x195: {  	[spmem:s1] =	stream.indirect.scatter.add.f32 [tilespmem:s21], [sflag:$0x4], $0x10, s11, s24, $0xb8;
	[tilespmem:$0x1ED80] =	vst v63  }
0x196: {  	s10 =	sadd.s32 $0x7C00, s5  }
0x197: {  	[spmem:s1] =	stream.indirect.scatter.add.f32 [tilespmem:s2], [sflag:$0x4], $0x10, s10, s24, $0xb8;
	[tilespmem:$0x1ED80] =	vst v63  }
0x198: {  	s11 =	sadd.s32 $0x7C80, s5  }
0x199: {  	[spmem:s1] =	stream.indirect.scatter.add.f32 [tilespmem:s8], [sflag:$0x4], $0x10, s11, s24, $0xb8;
	[tilespmem:$0x1ED80] =	vst v63  }
0x19a: {  	s10 =	sadd.s32 $0x7D00, s5  }
0x19b: {  	[spmem:s1] =	stream.indirect.scatter.add.f32 [tilespmem:s13], [sflag:$0x4], $0x10, s10, s24, $0xb8;
	[tilespmem:$0x1ED80] =	vst v63  }
0x19c: {  	s11 =	sadd.s32 $0x7D80, s5  }
0x19d: {  	[spmem:s1] =	stream.indirect.scatter.add.f32 [tilespmem:s15], [sflag:$0x4], $0x10, s11, s24, $0xb8;
	[tilespmem:$0x1ED80] =	vst v63  }
0x19e: {  	s10 =	sadd.s32 $0x7E00, s5  }
0x19f: {  	[spmem:s1] =	stream.indirect.scatter.add.f32 [tilespmem:s18], [sflag:$0x4], $0x10, s10, s24, $0xb8;
	[tilespmem:$0x1ED80] =	vst v63  }
0x1a0: {  	s11 =	sadd.s32 $0x7E80, s5  }
0x1a1: {  	[spmem:s1] =	stream.indirect.scatter.add.f32 [tilespmem:s19], [sflag:$0x4], $0x10, s11, s24, $0xb8;
	[tilespmem:$0x1ED80] =	vst v63  }
0x1a2: {  	_ =	swait.ge [sflag:s26], $0x800  }
0x1a3: {  	[sflag:s26] =	ssyncset.done $0x0  }
0x1a4: {  	[sflag:s26] =	ssyncadd.s32 $0xFFFFF800  }
0x1a5: {  	_ =	swait.ge [sflag:s26], $0x800  }
0x1a6: {  	[sflag:s26] =	ssyncset.done $0x0  }
0x1a7: {  	[sflag:s26] =	ssyncadd.s32 $0xFFFFF800  }
0x1a8: {  	_ =	swait.ge [sflag:s26], $0x800  }
0x1a9: {  	[sflag:s26] =	ssyncset.done $0x0  }
0x1aa: {  	[sflag:s26] =	ssyncadd.s32 $0xFFFFF800  }
0x1ab: {  	_ =	swait.ge [sflag:s26], $0x800  }
0x1ac: {  	[sflag:s26] =	ssyncset.done $0x0  }
0x1ad: {  	[sflag:s26] =	ssyncadd.s32 $0xFFFFF800  }
0x1ae: {  	_ =	swait.ge [sflag:s26], $0x800  }
0x1af: {  	[sflag:s26] =	ssyncset.done $0x0  }
0x1b0: {  	[sflag:s26] =	ssyncadd.s32 $0xFFFFF800  }
0x1b1: {  	_ =	swait.ge [sflag:s26], $0x800  }
0x1b2: {  	[sflag:s26] =	ssyncset.done $0x0  }
0x1b3: {  	[sflag:s26] =	ssyncadd.s32 $0xFFFFF800  }
0x1b4: {  	p2 =	seq.s32 s23, $0x8000;
	_ =	swait.ge [sflag:s26], $0x800  }
.Ltmp4:
0x1b5: {  	[sflag:s26] =	ssyncset.done $0x0;
	(pc) =	sbr.rel @p2 .LBB2_13-.Ltmp4, $4  }
0x1b6: {  	[sflag:s26] =	ssyncadd.s32 $0xFFFFF800  }
0x1b7: {  	_ =	swait.ge [sflag:s26], $0x800  }
0x1b8: {  	[sflag:s26] =	ssyncset.done $0x0  }
0x1b9: {  	[sflag:s26] =	ssyncadd.s32 $0xFFFFF800  }
0x1ba: {  	s7 =	sadd.s32 $0x5700, s5  }
0x1bb: {  	[tilespmem:s30], [sflag:$0x1] =	stream.indirect.gather [spmem:s3], $0x10, s7, s24, $0xb8;
	[tilespmem:$0x1ED80] =	vst v63  }
0x1bc: {  	s11 =	sadd.s32 $0x5780, s5  }
0x1bd: {  	[tilespmem:s0], [sflag:$0x1] =	stream.indirect.gather [spmem:s3], $0x10, s11, s24, $0xb8;
	[tilespmem:$0x1ED80] =	vst v63  }
0x1be: {  	s10 =	sadd.s32 $0x5800, s5  }
0x1bf: {  	[tilespmem:s22], [sflag:$0x1] =	stream.indirect.gather [spmem:s3], $0x10, s10, s24, $0xb8;
	[tilespmem:$0x1ED80] =	vst v63  }
0x1c0: {  	s11 =	sadd.s32 $0x5880, s5  }
0x1c1: {  	[tilespmem:s6], [sflag:$0x1] =	stream.indirect.gather [spmem:s3], $0x10, s11, s24, $0xb8;
	[tilespmem:$0x1ED80] =	vst v63  }
0x1c2: {  	s10 =	sadd.s32 $0x5900, s5  }
0x1c3: {  	[tilespmem:s9], [sflag:$0x1] =	stream.indirect.gather [spmem:s3], $0x10, s10, s24, $0xb8;
	[tilespmem:$0x1ED80] =	vst v63  }
0x1c4: {  	s11 =	sadd.s32 $0x5980, s5  }
0x1c5: {  	[tilespmem:s14], [sflag:$0x1] =	stream.indirect.gather [spmem:s3], $0x10, s11, s24, $0xb8;
	[tilespmem:$0x1ED80] =	vst v63  }
.Ltmp5:
0x1c6: {  	_ = 	snop;
	(pc) =	sbr.rel .LBB2_11-.Ltmp5, $4  }
0x1c7: {  	s10 =	sadd.s32 $0x5A00, s5  }
0x1c8: {  	[tilespmem:s17], [sflag:$0x1] =	stream.indirect.gather [spmem:s3], $0x10, s10, s24, $0xb8;
	[tilespmem:$0x1ED80] =	vst v63  }
0x1c9: {  	s23 =	sadd.s32 $0x2000, s23;
	s11 =	sadd.s32 $0x5A80, s5  }
0x1ca: {  	[tilespmem:s12], [sflag:$0x1] =	stream.indirect.gather [spmem:s3], $0x10, s11, s24, $0xb8;
	[tilespmem:$0x1ED80] =	vst v63  }
.LBB2_13:
0x1cb: {  	_ =	swait.ge [sflag:s29], $0x800  }
0x1cc: {  	[sflag:s29] =	ssyncset.done $0x0  }
0x1cd: {  	[sflag:s29] =	ssyncadd.s32 $0xFFFFF800  }
0x1ce: {  	_ =	swait.ge [sflag:s29], $0x800  }
0x1cf: {  	[sflag:s29] =	ssyncset.done $0x0  }
0x1d0: {  	[sflag:s29] =	ssyncadd.s32 $0xFFFFF800  }
0x1d1: {  	_ =	swait.ge [sflag:s29], $0x800  }
0x1d2: {  	[sflag:s29] =	ssyncset.done $0x0  }
0x1d3: {  	[sflag:s29] =	ssyncadd.s32 $0xFFFFF800  }
0x1d4: {  	_ =	swait.ge [sflag:s29], $0x800  }
0x1d5: {  	[sflag:s29] =	ssyncset.done $0x0  }
0x1d6: {  	[sflag:s29] =	ssyncadd.s32 $0xFFFFF800  }
0x1d7: {  	_ =	swait.ge [sflag:s29], $0x800  }
0x1d8: {  	[sflag:s29] =	ssyncset.done $0x0  }
0x1d9: {  	[sflag:s29] =	ssyncadd.s32 $0xFFFFF800  }
0x1da: {  	_ =	swait.ge [sflag:s29], $0x800  }
0x1db: {  	[sflag:s29] =	ssyncset.done $0x0  }
0x1dc: {  	[sflag:s29] =	ssyncadd.s32 $0xFFFFF800  }
0x1dd: {  	_ =	swait.ge [sflag:s29], $0x800  }
0x1de: {  	[sflag:s29] =	ssyncset.done $0x0  }
0x1df: {  	[sflag:s29] =	ssyncadd.s32 $0xFFFFF800  }
0x1e0: {  	_ =	swait.ge [sflag:s29], $0x800  }
0x1e1: {  	s5 =	sand.u32 $0x1, s16;
	[sflag:s29] =	ssyncset.done $0x0  }
0x1e2: {  	p2 =	seq.s32 s5, $0x1;
	s5 =	simm.s32 $0x4F000;
	[sflag:s29] =	ssyncadd.s32 $0xFFFFF800  }
0x1e3: {  	s5 =	simm.s32 @!p2 $0x0;
	s7 =	rddreg [dreg:$0xa];
	[bflag:$0x0] =	sbarrier.arrive $0xFFFF  }
0x1e4: {  	s7 =	sadd.s32 s5, s7;
	s10 =	rddreg [dreg:$0x7]  }
0x1e5: {  	s7 =	sshrl.u32 s7, $0x3;
	s11 =	rddreg [dreg:$0x14]  }
0x1e6: {  	s23 =	rddreg [dreg:$0x15];
	s7 =	sadd.s32 s10, s7  }
0x1e7: {  	[hbm:s7], [sflag:s11] =	dma.local [spmem:s23], $0x4F0  }
0x1e8: {  	s23 =	simm.s32 $0x6  }
0x1e9: {  	_ =	swait.ge [sflag:s23], $0x4F0  }
0x1ea: {  	[sflag:s23] =	ssyncset.done $0x0  }
0x1eb: {  	[sflag:s23] =	ssyncadd.s32 $0xFFFFFB10  }
0x1ec: {  	s7 =	simm.s32 @!p0 $0x5;
	[bflag:$0x0] =	sbarrier.arrive $0xFFFF  }
0x1ed: {  	[sflag:s7] =	ssyncadd.s32 @!p0 $0x1  }
0x1ee: {  	s5 =	sadd.s32 s20, s5;
	_ =	swait.ge @!p0 [sflag:s7], $0x1  }
0x1ef: {  	s5 =	sshrl.u32 s5, $0x3;
	[sflag:s7] =	ssyncset.done @!p0 $0x0  }
0x1f0: {  	s5 =	sadd.s32 s10, s5;
	[sflag:s7] =	ssyncadd.s32 @!p0 $0xFFFFFFFF  }
0x1f1: {  	s11 =	simm.s32 $0x12700;
	s7 =	simm.s32 $0x0;
	[bflag:$0x0] =	sbarrier.arrive $0xFFFF  }
0x1f2: {  	[tilespmem:s11], [sflag:$0x6] =	stream.linear.gather [hbm4b:s5+s7], $0x2780, $0x38;
	[tilespmem:$0x1ED80] =	vst v63  }
0x1f3: {  	_ =	swait.ge [sflag:s23], $0x2780  }
0x1f4: {  	[sflag:s23] =	ssyncset.done $0x0  }
0x1f5: {  	s5 =	sadd.s32 $0x4F00, s5;
	s11 =	simm.s32 $0x14E80;
	[sflag:s23] =	ssyncadd.s32 $0xFFFFD880  }
0x1f6: {  	[tilespmem:s11], [sflag:$0x6] =	stream.linear.gather [hbm4b:s5+s7], $0x2780, $0x38;
	[tilespmem:$0x1ED80] =	vst v63  }
0x1f7: {  	_ =	swait.ge [sflag:s23], $0x2780  }
0x1f8: {  	s11 =	sshll.u32 s16, $0x4;
	[sflag:s23] =	ssyncset.done $0x0  }
0x1f9: {  	s5 =	sand.u32 $0x3FFFFFF0, s11;
	[sflag:s23] =	ssyncadd.s32 $0xFFFFD880  }
0x1fa: {  	v2 =	vld [tilespmem:s5+$0x1EC80];
	s5 =	simm.s32 $0x0  }
0x1fb: {  	v4 =	vld [tilespmem:s5+$0x19D80]  }
0x1fc: {  	v6 =	vld [tilespmem:s5+$0x12700]  }
0x1fd: {  	v7 =	vld [tilespmem:s5+$0x14E80];
	_ =	sdelay $0x3  }
0x1fe: {  	v5 =	vld [tilespmem:s5+$0x1C500]  }
0x1ff: {  	s7 =	simm.s32 $0x10;
	[tilespmem:s5+$0x12700] =	vst v1;
	v8 =	vmul.f32 v4, v2;
	v9 =	vadd.f32 v7, v6;
	v10 =	vmul.f32 v4, v4  }
0x200: {  	v3 =	vld [tilespmem:s7+$0x19D80]  }
0x201: {  	v4 =	vld [tilespmem:s7+$0x12700];
	v7 =	vmul.f32 v8, v9;
	v8 =	vmul.f32 v10, v9  }
0x202: {  	s10 =	simm.s32 $0x80;
	v6 =	vld [tilespmem:s7+$0x14E80];
	[tilespmem:s7+$0x12700] =	vst v1  }
.LBB2_14:
0x203: {  	p2 =	sne.s32 s10, $0x9DC0;
	v5 =	vadd.f32 v7, v5;
	[tilespmem:s5+$0x17600] =	vst v8;
	s11 =	smov.u32 s10;
	s10 =	sadd.s32 $0x40, s10  }
0x204: {  	_ = 	snop  }
0x205: {  	v7 =	vmul.f32 v3, v2;
	[tilespmem:s5+$0x1C500] =	vst v5;
	s5 =	smov.u32 s7  }
.Ltmp6:
0x206: {  	v5 =	vld [tilespmem:s5+$0x1C500];
	(pc) =	sbr.rel @p2 .LBB2_14-.Ltmp6, $4  }
0x207: {  	s7 =	sshra.s32 s11, $0x2;
	v8 =	vmul.f32 v3, v3;
	v6 =	vadd.f32 v6, v4  }
0x208: {  	v3 =	vld [tilespmem:s7+$0x19D80]  }
0x209: {  	v4 =	vld [tilespmem:s7+$0x12700];
	v7 =	vmul.f32 v7, v6;
	v8 =	vmul.f32 v8, v6  }
0x20a: {  	v6 =	vld [tilespmem:s7+$0x14E80];
	[tilespmem:s7+$0x12700] =	vst v1  }
0x20b: {  	v5 =	vadd.f32 v7, v5  }
0x20c: {  	[tilespmem:s5+$0x17600] =	vst v8  }
0x20d: {  	[tilespmem:s5+$0x1C500] =	vst v5  }
0x20e: {  	v5 =	vld [tilespmem:s7+$0x1C500]  }
0x20f: {  	v2 =	vmul.f32 v3, v2;
	v4 =	vadd.f32 v6, v4  }
0x210: {  	v3 =	vmul.f32 v3, v3  }
0x211: {  	v2 =	vmul.f32 v2, v4  }
0x212: {  	v3 =	vmul.f32 v3, v4  }
0x213: {  	v2 =	vadd.f32 v2, v5  }
0x214: {  	[tilespmem:s7+$0x17600] =	vst v3  }
0x215: {  	s10 =	rddreg [dreg:$0x10];
	s11 =	simm.s32 $0x17600;
	[tilespmem:s7+$0x1C500] =	vst v2  }
0x216: {  	[spmem:s10] =	stream.linear.scatter [tilespmem:s11], [sflag:$0x6], $0x2780, $0x38;
	[tilespmem:$0x1ED80] =	vst v63  }
0x217: {  	s16 =	sadd.s32 $0x1, s16;
	_ =	swait.ge [sflag:s23], $0x2780  }
0x218: {  	p2 =	sne.s32 s16, $0xB;
	[sflag:s23] =	ssyncset.done $0x0  }
0x219: {  	s11 =	simm.s32 $0x12700;
	s10 =	rddreg [dreg:$0xb];
	[sflag:s23] =	ssyncadd.s32 $0xFFFFD880  }
0x21a: {  	[spmem:s10] =	stream.linear.scatter [tilespmem:s11], [sflag:$0x6], $0x2780, $0x38;
	[tilespmem:$0x1ED80] =	vst v63  }
.Ltmp7:
0x21b: {  	_ =	swait.ge [sflag:s23], $0x2780;
	(pc) =	sbr.rel @p2 .LBB2_10-.Ltmp7, $3  }
0x21c: {  	[sflag:s23] =	ssyncset.done $0x0  }
0x21d: {  	[sflag:s23] =	ssyncadd.s32 $0xFFFFD880  }
0x21e: {  	[bflag:$0x0] =	sbarrier.arrive $0xFFFF;
	_ =	sdelay $0x1  }
0x21f: {  	s5 =	simm.s32 @!p1 $0x0;
	s7 =	simm.s32 @!p1 $0x1C500;
	s10 =	rddreg [dreg:$0x11]  }
0x220: {  	[hbm4b:s10+s5] =	stream.linear.scatter @!p1 [tilespmem:s7], [sflag:$0x6], $0x2780, $0x38;
	[tilespmem:$0x1ED80] =	vst v63  }
0x221: {  	s5 =	simm.s32 @!p1 $0x6  }
0x222: {  	_ =	swait.ge @!p1 [sflag:s5], $0x2780  }
0x223: {  	s16 =	rddreg [dreg:$0x13]  }
0x224: {  	s20 =	rddreg [dreg:$0x12];
	s10 =	sadd.s32 $0x1, s16  }
0x225: {  	p2 =	sne.s32 s10, s20  }
.Ltmp8:
0x226: {  	_ = 	snop;
	(pc) =	sbr.rel @p2 .LBB2_1-.Ltmp8, $3  }
0x227: {  	_ =	sdelay $0x1  }
0x228: {  	[sflag:s5] =	ssyncset.done @!p1 $0x0  }
0x229: {  	[sflag:s5] =	ssyncadd.s32 @!p1 $0xFFFFD880  }
0x22a: {  	_ =	sfence.sel $0x180000  }
0x22b: {  	[bflag:$0x0] =	sbarrier.arrive $0xFFFF  }
0x22c: {  	_ =	strace $0x90000047  }
0x22d: {  	[bflag:$0x2] =	sbarrier.arrive $0xFFFF  }
0x22e: {  	s0 =	rddreg [dreg:$0x4]  }
0x22f: {  	s0 =	sadd.s32 @!p0 $0x100000, s0  }
0x230: {  	[sflag:s0] =	ssyncadd.tile.s32 @!p0 $0x1;
	_ =	shalt  }
.Lfunc_end2:
_tile_overlayer_lowered:
.L_overlay_start_2:
0x231: {  	(tag) =	ssettag $0x2  }
0x232: {  	s0 =	rddreg [dreg:$0x0];
	s2 =	stileid.u32  }
0x233: {  	s1 =	rddreg [dreg:$0x1];
	p0 =	sne.s32 s2, $0x0  }
0x234: {  	s3 =	rddreg [dreg:$0x2];
	[bflag:$0x3] =	sbarrier.arrive $0xFFFF;
	s2 =	simm.s32 @!p0 $0x1C06  }
0x235: {  	[timem:s3], [sflag:s2] =	dma.local @!p0 [hbm:s0], s1  }
0x236: {  	s0 =	simm.s32 @!p0 $0x6  }
0x237: {  	_ =	swait.ge @!p0 [sflag:s0], s1  }
0x238: {  	s1 =	ssub.s32 @!p0 $0x0, s1;
	[sflag:s0] =	ssyncset.done @!p0 $0x0  }
0x239: {  	[sflag:s0] =	ssyncadd.s32 @!p0 s1  }
0x23a: {  	[bflag:$0x3] =	sbarrier.arrive $0xFFFF  }
0x23b: {  	_ =	shalt  }

</sc_bundles>
